<compile_context>
chip_gen: v7x
topology: tpu7x:2x2x1
jax: 0.10.2.dev20260603
libtpu: 0.0.44.dev20260713+nightly
codegen_flags: <defaults>
</compile_context>

<pallas_src>
import dataclasses
import functools

import jax
import jax.numpy as jnp
from jax import lax
from jax.experimental import pallas as pl
from jax.experimental.pallas import tpu as pltpu
from jax.experimental.pallas import tpu_sc as plsc

_P = 5.0
_A = 10.0

_NC = 2
_NS = 16
_W = 1280


def _sc_segment_sums(x, pos, neg, n_pad):
    v_nodes = x.shape[0]
    e_edges = pos.shape[1]
    assert e_edges % _W == 0
    total_chunks = e_edges // _W
    bins_per_tile = n_pad // _NS

    mesh = plsc.VectorSubcoreMesh(core_axis_name="c", subcore_axis_name="s")
    cp = pltpu.CompilerParams()
    if "needs_layout_passes" in pltpu.CompilerParams.__dataclass_fields__:
        cp = dataclasses.replace(cp, needs_layout_passes=False)

    @functools.partial(
        pl.kernel,
        out_type=(
            jax.ShapeDtypeStruct((_NC * n_pad,), jnp.float32),
            jax.ShapeDtypeStruct((_NC * n_pad,), jnp.float32),
        ),
        mesh=mesh,
        compiler_params=cp,
        scratch_types=[
            pltpu.VMEM((v_nodes,), jnp.float32),
        ] + [pltpu.VMEM((_W,), jnp.int32) for _ in range(6)]
          + [pltpu.VMEM((_W,), jnp.float32) for _ in range(6)]
          + [
            pltpu.VMEM((bins_per_tile,), jnp.float32),
            pltpu.VMEM_SHARED((n_pad,), jnp.float32),
            pltpu.VMEM_SHARED((n_pad,), jnp.float32),
            pltpu.SemaphoreType.DMA,
            pltpu.SemaphoreType.DMA,
        ],
    )
    def k(x_hbm, pos_hbm, neg_hbm, num_out, den_out, x_v,
          ci0, ci1, ci2, vi0, vi1, vi2, nb0, nb1, nb2, eb0, eb1, eb2,
          zbuf, num_sh, den_sh, sem, sem_in):
        bufs = ((ci0, vi0, nb0, eb0), (ci1, vi1, nb1, eb1),
                (ci2, vi2, nb2, eb2))
        c = lax.axis_index("c")
        s = lax.axis_index("s")

        @plsc.parallel_loop(0, bins_per_tile, step=16, unroll=4)
        def _(i):
            zbuf[pl.ds(i, 16)] = jnp.zeros((16,), jnp.float32)

        pltpu.sync_copy(zbuf, num_sh.at[pl.ds(s * bins_per_tile, bins_per_tile)])
        pltpu.sync_copy(zbuf, den_sh.at[pl.ds(s * bins_per_tile, bins_per_tile)])

        pltpu.sync_copy(x_hbm, x_v)
        plsc.subcore_barrier()

        nch = lax.div(total_chunks - 1 - s, _NS) + 1

        def process(adj_hbm, is_neg):
            def base(kk):
                return (s + kk * _NS) * _W

            def fire_in(kk, m):
                b = base(kk)
                pltpu.async_copy(adj_hbm.at[0, pl.ds(b, _W)],
                                 bufs[m][0], sem_in)
                pltpu.async_copy(adj_hbm.at[1, pl.ds(b, _W)],
                                 bufs[m][1], sem_in)

            def wait_in(kk, m):
                b = base(kk)
                pltpu.make_async_copy(adj_hbm.at[0, pl.ds(b, _W)],
                                      bufs[m][0], sem_in).wait()
                pltpu.make_async_copy(adj_hbm.at[1, pl.ds(b, _W)],
                                      bufs[m][1], sem_in).wait()

            def drain_scatters(m):
                ci, _, nb, eb = bufs[m]
                pltpu.make_async_copy(nb, num_sh.at[ci], sem).wait()
                pltpu.make_async_copy(eb, den_sh.at[ci], sem).wait()

            def compute_and_fire(m, kk):
                ci, vi_b, nb, eb = bufs[m]

                @plsc.parallel_loop(0, _W, step=16, unroll=8)
                def _(i):
                    vi = vi_b[pl.ds(i, 16)]
                    xg = plsc.load_gather(x_v, [vi])
                    lit = (1.0 - xg) if is_neg else xg
                    e = jnp.exp(lit * _P)
                    nb[pl.ds(i, 16)] = lit * e
                    eb[pl.ds(i, 16)] = e

                pltpu.async_copy(nb, num_sh.at[ci], sem, add=True)
                pltpu.async_copy(eb, den_sh.at[ci], sem, add=True)

            fire_in(0, 0)

            @pl.loop(0, nch + 2, step=3)
            def _(kk):
                for p in range(3):
                    m, m1 = p, (p + 1) % 3
                    j = kk + p

                    @pl.when((j >= 2) & (j - 2 < nch))
                    def _():
                        drain_scatters(m1)

                    @pl.when(j + 1 < nch)
                    def _():
                        fire_in(j + 1, m1)

                    @pl.when(j < nch)
                    def _():
                        wait_in(j, m)
                        compute_and_fire(m, j)

        @pl.when(c == 0)
        def _():
            process(pos_hbm, False)

        @pl.when(c == 1)
        def _():
            process(neg_hbm, True)

        plsc.subcore_barrier()
        base = c * n_pad + s * bins_per_tile
        pltpu.sync_copy(num_sh.at[pl.ds(s * bins_per_tile, bins_per_tile)], zbuf)
        pltpu.sync_copy(zbuf, num_out.at[pl.ds(base, bins_per_tile)])
        pltpu.sync_copy(den_sh.at[pl.ds(s * bins_per_tile, bins_per_tile)], zbuf)
        pltpu.sync_copy(zbuf, den_out.at[pl.ds(base, bins_per_tile)])

    return k(x, pos, neg)


def _tc_loss(num_flat, den_flat, n_pad, num_clauses):
    rows = n_pad // 128

    def body(n_ref, d_ref, o_ref):
        n = (n_ref[pl.ds(0, n_pad)] + n_ref[pl.ds(n_pad, n_pad)]).reshape(
            rows, 128)
        d = (d_ref[pl.ds(0, n_pad)] + d_ref[pl.ds(n_pad, n_pad)]).reshape(
            rows, 128)
        r = n / d
        sm = 1.0 / (1.0 + jnp.exp(_A * (0.5 - r)))
        idx = (lax.broadcasted_iota(jnp.int32, (rows, 128), 0) * 128
               + lax.broadcasted_iota(jnp.int32, (rows, 128), 1))
        term = jnp.where(idx < num_clauses, jnp.log(sm), 0.0)
        o_ref[0, 0] = -jnp.sum(term)

    out = pl.pallas_call(
        body,
        out_shape=jax.ShapeDtypeStruct((1, 1), jnp.float32),
        out_specs=pl.BlockSpec(memory_space=pltpu.SMEM),
    )(num_flat, den_flat)
    return out[0, 0]


def kernel(xv, adj_pos, adj_neg):
    x = xv.reshape(-1)
    v_nodes = x.shape[0]
    num_clauses = v_nodes
    e_edges = adj_pos.shape[1]
    assert adj_neg.shape[1] == e_edges
    assert e_edges % _W == 0

    n_pad = ((num_clauses + _NS * 16 - 1) // (_NS * 16)) * (_NS * 16)
    if n_pad == num_clauses:
        n_pad += _NS * 16

    num_flat, den_flat = _sc_segment_sums(x, adj_pos, adj_neg, n_pad)
    return _tc_loss(num_flat, den_flat, n_pad, num_clauses)

# --- scband reference (transcript-rebuilt; emitter-appended) ---
"""Pipeline reference for scband-simple-loss-compute2-82265803588043 (READ-ONLY COPY).

The authoritative reference and input builder live on the scoring server;
editing this copy changes nothing except your own understanding.
"""

import jax, jax.numpy as jnp
import numpy as np

P = 5.0
A = 10.0
NUM_NODES = 50000
NUM_CLAUSES = 50000
E_POS = 800000
E_NEG = 800000


def setup_inputs(seed: int = 0) -> dict:
    key = jax.random.key(seed)
    k1, k2, k3 = jax.random.split(key, 3)
    xv = jax.random.uniform(k1, (NUM_NODES, 1), dtype=jnp.float32)
    adj_pos = jax.random.randint(k2, (2, E_POS), 0, NUM_CLAUSES, dtype=jnp.int32)
    adj_neg = jax.random.randint(k3, (2, E_NEG), 0, NUM_CLAUSES, dtype=jnp.int32)
    return {"xv": xv, "adj_pos": adj_pos, "adj_neg": adj_neg}


def reference(xv, adj_pos, adj_neg):
    # Faithful translation of SimpleLossCompute2.__call__ (opt is None -> no optimizer step)
    x = xv.reshape(-1)
    xn = 1.0 - x  # negation
    # exp(p * literal value), gathered per-edge by variable index (row 1)
    xe = jnp.concatenate([
        jnp.exp(P * x)[adj_pos[1]],
        jnp.exp(P * xn)[adj_neg[1]],
    ])
    numerator = jnp.concatenate([x[adj_pos[1]], xn[adj_neg[1]]]) * xe
    idx = jnp.concatenate([adj_pos[0], adj_neg[0]])
    numerator_sum = jax.ops.segment_sum(numerator, idx, num_segments=NUM_CLAUSES)
    dominator_sum = jax.ops.segment_sum(xe, idx, num_segments=NUM_CLAUSES)
    # push_to_side(x, a) = 1 / (1 + exp(a * (0.5 - x)))
    sm = 1.0 / (1.0 + jnp.exp(A * (0.5 - numerator_sum / dominator_sum)))
    log_smooth = jnp.log(sm)
    _loss = -jnp.sum(log_smooth)
    return _loss

if __name__ == "__main__":
    import jax
    _d = setup_inputs()
    print(jax.jit(kernel)(*tuple(_d.values())))

</pallas_src>

<mosaic_0001>
#map = affine_map<(d0, d1) -> (0)>
#map1 = affine_map<(d0, d1) -> (0, 0)>
module attributes {stable_mosaic.version = 14 : i64} {
  func.func @k(%arg0: i32, %arg1: i32, %arg2: memref<50000xf32, #tpu.memory_space<hbm>>, %arg3: memref<2x800000xi32, #tpu.memory_space<hbm>>, %arg4: memref<2x800000xi32, #tpu.memory_space<hbm>>, %arg5: memref<100352xf32, #tpu.memory_space<hbm>>, %arg6: memref<100352xf32, #tpu.memory_space<hbm>>, %arg7: memref<50000xf32, #tpu.memory_space<vmem>>, %arg8: memref<1280xi32, #tpu.memory_space<vmem>>, %arg9: memref<1280xi32, #tpu.memory_space<vmem>>, %arg10: memref<1280xi32, #tpu.memory_space<vmem>>, %arg11: memref<1280xi32, #tpu.memory_space<vmem>>, %arg12: memref<1280xi32, #tpu.memory_space<vmem>>, %arg13: memref<1280xi32, #tpu.memory_space<vmem>>, %arg14: memref<1280xf32, #tpu.memory_space<vmem>>, %arg15: memref<1280xf32, #tpu.memory_space<vmem>>, %arg16: memref<1280xf32, #tpu.memory_space<vmem>>, %arg17: memref<1280xf32, #tpu.memory_space<vmem>>, %arg18: memref<1280xf32, #tpu.memory_space<vmem>>, %arg19: memref<1280xf32, #tpu.memory_space<vmem>>, %arg20: memref<3136xf32, #tpu.memory_space<vmem>>, %arg21: memref<50176xf32, #tpu.memory_space<vmem_shared>>, %arg22: memref<50176xf32, #tpu.memory_space<vmem_shared>>, %arg23: memref<!tpu.dma_semaphore, #tpu.memory_space<semaphore_mem>>, %arg24: memref<!tpu.dma_semaphore, #tpu.memory_space<semaphore_mem>>) attributes {dimension_semantics = [#tpu.dimension_semantics<core_parallel>, #tpu.dimension_semantics<subcore_parallel>], iteration_bounds = array<i64: 2, 16>, scalar_prefetch = 0 : i64, scratch_operands = 18 : i64, tpu.core_type = #tpu.core_type<sc_vector_subcore>, window_params = [{transform_indices = #map}, {transform_indices = #map1}, {transform_indices = #map1}, {transform_indices = #map}, {transform_indices = #map}]} {
    %parallel_loop3A = arith.constant 0 : i32
    %parallel_loop3A_0 = arith.constant 3136 : i32
    %parallel_loop3A_1 = arith.constant 16 : i32
    scf.for %parallel_loop3A_25 = %parallel_loop3A to %parallel_loop3A_0 step %parallel_loop3A_1  : i32 {
      %parallel_loop3A_26 = arith.constant 0.000000e+00 : f32
      %parallel_loop3A_27 = vector.broadcast %parallel_loop3A_26 : f32 to vector<16xf32>
      %parallel_loop3A_28 = arith.index_cast %parallel_loop3A_25 : i32 to index
      %parallel_loop3A_29 = tpu.vector_load %arg20[%parallel_loop3A_28] {strides = array<i32>} : memref<3136xf32, #tpu.memory_space<vmem>>, vector<16xf32>,
      tpu.vector_store %arg20[%parallel_loop3A_28], %parallel_loop3A_27 {strides = array<i32>} : memref<3136xf32, #tpu.memory_space<vmem>>, vector<16xf32>,
    } {sc.loop_unroll_factor = 4 : i64, sc.parallel_access}
    %mul3A = arith.constant 3136 : i32
    %mul3A_2 = arith.muli %arg1, %mul3A : i32
    "tpu.region"() ({
      %run_scoped3A = tpu.sem_alloc : memref<!tpu.dma_semaphore, #tpu.memory_space<semaphore_mem>>
      %dma_start3A = tpu.memref_slice %arg21[%mul3A_2] : memref<50176xf32, #tpu.memory_space<vmem_shared>> -> memref<3136xf32, #tpu.memory_space<vmem_shared>>
      %dma_start3A_25 = tpu.memref_slice %arg21[%mul3A_2] : memref<50176xf32, #tpu.memory_space<vmem_shared>> -> memref<3136xf32, #tpu.memory_space<vmem_shared>>
      tpu.enqueue_dma source(%arg20 : memref<3136xf32, #tpu.memory_space<vmem>>) target(%dma_start3A_25 : memref<3136xf32, #tpu.memory_space<vmem_shared>>) target_semaphore(%run_scoped3A : memref<!tpu.dma_semaphore, #tpu.memory_space<semaphore_mem>>)
      %dma_wait3A = tpu.memref_slice %arg21[%mul3A_2] : memref<50176xf32, #tpu.memory_space<vmem_shared>> -> memref<3136xf32, #tpu.memory_space<vmem_shared>>
      %dma_wait3A_26 = tpu.memref_slice %arg21[%mul3A_2] : memref<50176xf32, #tpu.memory_space<vmem_shared>> -> memref<3136xf32, #tpu.memory_space<vmem_shared>>
      tpu.wait_dma2 semaphore(%run_scoped3A : memref<!tpu.dma_semaphore, #tpu.memory_space<semaphore_mem>>) src(%arg20 : memref<3136xf32, #tpu.memory_space<vmem>>) dst(%dma_wait3A_26 : memref<3136xf32, #tpu.memory_space<vmem_shared>>)
      tpu.yield
    }) : () -> ()
    %mul3A_3 = arith.constant 3136 : i32
    %mul3A_4 = arith.muli %arg1, %mul3A_3 : i32
    "tpu.region"() ({
      %run_scoped3A = tpu.sem_alloc : memref<!tpu.dma_semaphore, #tpu.memory_space<semaphore_mem>>
      %dma_start3A = tpu.memref_slice %arg22[%mul3A_4] : memref<50176xf32, #tpu.memory_space<vmem_shared>> -> memref<3136xf32, #tpu.memory_space<vmem_shared>>
      %dma_start3A_25 = tpu.memref_slice %arg22[%mul3A_4] : memref<50176xf32, #tpu.memory_space<vmem_shared>> -> memref<3136xf32, #tpu.memory_space<vmem_shared>>
      tpu.enqueue_dma source(%arg20 : memref<3136xf32, #tpu.memory_space<vmem>>) target(%dma_start3A_25 : memref<3136xf32, #tpu.memory_space<vmem_shared>>) target_semaphore(%run_scoped3A : memref<!tpu.dma_semaphore, #tpu.memory_space<semaphore_mem>>)
      %dma_wait3A = tpu.memref_slice %arg22[%mul3A_4] : memref<50176xf32, #tpu.memory_space<vmem_shared>> -> memref<3136xf32, #tpu.memory_space<vmem_shared>>
      %dma_wait3A_26 = tpu.memref_slice %arg22[%mul3A_4] : memref<50176xf32, #tpu.memory_space<vmem_shared>> -> memref<3136xf32, #tpu.memory_space<vmem_shared>>
      tpu.wait_dma2 semaphore(%run_scoped3A : memref<!tpu.dma_semaphore, #tpu.memory_space<semaphore_mem>>) src(%arg20 : memref<3136xf32, #tpu.memory_space<vmem>>) dst(%dma_wait3A_26 : memref<3136xf32, #tpu.memory_space<vmem_shared>>)
      tpu.yield
    }) : () -> ()
    "tpu.region"() ({
      %run_scoped3A = tpu.sem_alloc : memref<!tpu.dma_semaphore, #tpu.memory_space<semaphore_mem>>
      tpu.enqueue_dma source(%arg2 : memref<50000xf32, #tpu.memory_space<hbm>>) target(%arg7 : memref<50000xf32, #tpu.memory_space<vmem>>) target_semaphore(%run_scoped3A : memref<!tpu.dma_semaphore, #tpu.memory_space<semaphore_mem>>)
      tpu.wait_dma2 semaphore(%run_scoped3A : memref<!tpu.dma_semaphore, #tpu.memory_space<semaphore_mem>>) src(%arg2 : memref<50000xf32, #tpu.memory_space<hbm>>) dst(%arg7 : memref<50000xf32, #tpu.memory_space<vmem>>)
      tpu.yield
    }) : () -> ()
    %barrier3A = arith.constant 0 : index
    tpu.barrier barrier_id(%barrier3A)
    %sub3A = arith.constant 624 : i32
    %sub3A_5 = arith.subi %sub3A, %arg1 : i32
    %div3A = arith.constant 16 : i32
    %div3A_6 = arith.divsi %sub3A_5, %div3A : i32
    %add3A = arith.constant 1 : i32
    %add3A_7 = arith.addi %div3A_6, %add3A : i32
    %eq3A = arith.constant 0 : i32
    %eq3A_8 = arith.cmpi eq, %arg0, %eq3A : i32
    %convert_element_type3A = arith.extui %eq3A_8 : i1 to i32
    %cond3A = arith.constant 0 : i32
    %cond3A_9 = arith.cmpi ne, %convert_element_type3A, %cond3A : i32
    scf.if %cond3A_9 {
      %add3A_25 = arith.constant 0 : i32
      %add3A_26 = arith.addi %arg1, %add3A_25 : i32
      %mul3A_27 = arith.constant 1280 : i32
      %mul3A_28 = arith.muli %add3A_26, %mul3A_27 : i32
      %dma_start3A = arith.constant 0 : i32
      %dma_start3A_29 = tpu.memref_slice %arg3[%dma_start3A, %mul3A_28] : memref<2x800000xi32, #tpu.memory_space<hbm>> -> memref<1x1280xi32, #tpu.memory_space<hbm>>
      %dma_start3A_30 = tpu.memref_squeeze %dma_start3A_29 : memref<1x1280xi32, #tpu.memory_space<hbm>> -> memref<1280xi32, #tpu.memory_space<hbm>>
      %dma_start3A_31 = tpu.memref_slice %arg3[%dma_start3A, %mul3A_28] : memref<2x800000xi32, #tpu.memory_space<hbm>> -> memref<1x1280xi32, #tpu.memory_space<hbm>>
      %dma_start3A_32 = tpu.memref_squeeze %dma_start3A_31 : memref<1x1280xi32, #tpu.memory_space<hbm>> -> memref<1280xi32, #tpu.memory_space<hbm>>
      tpu.enqueue_dma source(%dma_start3A_32 : memref<1280xi32, #tpu.memory_space<hbm>>) target(%arg8 : memref<1280xi32, #tpu.memory_space<vmem>>) target_semaphore(%arg24 : memref<!tpu.dma_semaphore, #tpu.memory_space<semaphore_mem>>)
      %dma_start3A_33 = arith.constant 1 : i32
      %dma_start3A_34 = tpu.memref_slice %arg3[%dma_start3A_33, %mul3A_28] : memref<2x800000xi32, #tpu.memory_space<hbm>> -> memref<1x1280xi32, #tpu.memory_space<hbm>>
      %dma_start3A_35 = tpu.memref_squeeze %dma_start3A_34 : memref<1x1280xi32, #tpu.memory_space<hbm>> -> memref<1280xi32, #tpu.memory_space<hbm>>
      %dma_start3A_36 = tpu.memref_slice %arg3[%dma_start3A_33, %mul3A_28] : memref<2x800000xi32, #tpu.memory_space<hbm>> -> memref<1x1280xi32, #tpu.memory_space<hbm>>
      %dma_start3A_37 = tpu.memref_squeeze %dma_start3A_36 : memref<1x1280xi32, #tpu.memory_space<hbm>> -> memref<1280xi32, #tpu.memory_space<hbm>>
      tpu.enqueue_dma source(%dma_start3A_37 : memref<1280xi32, #tpu.memory_space<hbm>>) target(%arg11 : memref<1280xi32, #tpu.memory_space<vmem>>) target_semaphore(%arg24 : memref<!tpu.dma_semaphore, #tpu.memory_space<semaphore_mem>>)
      %add3A_38 = arith.constant 2 : i32
      %add3A_39 = arith.addi %add3A_7, %add3A_38 : i32
      %sub3A_40 = arith.constant 0 : i32
      %sub3A_41 = arith.subi %add3A_39, %sub3A_40 : i32
      %sub3A_42 = arith.constant 3 : i32
      %sub3A_43 = arith.constant 1 : i32
      %sub3A_44 = arith.subi %sub3A_42, %sub3A_43 : i32
      %add3A_45 = arith.addi %sub3A_41, %sub3A_44 : i32
      %div3A_46 = arith.constant 3 : i32
      %div3A_47 = arith.divsi %add3A_45, %div3A_46 : i32
      %while3A = arith.constant 3 : i32
      %while3A_48 = arith.constant 0 : i32
      %while3A_49 = arith.constant 0 : i32
      %while3A_50 = arith.subi %div3A_47, %while3A_49 : i32
      %while3A_51 = arith.addi %while3A_49, %while3A_50 : i32
      %while3A_52 = arith.constant 1 : i32
      %while3A_53 = arith.divsi %while3A_50, %while3A_52 : i32
      %while3A_54 = arith.muli %while3A_53, %while3A_52 : i32
      %while3A_55 = arith.addi %while3A_49, %while3A_54 : i32
      %while3A_56 = arith.constant 1 : i32
      scf.for %while3A_58 = %while3A_49 to %while3A_55 step %while3A_56  : i32 {
        %mul3A_59 = arith.muli %while3A_58, %while3A : i32
        %add3A_60 = arith.addi %while3A_48, %mul3A_59 : i32
        %add3A_61 = arith.constant 0 : i32
        %add3A_62 = arith.addi %add3A_60, %add3A_61 : i32
        %ge3A = arith.constant 2 : i32
        %ge3A_63 = arith.cmpi sge, %add3A_62, %ge3A : i32
        %sub3A_64 = arith.constant 2 : i32
        %sub3A_65 = arith.subi %add3A_62, %sub3A_64 : i32
        %lt3A = arith.cmpi slt, %sub3A_65, %add3A_7 : i32
        %and3A = arith.andi %ge3A_63, %lt3A : i1
        %convert_element_type3A_66 = arith.extui %and3A : i1 to i32
        %cond3A_67 = arith.constant 0 : i32
        %cond3A_68 = arith.cmpi ne, %convert_element_type3A_66, %cond3A_67 : i32
        scf.if %cond3A_68 {
          %dma_wait3A = arith.constant 0 : i32
          %dma_wait3A_121 = tpu.memref_slice %arg21[%dma_wait3A] : memref<50176xf32, #tpu.memory_space<vmem_shared>> -> memref<50176xf32, #tpu.memory_space<vmem_shared>>
          tpu.wait_indirect_dma semaphore(%arg23 : memref<!tpu.dma_semaphore, #tpu.memory_space<semaphore_mem>>) src(%arg15 : memref<1280xf32, #tpu.memory_space<vmem>>) dst(%dma_wait3A_121 : memref<50176xf32, #tpu.memory_space<vmem_shared>>)
          %dma_wait3A_122 = arith.constant 0 : i32
          %dma_wait3A_123 = tpu.memref_slice %arg22[%dma_wait3A_122] : memref<50176xf32, #tpu.memory_space<vmem_shared>> -> memref<50176xf32, #tpu.memory_space<vmem_shared>>
          tpu.wait_indirect_dma semaphore(%arg23 : memref<!tpu.dma_semaphore, #tpu.memory_space<semaphore_mem>>) src(%arg18 : memref<1280xf32, #tpu.memory_space<vmem>>) dst(%dma_wait3A_123 : memref<50176xf32, #tpu.memory_space<vmem_shared>>)
        } else {
        }
        %add3A_69 = arith.constant 1 : i32
        %add3A_70 = arith.addi %add3A_62, %add3A_69 : i32
        %lt3A_71 = arith.cmpi slt, %add3A_70, %add3A_7 : i32
        %convert_element_type3A_72 = arith.extui %lt3A_71 : i1 to i32
        %cond3A_73 = arith.constant 0 : i32
        %cond3A_74 = arith.cmpi ne, %convert_element_type3A_72, %cond3A_73 : i32
        scf.if %cond3A_74 {
          %add3A_121 = arith.constant 1 : i32
          %add3A_122 = arith.addi %add3A_62, %add3A_121 : i32
          %mul3A_123 = arith.constant 16 : i32
          %mul3A_124 = arith.muli %add3A_122, %mul3A_123 : i32
          %add3A_125 = arith.addi %arg1, %mul3A_124 : i32
          %mul3A_126 = arith.constant 1280 : i32
          %mul3A_127 = arith.muli %add3A_125, %mul3A_126 : i32
          %dma_start3A_128 = arith.constant 0 : i32
          %dma_start3A_129 = tpu.memref_slice %arg3[%dma_start3A_128, %mul3A_127] : memref<2x800000xi32, #tpu.memory_space<hbm>> -> memref<1x1280xi32, #tpu.memory_space<hbm>>
          %dma_start3A_130 = tpu.memref_squeeze %dma_start3A_129 : memref<1x1280xi32, #tpu.memory_space<hbm>> -> memref<1280xi32, #tpu.memory_space<hbm>>
          %dma_start3A_131 = tpu.memref_slice %arg3[%dma_start3A_128, %mul3A_127] : memref<2x800000xi32, #tpu.memory_space<hbm>> -> memref<1x1280xi32, #tpu.memory_space<hbm>>
          %dma_start3A_132 = tpu.memref_squeeze %dma_start3A_131 : memref<1x1280xi32, #tpu.memory_space<hbm>> -> memref<1280xi32, #tpu.memory_space<hbm>>
          tpu.enqueue_dma source(%dma_start3A_132 : memref<1280xi32, #tpu.memory_space<hbm>>) target(%arg9 : memref<1280xi32, #tpu.memory_space<vmem>>) target_semaphore(%arg24 : memref<!tpu.dma_semaphore, #tpu.memory_space<semaphore_mem>>)
          %dma_start3A_133 = arith.constant 1 : i32
          %dma_start3A_134 = tpu.memref_slice %arg3[%dma_start3A_133, %mul3A_127] : memref<2x800000xi32, #tpu.memory_space<hbm>> -> memref<1x1280xi32, #tpu.memory_space<hbm>>
          %dma_start3A_135 = tpu.memref_squeeze %dma_start3A_134 : memref<1x1280xi32, #tpu.memory_space<hbm>> -> memref<1280xi32, #tpu.memory_space<hbm>>
          %dma_start3A_136 = tpu.memref_slice %arg3[%dma_start3A_133, %mul3A_127] : memref<2x800000xi32, #tpu.memory_space<hbm>> -> memref<1x1280xi32, #tpu.memory_space<hbm>>
          %dma_start3A_137 = tpu.memref_squeeze %dma_start3A_136 : memref<1x1280xi32, #tpu.memory_space<hbm>> -> memref<1280xi32, #tpu.memory_space<hbm>>
          tpu.enqueue_dma source(%dma_start3A_137 : memref<1280xi32, #tpu.memory_space<hbm>>) target(%arg12 : memref<1280xi32, #tpu.memory_space<vmem>>) target_semaphore(%arg24 : memref<!tpu.dma_semaphore, #tpu.memory_space<semaphore_mem>>)
        } else {
        }
        %lt3A_75 = arith.cmpi slt, %add3A_62, %add3A_7 : i32
        %convert_element_type3A_76 = arith.extui %lt3A_75 : i1 to i32
        %cond3A_77 = arith.constant 0 : i32
        %cond3A_78 = arith.cmpi ne, %convert_element_type3A_76, %cond3A_77 : i32
        scf.if %cond3A_78 {
          %mul3A_121 = arith.constant 16 : i32
          %mul3A_122 = arith.muli %add3A_62, %mul3A_121 : i32
          %add3A_123 = arith.addi %arg1, %mul3A_122 : i32
          %mul3A_124 = arith.constant 1280 : i32
          %mul3A_125 = arith.muli %add3A_123, %mul3A_124 : i32
          %dma_wait3A = arith.constant 0 : i32
          %dma_wait3A_126 = tpu.memref_slice %arg3[%dma_wait3A, %mul3A_125] : memref<2x800000xi32, #tpu.memory_space<hbm>> -> memref<1x1280xi32, #tpu.memory_space<hbm>>
          %dma_wait3A_127 = tpu.memref_squeeze %dma_wait3A_126 : memref<1x1280xi32, #tpu.memory_space<hbm>> -> memref<1280xi32, #tpu.memory_space<hbm>>
          %dma_wait3A_128 = tpu.memref_slice %arg3[%dma_wait3A, %mul3A_125] : memref<2x800000xi32, #tpu.memory_space<hbm>> -> memref<1x1280xi32, #tpu.memory_space<hbm>>
          %dma_wait3A_129 = tpu.memref_squeeze %dma_wait3A_128 : memref<1x1280xi32, #tpu.memory_space<hbm>> -> memref<1280xi32, #tpu.memory_space<hbm>>
          tpu.wait_dma2 semaphore(%arg24 : memref<!tpu.dma_semaphore, #tpu.memory_space<semaphore_mem>>) src(%dma_wait3A_129 : memref<1280xi32, #tpu.memory_space<hbm>>) dst(%arg8 : memref<1280xi32, #tpu.memory_space<vmem>>)
          %dma_wait3A_130 = arith.constant 1 : i32
          %dma_wait3A_131 = tpu.memref_slice %arg3[%dma_wait3A_130, %mul3A_125] : memref<2x800000xi32, #tpu.memory_space<hbm>> -> memref<1x1280xi32, #tpu.memory_space<hbm>>
          %dma_wait3A_132 = tpu.memref_squeeze %dma_wait3A_131 : memref<1x1280xi32, #tpu.memory_space<hbm>> -> memref<1280xi32, #tpu.memory_space<hbm>>
          %dma_wait3A_133 = tpu.memref_slice %arg3[%dma_wait3A_130, %mul3A_125] : memref<2x800000xi32, #tpu.memory_space<hbm>> -> memref<1x1280xi32, #tpu.memory_space<hbm>>
          %dma_wait3A_134 = tpu.memref_squeeze %dma_wait3A_133 : memref<1x1280xi32, #tpu.memory_space<hbm>> -> memref<1280xi32, #tpu.memory_space<hbm>>
          tpu.wait_dma2 semaphore(%arg24 : memref<!tpu.dma_semaphore, #tpu.memory_space<semaphore_mem>>) src(%dma_wait3A_134 : memref<1280xi32, #tpu.memory_space<hbm>>) dst(%arg11 : memref<1280xi32, #tpu.memory_space<vmem>>)
          %parallel_loop3A_135 = arith.constant 0 : i32
          %parallel_loop3A_136 = arith.constant 1280 : i32
          %parallel_loop3A_137 = arith.constant 16 : i32
          scf.for %parallel_loop3A_142 = %parallel_loop3A_135 to %parallel_loop3A_136 step %parallel_loop3A_137  : i32 {
            %parallel_loop3A_143 = arith.index_cast %parallel_loop3A_142 : i32 to index
            %parallel_loop3A_144 = tpu.vector_load %arg11[%parallel_loop3A_143] {strides = array<i32>} : memref<1280xi32, #tpu.memory_space<vmem>>, vector<16xi32>,
            %parallel_loop3A_145 = tpu.vector_load_idx %arg7[%parallel_loop3A_144] : memref<50000xf32, #tpu.memory_space<vmem>>[vector<16xi32>], vector<16xf32>,
            %parallel_loop3A_146 = arith.constant 5.000000e+00 : f32
            %parallel_loop3A_147 = vector.broadcast %parallel_loop3A_146 : f32 to vector<16xf32>
            %parallel_loop3A_148 = arith.mulf %parallel_loop3A_145, %parallel_loop3A_147 : vector<16xf32>
            %parallel_loop3A_149 = math.exp %parallel_loop3A_148 : vector<16xf32>
            %parallel_loop3A_150 = arith.mulf %parallel_loop3A_145, %parallel_loop3A_149 : vector<16xf32>
            %parallel_loop3A_151 = arith.index_cast %parallel_loop3A_142 : i32 to index
            %parallel_loop3A_152 = tpu.vector_load %arg14[%parallel_loop3A_151] {strides = array<i32>} : memref<1280xf32, #tpu.memory_space<vmem>>, vector<16xf32>,
            tpu.vector_store %arg14[%parallel_loop3A_151], %parallel_loop3A_150 {strides = array<i32>} : memref<1280xf32, #tpu.memory_space<vmem>>, vector<16xf32>,
            %parallel_loop3A_153 = arith.index_cast %parallel_loop3A_142 : i32 to index
            %parallel_loop3A_154 = tpu.vector_load %arg17[%parallel_loop3A_153] {strides = array<i32>} : memref<1280xf32, #tpu.memory_space<vmem>>, vector<16xf32>,
            tpu.vector_store %arg17[%parallel_loop3A_153], %parallel_loop3A_149 {strides = array<i32>} : memref<1280xf32, #tpu.memory_space<vmem>>, vector<16xf32>,
          } {sc.loop_unroll_factor = 8 : i64, sc.parallel_access}
          %dma_start3A_138 = arith.constant 0 : i32
          %dma_start3A_139 = tpu.memref_slice %arg21[%dma_start3A_138] : memref<50176xf32, #tpu.memory_space<vmem_shared>> -> memref<50176xf32, #tpu.memory_space<vmem_shared>>
          tpu.enqueue_indirect_dma source(%arg14 : memref<1280xf32, #tpu.memory_space<vmem>>) target(%dma_start3A_139 : memref<50176xf32, #tpu.memory_space<vmem_shared>>) offsets(%arg8 : memref<1280xi32, #tpu.memory_space<vmem>>) semaphore(%arg23 : memref<!tpu.dma_semaphore, #tpu.memory_space<semaphore_mem>>) {add = true}
          %dma_start3A_140 = arith.constant 0 : i32
          %dma_start3A_141 = tpu.memref_slice %arg22[%dma_start3A_140] : memref<50176xf32, #tpu.memory_space<vmem_shared>> -> memref<50176xf32, #tpu.memory_space<vmem_shared>>
          tpu.enqueue_indirect_dma source(%arg17 : memref<1280xf32, #tpu.memory_space<vmem>>) target(%dma_start3A_141 : memref<50176xf32, #tpu.memory_space<vmem_shared>>) offsets(%arg8 : memref<1280xi32, #tpu.memory_space<vmem>>) semaphore(%arg23 : memref<!tpu.dma_semaphore, #tpu.memory_space<semaphore_mem>>) {add = true}
        } else {
        }
        %add3A_79 = arith.constant 1 : i32
        %add3A_80 = arith.addi %add3A_60, %add3A_79 : i32
        %ge3A_81 = arith.constant 2 : i32
        %ge3A_82 = arith.cmpi sge, %add3A_80, %ge3A_81 : i32
        %sub3A_83 = arith.constant 2 : i32
        %sub3A_84 = arith.subi %add3A_80, %sub3A_83 : i32
        %lt3A_85 = arith.cmpi slt, %sub3A_84, %add3A_7 : i32
        %and3A_86 = arith.andi %ge3A_82, %lt3A_85 : i1
        %convert_element_type3A_87 = arith.extui %and3A_86 : i1 to i32
        %cond3A_88 = arith.constant 0 : i32
        %cond3A_89 = arith.cmpi ne, %convert_element_type3A_87, %cond3A_88 : i32
        scf.if %cond3A_89 {
          %dma_wait3A = arith.constant 0 : i32
          %dma_wait3A_121 = tpu.memref_slice %arg21[%dma_wait3A] : memref<50176xf32, #tpu.memory_space<vmem_shared>> -> memref<50176xf32, #tpu.memory_space<vmem_shared>>
          tpu.wait_indirect_dma semaphore(%arg23 : memref<!tpu.dma_semaphore, #tpu.memory_space<semaphore_mem>>) src(%arg16 : memref<1280xf32, #tpu.memory_space<vmem>>) dst(%dma_wait3A_121 : memref<50176xf32, #tpu.memory_space<vmem_shared>>)
          %dma_wait3A_122 = arith.constant 0 : i32
          %dma_wait3A_123 = tpu.memref_slice %arg22[%dma_wait3A_122] : memref<50176xf32, #tpu.memory_space<vmem_shared>> -> memref<50176xf32, #tpu.memory_space<vmem_shared>>
          tpu.wait_indirect_dma semaphore(%arg23 : memref<!tpu.dma_semaphore, #tpu.memory_space<semaphore_mem>>) src(%arg19 : memref<1280xf32, #tpu.memory_space<vmem>>) dst(%dma_wait3A_123 : memref<50176xf32, #tpu.memory_space<vmem_shared>>)
        } else {
        }
        %add3A_90 = arith.constant 1 : i32
        %add3A_91 = arith.addi %add3A_80, %add3A_90 : i32
        %lt3A_92 = arith.cmpi slt, %add3A_91, %add3A_7 : i32
        %convert_element_type3A_93 = arith.extui %lt3A_92 : i1 to i32
        %cond3A_94 = arith.constant 0 : i32
        %cond3A_95 = arith.cmpi ne, %convert_element_type3A_93, %cond3A_94 : i32
        scf.if %cond3A_95 {
          %add3A_121 = arith.constant 1 : i32
          %add3A_122 = arith.addi %add3A_80, %add3A_121 : i32
          %mul3A_123 = arith.constant 16 : i32
          %mul3A_124 = arith.muli %add3A_122, %mul3A_123 : i32
          %add3A_125 = arith.addi %arg1, %mul3A_124 : i32
          %mul3A_126 = arith.constant 1280 : i32
          %mul3A_127 = arith.muli %add3A_125, %mul3A_126 : i32
          %dma_start3A_128 = arith.constant 0 : i32
          %dma_start3A_129 = tpu.memref_slice %arg3[%dma_start3A_128, %mul3A_127] : memref<2x800000xi32, #tpu.memory_space<hbm>> -> memref<1x1280xi32, #tpu.memory_space<hbm>>
          %dma_start3A_130 = tpu.memref_squeeze %dma_start3A_129 : memref<1x1280xi32, #tpu.memory_space<hbm>> -> memref<1280xi32, #tpu.memory_space<hbm>>
          %dma_start3A_131 = tpu.memref_slice %arg3[%dma_start3A_128, %mul3A_127] : memref<2x800000xi32, #tpu.memory_space<hbm>> -> memref<1x1280xi32, #tpu.memory_space<hbm>>
          %dma_start3A_132 = tpu.memref_squeeze %dma_start3A_131 : memref<1x1280xi32, #tpu.memory_space<hbm>> -> memref<1280xi32, #tpu.memory_space<hbm>>
          tpu.enqueue_dma source(%dma_start3A_132 : memref<1280xi32, #tpu.memory_space<hbm>>) target(%arg10 : memref<1280xi32, #tpu.memory_space<vmem>>) target_semaphore(%arg24 : memref<!tpu.dma_semaphore, #tpu.memory_space<semaphore_mem>>)
          %dma_start3A_133 = arith.constant 1 : i32
          %dma_start3A_134 = tpu.memref_slice %arg3[%dma_start3A_133, %mul3A_127] : memref<2x800000xi32, #tpu.memory_space<hbm>> -> memref<1x1280xi32, #tpu.memory_space<hbm>>
          %dma_start3A_135 = tpu.memref_squeeze %dma_start3A_134 : memref<1x1280xi32, #tpu.memory_space<hbm>> -> memref<1280xi32, #tpu.memory_space<hbm>>
          %dma_start3A_136 = tpu.memref_slice %arg3[%dma_start3A_133, %mul3A_127] : memref<2x800000xi32, #tpu.memory_space<hbm>> -> memref<1x1280xi32, #tpu.memory_space<hbm>>
          %dma_start3A_137 = tpu.memref_squeeze %dma_start3A_136 : memref<1x1280xi32, #tpu.memory_space<hbm>> -> memref<1280xi32, #tpu.memory_space<hbm>>
          tpu.enqueue_dma source(%dma_start3A_137 : memref<1280xi32, #tpu.memory_space<hbm>>) target(%arg13 : memref<1280xi32, #tpu.memory_space<vmem>>) target_semaphore(%arg24 : memref<!tpu.dma_semaphore, #tpu.memory_space<semaphore_mem>>)
        } else {
        }
        %lt3A_96 = arith.cmpi slt, %add3A_80, %add3A_7 : i32
        %convert_element_type3A_97 = arith.extui %lt3A_96 : i1 to i32
        %cond3A_98 = arith.constant 0 : i32
        %cond3A_99 = arith.cmpi ne, %convert_element_type3A_97, %cond3A_98 : i32
        scf.if %cond3A_99 {
          %mul3A_121 = arith.constant 16 : i32
          %mul3A_122 = arith.muli %add3A_80, %mul3A_121 : i32
          %add3A_123 = arith.addi %arg1, %mul3A_122 : i32
          %mul3A_124 = arith.constant 1280 : i32
          %mul3A_125 = arith.muli %add3A_123, %mul3A_124 : i32
          %dma_wait3A = arith.constant 0 : i32
          %dma_wait3A_126 = tpu.memref_slice %arg3[%dma_wait3A, %mul3A_125] : memref<2x800000xi32, #tpu.memory_space<hbm>> -> memref<1x1280xi32, #tpu.memory_space<hbm>>
          %dma_wait3A_127 = tpu.memref_squeeze %dma_wait3A_126 : memref<1x1280xi32, #tpu.memory_space<hbm>> -> memref<1280xi32, #tpu.memory_space<hbm>>
          %dma_wait3A_128 = tpu.memref_slice %arg3[%dma_wait3A, %mul3A_125] : memref<2x800000xi32, #tpu.memory_space<hbm>> -> memref<1x1280xi32, #tpu.memory_space<hbm>>
          %dma_wait3A_129 = tpu.memref_squeeze %dma_wait3A_128 : memref<1x1280xi32, #tpu.memory_space<hbm>> -> memref<1280xi32, #tpu.memory_space<hbm>>
          tpu.wait_dma2 semaphore(%arg24 : memref<!tpu.dma_semaphore, #tpu.memory_space<semaphore_mem>>) src(%dma_wait3A_129 : memref<1280xi32, #tpu.memory_space<hbm>>) dst(%arg9 : memref<1280xi32, #tpu.memory_space<vmem>>)
          %dma_wait3A_130 = arith.constant 1 : i32
          %dma_wait3A_131 = tpu.memref_slice %arg3[%dma_wait3A_130, %mul3A_125] : memref<2x800000xi32, #tpu.memory_space<hbm>> -> memref<1x1280xi32, #tpu.memory_space<hbm>>
          %dma_wait3A_132 = tpu.memref_squeeze %dma_wait3A_131 : memref<1x1280xi32, #tpu.memory_space<hbm>> -> memref<1280xi32, #tpu.memory_space<hbm>>
          %dma_wait3A_133 = tpu.memref_slice %arg3[%dma_wait3A_130, %mul3A_125] : memref<2x800000xi32, #tpu.memory_space<hbm>> -> memref<1x1280xi32, #tpu.memory_space<hbm>>
          %dma_wait3A_134 = tpu.memref_squeeze %dma_wait3A_133 : memref<1x1280xi32, #tpu.memory_space<hbm>> -> memref<1280xi32, #tpu.memory_space<hbm>>
          tpu.wait_dma2 semaphore(%arg24 : memref<!tpu.dma_semaphore, #tpu.memory_space<semaphore_mem>>) src(%dma_wait3A_134 : memref<1280xi32, #tpu.memory_space<hbm>>) dst(%arg12 : memref<1280xi32, #tpu.memory_space<vmem>>)
          %parallel_loop3A_135 = arith.constant 0 : i32
          %parallel_loop3A_136 = arith.constant 1280 : i32
          %parallel_loop3A_137 = arith.constant 16 : i32
          scf.for %parallel_loop3A_142 = %parallel_loop3A_135 to %parallel_loop3A_136 step %parallel_loop3A_137  : i32 {
            %parallel_loop3A_143 = arith.index_cast %parallel_loop3A_142 : i32 to index
            %parallel_loop3A_144 = tpu.vector_load %arg12[%parallel_loop3A_143] {strides = array<i32>} : memref<1280xi32, #tpu.memory_space<vmem>>, vector<16xi32>,
            %parallel_loop3A_145 = tpu.vector_load_idx %arg7[%parallel_loop3A_144] : memref<50000xf32, #tpu.memory_space<vmem>>[vector<16xi32>], vector<16xf32>,
            %parallel_loop3A_146 = arith.constant 5.000000e+00 : f32
            %parallel_loop3A_147 = vector.broadcast %parallel_loop3A_146 : f32 to vector<16xf32>
            %parallel_loop3A_148 = arith.mulf %parallel_loop3A_145, %parallel_loop3A_147 : vector<16xf32>
            %parallel_loop3A_149 = math.exp %parallel_loop3A_148 : vector<16xf32>
            %parallel_loop3A_150 = arith.mulf %parallel_loop3A_145, %parallel_loop3A_149 : vector<16xf32>
            %parallel_loop3A_151 = arith.index_cast %parallel_loop3A_142 : i32 to index
            %parallel_loop3A_152 = tpu.vector_load %arg15[%parallel_loop3A_151] {strides = array<i32>} : memref<1280xf32, #tpu.memory_space<vmem>>, vector<16xf32>,
            tpu.vector_store %arg15[%parallel_loop3A_151], %parallel_loop3A_150 {strides = array<i32>} : memref<1280xf32, #tpu.memory_space<vmem>>, vector<16xf32>,
            %parallel_loop3A_153 = arith.index_cast %parallel_loop3A_142 : i32 to index
            %parallel_loop3A_154 = tpu.vector_load %arg18[%parallel_loop3A_153] {strides = array<i32>} : memref<1280xf32, #tpu.memory_space<vmem>>, vector<16xf32>,
            tpu.vector_store %arg18[%parallel_loop3A_153], %parallel_loop3A_149 {strides = array<i32>} : memref<1280xf32, #tpu.memory_space<vmem>>, vector<16xf32>,
          } {sc.loop_unroll_factor = 8 : i64, sc.parallel_access}
          %dma_start3A_138 = arith.constant 0 : i32
          %dma_start3A_139 = tpu.memref_slice %arg21[%dma_start3A_138] : memref<50176xf32, #tpu.memory_space<vmem_shared>> -> memref<50176xf32, #tpu.memory_space<vmem_shared>>
          tpu.enqueue_indirect_dma source(%arg15 : memref<1280xf32, #tpu.memory_space<vmem>>) target(%dma_start3A_139 : memref<50176xf32, #tpu.memory_space<vmem_shared>>) offsets(%arg9 : memref<1280xi32, #tpu.memory_space<vmem>>) semaphore(%arg23 : memref<!tpu.dma_semaphore, #tpu.memory_space<semaphore_mem>>) {add = true}
          %dma_start3A_140 = arith.constant 0 : i32
          %dma_start3A_141 = tpu.memref_slice %arg22[%dma_start3A_140] : memref<50176xf32, #tpu.memory_space<vmem_shared>> -> memref<50176xf32, #tpu.memory_space<vmem_shared>>
          tpu.enqueue_indirect_dma source(%arg18 : memref<1280xf32, #tpu.memory_space<vmem>>) target(%dma_start3A_141 : memref<50176xf32, #tpu.memory_space<vmem_shared>>) offsets(%arg9 : memref<1280xi32, #tpu.memory_space<vmem>>) semaphore(%arg23 : memref<!tpu.dma_semaphore, #tpu.memory_space<semaphore_mem>>) {add = true}
        } else {
        }
        %add3A_100 = arith.constant 2 : i32
        %add3A_101 = arith.addi %add3A_60, %add3A_100 : i32
        %ge3A_102 = arith.constant 2 : i32
        %ge3A_103 = arith.cmpi sge, %add3A_101, %ge3A_102 : i32
        %sub3A_104 = arith.constant 2 : i32
        %sub3A_105 = arith.subi %add3A_101, %sub3A_104 : i32
        %lt3A_106 = arith.cmpi slt, %sub3A_105, %add3A_7 : i32
        %and3A_107 = arith.andi %ge3A_103, %lt3A_106 : i1
        %convert_element_type3A_108 = arith.extui %and3A_107 : i1 to i32
        %cond3A_109 = arith.constant 0 : i32
        %cond3A_110 = arith.cmpi ne, %convert_element_type3A_108, %cond3A_109 : i32
        scf.if %cond3A_110 {
          %dma_wait3A = arith.constant 0 : i32
          %dma_wait3A_121 = tpu.memref_slice %arg21[%dma_wait3A] : memref<50176xf32, #tpu.memory_space<vmem_shared>> -> memref<50176xf32, #tpu.memory_space<vmem_shared>>
          tpu.wait_indirect_dma semaphore(%arg23 : memref<!tpu.dma_semaphore, #tpu.memory_space<semaphore_mem>>) src(%arg14 : memref<1280xf32, #tpu.memory_space<vmem>>) dst(%dma_wait3A_121 : memref<50176xf32, #tpu.memory_space<vmem_shared>>)
          %dma_wait3A_122 = arith.constant 0 : i32
          %dma_wait3A_123 = tpu.memref_slice %arg22[%dma_wait3A_122] : memref<50176xf32, #tpu.memory_space<vmem_shared>> -> memref<50176xf32, #tpu.memory_space<vmem_shared>>
          tpu.wait_indirect_dma semaphore(%arg23 : memref<!tpu.dma_semaphore, #tpu.memory_space<semaphore_mem>>) src(%arg17 : memref<1280xf32, #tpu.memory_space<vmem>>) dst(%dma_wait3A_123 : memref<50176xf32, #tpu.memory_space<vmem_shared>>)
        } else {
        }
        %add3A_111 = arith.constant 1 : i32
        %add3A_112 = arith.addi %add3A_101, %add3A_111 : i32
        %lt3A_113 = arith.cmpi slt, %add3A_112, %add3A_7 : i32
        %convert_element_type3A_114 = arith.extui %lt3A_113 : i1 to i32
        %cond3A_115 = arith.constant 0 : i32
        %cond3A_116 = arith.cmpi ne, %convert_element_type3A_114, %cond3A_115 : i32
        scf.if %cond3A_116 {
          %add3A_121 = arith.constant 1 : i32
          %add3A_122 = arith.addi %add3A_101, %add3A_121 : i32
          %mul3A_123 = arith.constant 16 : i32
          %mul3A_124 = arith.muli %add3A_122, %mul3A_123 : i32
          %add3A_125 = arith.addi %arg1, %mul3A_124 : i32
          %mul3A_126 = arith.constant 1280 : i32
          %mul3A_127 = arith.muli %add3A_125, %mul3A_126 : i32
          %dma_start3A_128 = arith.constant 0 : i32
          %dma_start3A_129 = tpu.memref_slice %arg3[%dma_start3A_128, %mul3A_127] : memref<2x800000xi32, #tpu.memory_space<hbm>> -> memref<1x1280xi32, #tpu.memory_space<hbm>>
          %dma_start3A_130 = tpu.memref_squeeze %dma_start3A_129 : memref<1x1280xi32, #tpu.memory_space<hbm>> -> memref<1280xi32, #tpu.memory_space<hbm>>
          %dma_start3A_131 = tpu.memref_slice %arg3[%dma_start3A_128, %mul3A_127] : memref<2x800000xi32, #tpu.memory_space<hbm>> -> memref<1x1280xi32, #tpu.memory_space<hbm>>
          %dma_start3A_132 = tpu.memref_squeeze %dma_start3A_131 : memref<1x1280xi32, #tpu.memory_space<hbm>> -> memref<1280xi32, #tpu.memory_space<hbm>>
          tpu.enqueue_dma source(%dma_start3A_132 : memref<1280xi32, #tpu.memory_space<hbm>>) target(%arg8 : memref<1280xi32, #tpu.memory_space<vmem>>) target_semaphore(%arg24 : memref<!tpu.dma_semaphore, #tpu.memory_space<semaphore_mem>>)
          %dma_start3A_133 = arith.constant 1 : i32
          %dma_start3A_134 = tpu.memref_slice %arg3[%dma_start3A_133, %mul3A_127] : memref<2x800000xi32, #tpu.memory_space<hbm>> -> memref<1x1280xi32, #tpu.memory_space<hbm>>
          %dma_start3A_135 = tpu.memref_squeeze %dma_start3A_134 : memref<1x1280xi32, #tpu.memory_space<hbm>> -> memref<1280xi32, #tpu.memory_space<hbm>>
          %dma_start3A_136 = tpu.memref_slice %arg3[%dma_start3A_133, %mul3A_127] : memref<2x800000xi32, #tpu.memory_space<hbm>> -> memref<1x1280xi32, #tpu.memory_space<hbm>>
          %dma_start3A_137 = tpu.memref_squeeze %dma_start3A_136 : memref<1x1280xi32, #tpu.memory_space<hbm>> -> memref<1280xi32, #tpu.memory_space<hbm>>
          tpu.enqueue_dma source(%dma_start3A_137 : memref<1280xi32, #tpu.memory_space<hbm>>) target(%arg11 : memref<1280xi32, #tpu.memory_space<vmem>>) target_semaphore(%arg24 : memref<!tpu.dma_semaphore, #tpu.memory_space<semaphore_mem>>)
        } else {
        }
        %lt3A_117 = arith.cmpi slt, %add3A_101, %add3A_7 : i32
        %convert_element_type3A_118 = arith.extui %lt3A_117 : i1 to i32
        %cond3A_119 = arith.constant 0 : i32
        %cond3A_120 = arith.cmpi ne, %convert_element_type3A_118, %cond3A_119 : i32
        scf.if %cond3A_120 {
          %mul3A_121 = arith.constant 16 : i32
          %mul3A_122 = arith.muli %add3A_101, %mul3A_121 : i32
          %add3A_123 = arith.addi %arg1, %mul3A_122 : i32
          %mul3A_124 = arith.constant 1280 : i32
          %mul3A_125 = arith.muli %add3A_123, %mul3A_124 : i32
          %dma_wait3A = arith.constant 0 : i32
          %dma_wait3A_126 = tpu.memref_slice %arg3[%dma_wait3A, %mul3A_125] : memref<2x800000xi32, #tpu.memory_space<hbm>> -> memref<1x1280xi32, #tpu.memory_space<hbm>>
          %dma_wait3A_127 = tpu.memref_squeeze %dma_wait3A_126 : memref<1x1280xi32, #tpu.memory_space<hbm>> -> memref<1280xi32, #tpu.memory_space<hbm>>
          %dma_wait3A_128 = tpu.memref_slice %arg3[%dma_wait3A, %mul3A_125] : memref<2x800000xi32, #tpu.memory_space<hbm>> -> memref<1x1280xi32, #tpu.memory_space<hbm>>
          %dma_wait3A_129 = tpu.memref_squeeze %dma_wait3A_128 : memref<1x1280xi32, #tpu.memory_space<hbm>> -> memref<1280xi32, #tpu.memory_space<hbm>>
          tpu.wait_dma2 semaphore(%arg24 : memref<!tpu.dma_semaphore, #tpu.memory_space<semaphore_mem>>) src(%dma_wait3A_129 : memref<1280xi32, #tpu.memory_space<hbm>>) dst(%arg10 : memref<1280xi32, #tpu.memory_space<vmem>>)
          %dma_wait3A_130 = arith.constant 1 : i32
          %dma_wait3A_131 = tpu.memref_slice %arg3[%dma_wait3A_130, %mul3A_125] : memref<2x800000xi32, #tpu.memory_space<hbm>> -> memref<1x1280xi32, #tpu.memory_space<hbm>>
          %dma_wait3A_132 = tpu.memref_squeeze %dma_wait3A_131 : memref<1x1280xi32, #tpu.memory_space<hbm>> -> memref<1280xi32, #tpu.memory_space<hbm>>
          %dma_wait3A_133 = tpu.memref_slice %arg3[%dma_wait3A_130, %mul3A_125] : memref<2x800000xi32, #tpu.memory_space<hbm>> -> memref<1x1280xi32, #tpu.memory_space<hbm>>
          %dma_wait3A_134 = tpu.memref_squeeze %dma_wait3A_133 : memref<1x1280xi32, #tpu.memory_space<hbm>> -> memref<1280xi32, #tpu.memory_space<hbm>>
          tpu.wait_dma2 semaphore(%arg24 : memref<!tpu.dma_semaphore, #tpu.memory_space<semaphore_mem>>) src(%dma_wait3A_134 : memref<1280xi32, #tpu.memory_space<hbm>>) dst(%arg13 : memref<1280xi32, #tpu.memory_space<vmem>>)
          %parallel_loop3A_135 = arith.constant 0 : i32
          %parallel_loop3A_136 = arith.constant 1280 : i32
          %parallel_loop3A_137 = arith.constant 16 : i32
          scf.for %parallel_loop3A_142 = %parallel_loop3A_135 to %parallel_loop3A_136 step %parallel_loop3A_137  : i32 {
            %parallel_loop3A_143 = arith.index_cast %parallel_loop3A_142 : i32 to index
            %parallel_loop3A_144 = tpu.vector_load %arg13[%parallel_loop3A_143] {strides = array<i32>} : memref<1280xi32, #tpu.memory_space<vmem>>, vector<16xi32>,
            %parallel_loop3A_145 = tpu.vector_load_idx %arg7[%parallel_loop3A_144] : memref<50000xf32, #tpu.memory_space<vmem>>[vector<16xi32>], vector<16xf32>,
            %parallel_loop3A_146 = arith.constant 5.000000e+00 : f32
            %parallel_loop3A_147 = vector.broadcast %parallel_loop3A_146 : f32 to vector<16xf32>
            %parallel_loop3A_148 = arith.mulf %parallel_loop3A_145, %parallel_loop3A_147 : vector<16xf32>
            %parallel_loop3A_149 = math.exp %parallel_loop3A_148 : vector<16xf32>
            %parallel_loop3A_150 = arith.mulf %parallel_loop3A_145, %parallel_loop3A_149 : vector<16xf32>
            %parallel_loop3A_151 = arith.index_cast %parallel_loop3A_142 : i32 to index
            %parallel_loop3A_152 = tpu.vector_load %arg16[%parallel_loop3A_151] {strides = array<i32>} : memref<1280xf32, #tpu.memory_space<vmem>>, vector<16xf32>,
            tpu.vector_store %arg16[%parallel_loop3A_151], %parallel_loop3A_150 {strides = array<i32>} : memref<1280xf32, #tpu.memory_space<vmem>>, vector<16xf32>,
            %parallel_loop3A_153 = arith.index_cast %parallel_loop3A_142 : i32 to index
            %parallel_loop3A_154 = tpu.vector_load %arg19[%parallel_loop3A_153] {strides = array<i32>} : memref<1280xf32, #tpu.memory_space<vmem>>, vector<16xf32>,
            tpu.vector_store %arg19[%parallel_loop3A_153], %parallel_loop3A_149 {strides = array<i32>} : memref<1280xf32, #tpu.memory_space<vmem>>, vector<16xf32>,
          } {sc.loop_unroll_factor = 8 : i64, sc.parallel_access}
          %dma_start3A_138 = arith.constant 0 : i32
          %dma_start3A_139 = tpu.memref_slice %arg21[%dma_start3A_138] : memref<50176xf32, #tpu.memory_space<vmem_shared>> -> memref<50176xf32, #tpu.memory_space<vmem_shared>>
          tpu.enqueue_indirect_dma source(%arg16 : memref<1280xf32, #tpu.memory_space<vmem>>) target(%dma_start3A_139 : memref<50176xf32, #tpu.memory_space<vmem_shared>>) offsets(%arg10 : memref<1280xi32, #tpu.memory_space<vmem>>) semaphore(%arg23 : memref<!tpu.dma_semaphore, #tpu.memory_space<semaphore_mem>>) {add = true}
          %dma_start3A_140 = arith.constant 0 : i32
          %dma_start3A_141 = tpu.memref_slice %arg22[%dma_start3A_140] : memref<50176xf32, #tpu.memory_space<vmem_shared>> -> memref<50176xf32, #tpu.memory_space<vmem_shared>>
          tpu.enqueue_indirect_dma source(%arg19 : memref<1280xf32, #tpu.memory_space<vmem>>) target(%dma_start3A_141 : memref<50176xf32, #tpu.memory_space<vmem_shared>>) offsets(%arg10 : memref<1280xi32, #tpu.memory_space<vmem>>) semaphore(%arg23 : memref<!tpu.dma_semaphore, #tpu.memory_space<semaphore_mem>>) {add = true}
        } else {
        }
      }
      %while3A_57 = arith.constant 1 : i32
      scf.for %while3A_58 = %while3A_55 to %while3A_51 step %while3A_57  : i32 {
        %mul3A_59 = arith.muli %while3A_58, %while3A : i32
        %add3A_60 = arith.addi %while3A_48, %mul3A_59 : i32
        %add3A_61 = arith.constant 0 : i32
        %add3A_62 = arith.addi %add3A_60, %add3A_61 : i32
        %ge3A = arith.constant 2 : i32
        %ge3A_63 = arith.cmpi sge, %add3A_62, %ge3A : i32
        %sub3A_64 = arith.constant 2 : i32
        %sub3A_65 = arith.subi %add3A_62, %sub3A_64 : i32
        %lt3A = arith.cmpi slt, %sub3A_65, %add3A_7 : i32
        %and3A = arith.andi %ge3A_63, %lt3A : i1
        %convert_element_type3A_66 = arith.extui %and3A : i1 to i32
        %cond3A_67 = arith.constant 0 : i32
        %cond3A_68 = arith.cmpi ne, %convert_element_type3A_66, %cond3A_67 : i32
        scf.if %cond3A_68 {
          %dma_wait3A = arith.constant 0 : i32
          %dma_wait3A_121 = tpu.memref_slice %arg21[%dma_wait3A] : memref<50176xf32, #tpu.memory_space<vmem_shared>> -> memref<50176xf32, #tpu.memory_space<vmem_shared>>
          tpu.wait_indirect_dma semaphore(%arg23 : memref<!tpu.dma_semaphore, #tpu.memory_space<semaphore_mem>>) src(%arg15 : memref<1280xf32, #tpu.memory_space<vmem>>) dst(%dma_wait3A_121 : memref<50176xf32, #tpu.memory_space<vmem_shared>>)
          %dma_wait3A_122 = arith.constant 0 : i32
          %dma_wait3A_123 = tpu.memref_slice %arg22[%dma_wait3A_122] : memref<50176xf32, #tpu.memory_space<vmem_shared>> -> memref<50176xf32, #tpu.memory_space<vmem_shared>>
          tpu.wait_indirect_dma semaphore(%arg23 : memref<!tpu.dma_semaphore, #tpu.memory_space<semaphore_mem>>) src(%arg18 : memref<1280xf32, #tpu.memory_space<vmem>>) dst(%dma_wait3A_123 : memref<50176xf32, #tpu.memory_space<vmem_shared>>)
        } else {
        }
        %add3A_69 = arith.constant 1 : i32
        %add3A_70 = arith.addi %add3A_62, %add3A_69 : i32
        %lt3A_71 = arith.cmpi slt, %add3A_70, %add3A_7 : i32
        %convert_element_type3A_72 = arith.extui %lt3A_71 : i1 to i32
        %cond3A_73 = arith.constant 0 : i32
        %cond3A_74 = arith.cmpi ne, %convert_element_type3A_72, %cond3A_73 : i32
        scf.if %cond3A_74 {
          %add3A_121 = arith.constant 1 : i32
          %add3A_122 = arith.addi %add3A_62, %add3A_121 : i32
          %mul3A_123 = arith.constant 16 : i32
          %mul3A_124 = arith.muli %add3A_122, %mul3A_123 : i32
          %add3A_125 = arith.addi %arg1, %mul3A_124 : i32
          %mul3A_126 = arith.constant 1280 : i32
          %mul3A_127 = arith.muli %add3A_125, %mul3A_126 : i32
          %dma_start3A_128 = arith.constant 0 : i32
          %dma_start3A_129 = tpu.memref_slice %arg3[%dma_start3A_128, %mul3A_127] : memref<2x800000xi32, #tpu.memory_space<hbm>> -> memref<1x1280xi32, #tpu.memory_space<hbm>>
          %dma_start3A_130 = tpu.memref_squeeze %dma_start3A_129 : memref<1x1280xi32, #tpu.memory_space<hbm>> -> memref<1280xi32, #tpu.memory_space<hbm>>
          %dma_start3A_131 = tpu.memref_slice %arg3[%dma_start3A_128, %mul3A_127] : memref<2x800000xi32, #tpu.memory_space<hbm>> -> memref<1x1280xi32, #tpu.memory_space<hbm>>
          %dma_start3A_132 = tpu.memref_squeeze %dma_start3A_131 : memref<1x1280xi32, #tpu.memory_space<hbm>> -> memref<1280xi32, #tpu.memory_space<hbm>>
          tpu.enqueue_dma source(%dma_start3A_132 : memref<1280xi32, #tpu.memory_space<hbm>>) target(%arg9 : memref<1280xi32, #tpu.memory_space<vmem>>) target_semaphore(%arg24 : memref<!tpu.dma_semaphore, #tpu.memory_space<semaphore_mem>>)
          %dma_start3A_133 = arith.constant 1 : i32
          %dma_start3A_134 = tpu.memref_slice %arg3[%dma_start3A_133, %mul3A_127] : memref<2x800000xi32, #tpu.memory_space<hbm>> -> memref<1x1280xi32, #tpu.memory_space<hbm>>
          %dma_start3A_135 = tpu.memref_squeeze %dma_start3A_134 : memref<1x1280xi32, #tpu.memory_space<hbm>> -> memref<1280xi32, #tpu.memory_space<hbm>>
          %dma_start3A_136 = tpu.memref_slice %arg3[%dma_start3A_133, %mul3A_127] : memref<2x800000xi32, #tpu.memory_space<hbm>> -> memref<1x1280xi32, #tpu.memory_space<hbm>>
          %dma_start3A_137 = tpu.memref_squeeze %dma_start3A_136 : memref<1x1280xi32, #tpu.memory_space<hbm>> -> memref<1280xi32, #tpu.memory_space<hbm>>
          tpu.enqueue_dma source(%dma_start3A_137 : memref<1280xi32, #tpu.memory_space<hbm>>) target(%arg12 : memref<1280xi32, #tpu.memory_space<vmem>>) target_semaphore(%arg24 : memref<!tpu.dma_semaphore, #tpu.memory_space<semaphore_mem>>)
        } else {
        }
        %lt3A_75 = arith.cmpi slt, %add3A_62, %add3A_7 : i32
        %convert_element_type3A_76 = arith.extui %lt3A_75 : i1 to i32
        %cond3A_77 = arith.constant 0 : i32
        %cond3A_78 = arith.cmpi ne, %convert_element_type3A_76, %cond3A_77 : i32
        scf.if %cond3A_78 {
          %mul3A_121 = arith.constant 16 : i32
          %mul3A_122 = arith.muli %add3A_62, %mul3A_121 : i32
          %add3A_123 = arith.addi %arg1, %mul3A_122 : i32
          %mul3A_124 = arith.constant 1280 : i32
          %mul3A_125 = arith.muli %add3A_123, %mul3A_124 : i32
          %dma_wait3A = arith.constant 0 : i32
          %dma_wait3A_126 = tpu.memref_slice %arg3[%dma_wait3A, %mul3A_125] : memref<2x800000xi32, #tpu.memory_space<hbm>> -> memref<1x1280xi32, #tpu.memory_space<hbm>>
          %dma_wait3A_127 = tpu.memref_squeeze %dma_wait3A_126 : memref<1x1280xi32, #tpu.memory_space<hbm>> -> memref<1280xi32, #tpu.memory_space<hbm>>
          %dma_wait3A_128 = tpu.memref_slice %arg3[%dma_wait3A, %mul3A_125] : memref<2x800000xi32, #tpu.memory_space<hbm>> -> memref<1x1280xi32, #tpu.memory_space<hbm>>
          %dma_wait3A_129 = tpu.memref_squeeze %dma_wait3A_128 : memref<1x1280xi32, #tpu.memory_space<hbm>> -> memref<1280xi32, #tpu.memory_space<hbm>>
          tpu.wait_dma2 semaphore(%arg24 : memref<!tpu.dma_semaphore, #tpu.memory_space<semaphore_mem>>) src(%dma_wait3A_129 : memref<1280xi32, #tpu.memory_space<hbm>>) dst(%arg8 : memref<1280xi32, #tpu.memory_space<vmem>>)
          %dma_wait3A_130 = arith.constant 1 : i32
          %dma_wait3A_131 = tpu.memref_slice %arg3[%dma_wait3A_130, %mul3A_125] : memref<2x800000xi32, #tpu.memory_space<hbm>> -> memref<1x1280xi32, #tpu.memory_space<hbm>>
          %dma_wait3A_132 = tpu.memref_squeeze %dma_wait3A_131 : memref<1x1280xi32, #tpu.memory_space<hbm>> -> memref<1280xi32, #tpu.memory_space<hbm>>
          %dma_wait3A_133 = tpu.memref_slice %arg3[%dma_wait3A_130, %mul3A_125] : memref<2x800000xi32, #tpu.memory_space<hbm>> -> memref<1x1280xi32, #tpu.memory_space<hbm>>
          %dma_wait3A_134 = tpu.memref_squeeze %dma_wait3A_133 : memref<1x1280xi32, #tpu.memory_space<hbm>> -> memref<1280xi32, #tpu.memory_space<hbm>>
          tpu.wait_dma2 semaphore(%arg24 : memref<!tpu.dma_semaphore, #tpu.memory_space<semaphore_mem>>) src(%dma_wait3A_134 : memref<1280xi32, #tpu.memory_space<hbm>>) dst(%arg11 : memref<1280xi32, #tpu.memory_space<vmem>>)
          %parallel_loop3A_135 = arith.constant 0 : i32
          %parallel_loop3A_136 = arith.constant 1280 : i32
          %parallel_loop3A_137 = arith.constant 16 : i32
          scf.for %parallel_loop3A_142 = %parallel_loop3A_135 to %parallel_loop3A_136 step %parallel_loop3A_137  : i32 {
            %parallel_loop3A_143 = arith.index_cast %parallel_loop3A_142 : i32 to index
            %parallel_loop3A_144 = tpu.vector_load %arg11[%parallel_loop3A_143] {strides = array<i32>} : memref<1280xi32, #tpu.memory_space<vmem>>, vector<16xi32>,
            %parallel_loop3A_145 = tpu.vector_load_idx %arg7[%parallel_loop3A_144] : memref<50000xf32, #tpu.memory_space<vmem>>[vector<16xi32>], vector<16xf32>,
            %parallel_loop3A_146 = arith.constant 5.000000e+00 : f32
            %parallel_loop3A_147 = vector.broadcast %parallel_loop3A_146 : f32 to vector<16xf32>
            %parallel_loop3A_148 = arith.mulf %parallel_loop3A_145, %parallel_loop3A_147 : vector<16xf32>
            %parallel_loop3A_149 = math.exp %parallel_loop3A_148 : vector<16xf32>
            %parallel_loop3A_150 = arith.mulf %parallel_loop3A_145, %parallel_loop3A_149 : vector<16xf32>
            %parallel_loop3A_151 = arith.index_cast %parallel_loop3A_142 : i32 to index
            %parallel_loop3A_152 = tpu.vector_load %arg14[%parallel_loop3A_151] {strides = array<i32>} : memref<1280xf32, #tpu.memory_space<vmem>>, vector<16xf32>,
            tpu.vector_store %arg14[%parallel_loop3A_151], %parallel_loop3A_150 {strides = array<i32>} : memref<1280xf32, #tpu.memory_space<vmem>>, vector<16xf32>,
            %parallel_loop3A_153 = arith.index_cast %parallel_loop3A_142 : i32 to index
            %parallel_loop3A_154 = tpu.vector_load %arg17[%parallel_loop3A_153] {strides = array<i32>} : memref<1280xf32, #tpu.memory_space<vmem>>, vector<16xf32>,
            tpu.vector_store %arg17[%parallel_loop3A_153], %parallel_loop3A_149 {strides = array<i32>} : memref<1280xf32, #tpu.memory_space<vmem>>, vector<16xf32>,
          } {sc.loop_unroll_factor = 8 : i64, sc.parallel_access}
          %dma_start3A_138 = arith.constant 0 : i32
          %dma_start3A_139 = tpu.memref_slice %arg21[%dma_start3A_138] : memref<50176xf32, #tpu.memory_space<vmem_shared>> -> memref<50176xf32, #tpu.memory_space<vmem_shared>>
          tpu.enqueue_indirect_dma source(%arg14 : memref<1280xf32, #tpu.memory_space<vmem>>) target(%dma_start3A_139 : memref<50176xf32, #tpu.memory_space<vmem_shared>>) offsets(%arg8 : memref<1280xi32, #tpu.memory_space<vmem>>) semaphore(%arg23 : memref<!tpu.dma_semaphore, #tpu.memory_space<semaphore_mem>>) {add = true}
          %dma_start3A_140 = arith.constant 0 : i32
          %dma_start3A_141 = tpu.memref_slice %arg22[%dma_start3A_140] : memref<50176xf32, #tpu.memory_space<vmem_shared>> -> memref<50176xf32, #tpu.memory_space<vmem_shared>>
          tpu.enqueue_indirect_dma source(%arg17 : memref<1280xf32, #tpu.memory_space<vmem>>) target(%dma_start3A_141 : memref<50176xf32, #tpu.memory_space<vmem_shared>>) offsets(%arg8 : memref<1280xi32, #tpu.memory_space<vmem>>) semaphore(%arg23 : memref<!tpu.dma_semaphore, #tpu.memory_space<semaphore_mem>>) {add = true}
        } else {
        }
        %add3A_79 = arith.constant 1 : i32
        %add3A_80 = arith.addi %add3A_60, %add3A_79 : i32
        %ge3A_81 = arith.constant 2 : i32
        %ge3A_82 = arith.cmpi sge, %add3A_80, %ge3A_81 : i32
        %sub3A_83 = arith.constant 2 : i32
        %sub3A_84 = arith.subi %add3A_80, %sub3A_83 : i32
        %lt3A_85 = arith.cmpi slt, %sub3A_84, %add3A_7 : i32
        %and3A_86 = arith.andi %ge3A_82, %lt3A_85 : i1
        %convert_element_type3A_87 = arith.extui %and3A_86 : i1 to i32
        %cond3A_88 = arith.constant 0 : i32
        %cond3A_89 = arith.cmpi ne, %convert_element_type3A_87, %cond3A_88 : i32
        scf.if %cond3A_89 {
          %dma_wait3A = arith.constant 0 : i32
          %dma_wait3A_121 = tpu.memref_slice %arg21[%dma_wait3A] : memref<50176xf32, #tpu.memory_space<vmem_shared>> -> memref<50176xf32, #tpu.memory_space<vmem_shared>>
          tpu.wait_indirect_dma semaphore(%arg23 : memref<!tpu.dma_semaphore, #tpu.memory_space<semaphore_mem>>) src(%arg16 : memref<1280xf32, #tpu.memory_space<vmem>>) dst(%dma_wait3A_121 : memref<50176xf32, #tpu.memory_space<vmem_shared>>)
          %dma_wait3A_122 = arith.constant 0 : i32
          %dma_wait3A_123 = tpu.memref_slice %arg22[%dma_wait3A_122] : memref<50176xf32, #tpu.memory_space<vmem_shared>> -> memref<50176xf32, #tpu.memory_space<vmem_shared>>
          tpu.wait_indirect_dma semaphore(%arg23 : memref<!tpu.dma_semaphore, #tpu.memory_space<semaphore_mem>>) src(%arg19 : memref<1280xf32, #tpu.memory_space<vmem>>) dst(%dma_wait3A_123 : memref<50176xf32, #tpu.memory_space<vmem_shared>>)
        } else {
        }
        %add3A_90 = arith.constant 1 : i32
        %add3A_91 = arith.addi %add3A_80, %add3A_90 : i32
        %lt3A_92 = arith.cmpi slt, %add3A_91, %add3A_7 : i32
        %convert_element_type3A_93 = arith.extui %lt3A_92 : i1 to i32
        %cond3A_94 = arith.constant 0 : i32
        %cond3A_95 = arith.cmpi ne, %convert_element_type3A_93, %cond3A_94 : i32
        scf.if %cond3A_95 {
          %add3A_121 = arith.constant 1 : i32
          %add3A_122 = arith.addi %add3A_80, %add3A_121 : i32
          %mul3A_123 = arith.constant 16 : i32
          %mul3A_124 = arith.muli %add3A_122, %mul3A_123 : i32
          %add3A_125 = arith.addi %arg1, %mul3A_124 : i32
          %mul3A_126 = arith.constant 1280 : i32
          %mul3A_127 = arith.muli %add3A_125, %mul3A_126 : i32
          %dma_start3A_128 = arith.constant 0 : i32
          %dma_start3A_129 = tpu.memref_slice %arg3[%dma_start3A_128, %mul3A_127] : memref<2x800000xi32, #tpu.memory_space<hbm>> -> memref<1x1280xi32, #tpu.memory_space<hbm>>
          %dma_start3A_130 = tpu.memref_squeeze %dma_start3A_129 : memref<1x1280xi32, #tpu.memory_space<hbm>> -> memref<1280xi32, #tpu.memory_space<hbm>>
          %dma_start3A_131 = tpu.memref_slice %arg3[%dma_start3A_128, %mul3A_127] : memref<2x800000xi32, #tpu.memory_space<hbm>> -> memref<1x1280xi32, #tpu.memory_space<hbm>>
          %dma_start3A_132 = tpu.memref_squeeze %dma_start3A_131 : memref<1x1280xi32, #tpu.memory_space<hbm>> -> memref<1280xi32, #tpu.memory_space<hbm>>
          tpu.enqueue_dma source(%dma_start3A_132 : memref<1280xi32, #tpu.memory_space<hbm>>) target(%arg10 : memref<1280xi32, #tpu.memory_space<vmem>>) target_semaphore(%arg24 : memref<!tpu.dma_semaphore, #tpu.memory_space<semaphore_mem>>)
          %dma_start3A_133 = arith.constant 1 : i32
          %dma_start3A_134 = tpu.memref_slice %arg3[%dma_start3A_133, %mul3A_127] : memref<2x800000xi32, #tpu.memory_space<hbm>> -> memref<1x1280xi32, #tpu.memory_space<hbm>>
          %dma_start3A_135 = tpu.memref_squeeze %dma_start3A_134 : memref<1x1280xi32, #tpu.memory_space<hbm>> -> memref<1280xi32, #tpu.memory_space<hbm>>
          %dma_start3A_136 = tpu.memref_slice %arg3[%dma_start3A_133, %mul3A_127] : memref<2x800000xi32, #tpu.memory_space<hbm>> -> memref<1x1280xi32, #tpu.memory_space<hbm>>
          %dma_start3A_137 = tpu.memref_squeeze %dma_start3A_136 : memref<1x1280xi32, #tpu.memory_space<hbm>> -> memref<1280xi32, #tpu.memory_space<hbm>>
          tpu.enqueue_dma source(%dma_start3A_137 : memref<1280xi32, #tpu.memory_space<hbm>>) target(%arg13 : memref<1280xi32, #tpu.memory_space<vmem>>) target_semaphore(%arg24 : memref<!tpu.dma_semaphore, #tpu.memory_space<semaphore_mem>>)
        } else {
        }
        %lt3A_96 = arith.cmpi slt, %add3A_80, %add3A_7 : i32
        %convert_element_type3A_97 = arith.extui %lt3A_96 : i1 to i32
        %cond3A_98 = arith.constant 0 : i32
        %cond3A_99 = arith.cmpi ne, %convert_element_type3A_97, %cond3A_98 : i32
        scf.if %cond3A_99 {
          %mul3A_121 = arith.constant 16 : i32
          %mul3A_122 = arith.muli %add3A_80, %mul3A_121 : i32
          %add3A_123 = arith.addi %arg1, %mul3A_122 : i32
          %mul3A_124 = arith.constant 1280 : i32
          %mul3A_125 = arith.muli %add3A_123, %mul3A_124 : i32
          %dma_wait3A = arith.constant 0 : i32
          %dma_wait3A_126 = tpu.memref_slice %arg3[%dma_wait3A, %mul3A_125] : memref<2x800000xi32, #tpu.memory_space<hbm>> -> memref<1x1280xi32, #tpu.memory_space<hbm>>
          %dma_wait3A_127 = tpu.memref_squeeze %dma_wait3A_126 : memref<1x1280xi32, #tpu.memory_space<hbm>> -> memref<1280xi32, #tpu.memory_space<hbm>>
          %dma_wait3A_128 = tpu.memref_slice %arg3[%dma_wait3A, %mul3A_125] : memref<2x800000xi32, #tpu.memory_space<hbm>> -> memref<1x1280xi32, #tpu.memory_space<hbm>>
          %dma_wait3A_129 = tpu.memref_squeeze %dma_wait3A_128 : memref<1x1280xi32, #tpu.memory_space<hbm>> -> memref<1280xi32, #tpu.memory_space<hbm>>
          tpu.wait_dma2 semaphore(%arg24 : memref<!tpu.dma_semaphore, #tpu.memory_space<semaphore_mem>>) src(%dma_wait3A_129 : memref<1280xi32, #tpu.memory_space<hbm>>) dst(%arg9 : memref<1280xi32, #tpu.memory_space<vmem>>)
          %dma_wait3A_130 = arith.constant 1 : i32
          %dma_wait3A_131 = tpu.memref_slice %arg3[%dma_wait3A_130, %mul3A_125] : memref<2x800000xi32, #tpu.memory_space<hbm>> -> memref<1x1280xi32, #tpu.memory_space<hbm>>
          %dma_wait3A_132 = tpu.memref_squeeze %dma_wait3A_131 : memref<1x1280xi32, #tpu.memory_space<hbm>> -> memref<1280xi32, #tpu.memory_space<hbm>>
          %dma_wait3A_133 = tpu.memref_slice %arg3[%dma_wait3A_130, %mul3A_125] : memref<2x800000xi32, #tpu.memory_space<hbm>> -> memref<1x1280xi32, #tpu.memory_space<hbm>>
          %dma_wait3A_134 = tpu.memref_squeeze %dma_wait3A_133 : memref<1x1280xi32, #tpu.memory_space<hbm>> -> memref<1280xi32, #tpu.memory_space<hbm>>
          tpu.wait_dma2 semaphore(%arg24 : memref<!tpu.dma_semaphore, #tpu.memory_space<semaphore_mem>>) src(%dma_wait3A_134 : memref<1280xi32, #tpu.memory_space<hbm>>) dst(%arg12 : memref<1280xi32, #tpu.memory_space<vmem>>)
          %parallel_loop3A_135 = arith.constant 0 : i32
          %parallel_loop3A_136 = arith.constant 1280 : i32
          %parallel_loop3A_137 = arith.constant 16 : i32
          scf.for %parallel_loop3A_142 = %parallel_loop3A_135 to %parallel_loop3A_136 step %parallel_loop3A_137  : i32 {
            %parallel_loop3A_143 = arith.index_cast %parallel_loop3A_142 : i32 to index
            %parallel_loop3A_144 = tpu.vector_load %arg12[%parallel_loop3A_143] {strides = array<i32>} : memref<1280xi32, #tpu.memory_space<vmem>>, vector<16xi32>,
            %parallel_loop3A_145 = tpu.vector_load_idx %arg7[%parallel_loop3A_144] : memref<50000xf32, #tpu.memory_space<vmem>>[vector<16xi32>], vector<16xf32>,
            %parallel_loop3A_146 = arith.constant 5.000000e+00 : f32
            %parallel_loop3A_147 = vector.broadcast %parallel_loop3A_146 : f32 to vector<16xf32>
            %parallel_loop3A_148 = arith.mulf %parallel_loop3A_145, %parallel_loop3A_147 : vector<16xf32>
            %parallel_loop3A_149 = math.exp %parallel_loop3A_148 : vector<16xf32>
            %parallel_loop3A_150 = arith.mulf %parallel_loop3A_145, %parallel_loop3A_149 : vector<16xf32>
            %parallel_loop3A_151 = arith.index_cast %parallel_loop3A_142 : i32 to index
            %parallel_loop3A_152 = tpu.vector_load %arg15[%parallel_loop3A_151] {strides = array<i32>} : memref<1280xf32, #tpu.memory_space<vmem>>, vector<16xf32>,
            tpu.vector_store %arg15[%parallel_loop3A_151], %parallel_loop3A_150 {strides = array<i32>} : memref<1280xf32, #tpu.memory_space<vmem>>, vector<16xf32>,
            %parallel_loop3A_153 = arith.index_cast %parallel_loop3A_142 : i32 to index
            %parallel_loop3A_154 = tpu.vector_load %arg18[%parallel_loop3A_153] {strides = array<i32>} : memref<1280xf32, #tpu.memory_space<vmem>>, vector<16xf32>,
            tpu.vector_store %arg18[%parallel_loop3A_153], %parallel_loop3A_149 {strides = array<i32>} : memref<1280xf32, #tpu.memory_space<vmem>>, vector<16xf32>,
          } {sc.loop_unroll_factor = 8 : i64, sc.parallel_access}
          %dma_start3A_138 = arith.constant 0 : i32
          %dma_start3A_139 = tpu.memref_slice %arg21[%dma_start3A_138] : memref<50176xf32, #tpu.memory_space<vmem_shared>> -> memref<50176xf32, #tpu.memory_space<vmem_shared>>
          tpu.enqueue_indirect_dma source(%arg15 : memref<1280xf32, #tpu.memory_space<vmem>>) target(%dma_start3A_139 : memref<50176xf32, #tpu.memory_space<vmem_shared>>) offsets(%arg9 : memref<1280xi32, #tpu.memory_space<vmem>>) semaphore(%arg23 : memref<!tpu.dma_semaphore, #tpu.memory_space<semaphore_mem>>) {add = true}
          %dma_start3A_140 = arith.constant 0 : i32
          %dma_start3A_141 = tpu.memref_slice %arg22[%dma_start3A_140] : memref<50176xf32, #tpu.memory_space<vmem_shared>> -> memref<50176xf32, #tpu.memory_space<vmem_shared>>
          tpu.enqueue_indirect_dma source(%arg18 : memref<1280xf32, #tpu.memory_space<vmem>>) target(%dma_start3A_141 : memref<50176xf32, #tpu.memory_space<vmem_shared>>) offsets(%arg9 : memref<1280xi32, #tpu.memory_space<vmem>>) semaphore(%arg23 : memref<!tpu.dma_semaphore, #tpu.memory_space<semaphore_mem>>) {add = true}
        } else {
        }
        %add3A_100 = arith.constant 2 : i32
        %add3A_101 = arith.addi %add3A_60, %add3A_100 : i32
        %ge3A_102 = arith.constant 2 : i32
        %ge3A_103 = arith.cmpi sge, %add3A_101, %ge3A_102 : i32
        %sub3A_104 = arith.constant 2 : i32
        %sub3A_105 = arith.subi %add3A_101, %sub3A_104 : i32
        %lt3A_106 = arith.cmpi slt, %sub3A_105, %add3A_7 : i32
        %and3A_107 = arith.andi %ge3A_103, %lt3A_106 : i1
        %convert_element_type3A_108 = arith.extui %and3A_107 : i1 to i32
        %cond3A_109 = arith.constant 0 : i32
        %cond3A_110 = arith.cmpi ne, %convert_element_type3A_108, %cond3A_109 : i32
        scf.if %cond3A_110 {
          %dma_wait3A = arith.constant 0 : i32
          %dma_wait3A_121 = tpu.memref_slice %arg21[%dma_wait3A] : memref<50176xf32, #tpu.memory_space<vmem_shared>> -> memref<50176xf32, #tpu.memory_space<vmem_shared>>
          tpu.wait_indirect_dma semaphore(%arg23 : memref<!tpu.dma_semaphore, #tpu.memory_space<semaphore_mem>>) src(%arg14 : memref<1280xf32, #tpu.memory_space<vmem>>) dst(%dma_wait3A_121 : memref<50176xf32, #tpu.memory_space<vmem_shared>>)
          %dma_wait3A_122 = arith.constant 0 : i32
          %dma_wait3A_123 = tpu.memref_slice %arg22[%dma_wait3A_122] : memref<50176xf32, #tpu.memory_space<vmem_shared>> -> memref<50176xf32, #tpu.memory_space<vmem_shared>>
          tpu.wait_indirect_dma semaphore(%arg23 : memref<!tpu.dma_semaphore, #tpu.memory_space<semaphore_mem>>) src(%arg17 : memref<1280xf32, #tpu.memory_space<vmem>>) dst(%dma_wait3A_123 : memref<50176xf32, #tpu.memory_space<vmem_shared>>)
        } else {
        }
        %add3A_111 = arith.constant 1 : i32
        %add3A_112 = arith.addi %add3A_101, %add3A_111 : i32
        %lt3A_113 = arith.cmpi slt, %add3A_112, %add3A_7 : i32
        %convert_element_type3A_114 = arith.extui %lt3A_113 : i1 to i32
        %cond3A_115 = arith.constant 0 : i32
        %cond3A_116 = arith.cmpi ne, %convert_element_type3A_114, %cond3A_115 : i32
        scf.if %cond3A_116 {
          %add3A_121 = arith.constant 1 : i32
          %add3A_122 = arith.addi %add3A_101, %add3A_121 : i32
          %mul3A_123 = arith.constant 16 : i32
          %mul3A_124 = arith.muli %add3A_122, %mul3A_123 : i32
          %add3A_125 = arith.addi %arg1, %mul3A_124 : i32
          %mul3A_126 = arith.constant 1280 : i32
          %mul3A_127 = arith.muli %add3A_125, %mul3A_126 : i32
          %dma_start3A_128 = arith.constant 0 : i32
          %dma_start3A_129 = tpu.memref_slice %arg3[%dma_start3A_128, %mul3A_127] : memref<2x800000xi32, #tpu.memory_space<hbm>> -> memref<1x1280xi32, #tpu.memory_space<hbm>>
          %dma_start3A_130 = tpu.memref_squeeze %dma_start3A_129 : memref<1x1280xi32, #tpu.memory_space<hbm>> -> memref<1280xi32, #tpu.memory_space<hbm>>
          %dma_start3A_131 = tpu.memref_slice %arg3[%dma_start3A_128, %mul3A_127] : memref<2x800000xi32, #tpu.memory_space<hbm>> -> memref<1x1280xi32, #tpu.memory_space<hbm>>
          %dma_start3A_132 = tpu.memref_squeeze %dma_start3A_131 : memref<1x1280xi32, #tpu.memory_space<hbm>> -> memref<1280xi32, #tpu.memory_space<hbm>>
          tpu.enqueue_dma source(%dma_start3A_132 : memref<1280xi32, #tpu.memory_space<hbm>>) target(%arg8 : memref<1280xi32, #tpu.memory_space<vmem>>) target_semaphore(%arg24 : memref<!tpu.dma_semaphore, #tpu.memory_space<semaphore_mem>>)
          %dma_start3A_133 = arith.constant 1 : i32
          %dma_start3A_134 = tpu.memref_slice %arg3[%dma_start3A_133, %mul3A_127] : memref<2x800000xi32, #tpu.memory_space<hbm>> -> memref<1x1280xi32, #tpu.memory_space<hbm>>
          %dma_start3A_135 = tpu.memref_squeeze %dma_start3A_134 : memref<1x1280xi32, #tpu.memory_space<hbm>> -> memref<1280xi32, #tpu.memory_space<hbm>>
          %dma_start3A_136 = tpu.memref_slice %arg3[%dma_start3A_133, %mul3A_127] : memref<2x800000xi32, #tpu.memory_space<hbm>> -> memref<1x1280xi32, #tpu.memory_space<hbm>>
          %dma_start3A_137 = tpu.memref_squeeze %dma_start3A_136 : memref<1x1280xi32, #tpu.memory_space<hbm>> -> memref<1280xi32, #tpu.memory_space<hbm>>
          tpu.enqueue_dma source(%dma_start3A_137 : memref<1280xi32, #tpu.memory_space<hbm>>) target(%arg11 : memref<1280xi32, #tpu.memory_space<vmem>>) target_semaphore(%arg24 : memref<!tpu.dma_semaphore, #tpu.memory_space<semaphore_mem>>)
        } else {
        }
        %lt3A_117 = arith.cmpi slt, %add3A_101, %add3A_7 : i32
        %convert_element_type3A_118 = arith.extui %lt3A_117 : i1 to i32
        %cond3A_119 = arith.constant 0 : i32
        %cond3A_120 = arith.cmpi ne, %convert_element_type3A_118, %cond3A_119 : i32
        scf.if %cond3A_120 {
          %mul3A_121 = arith.constant 16 : i32
          %mul3A_122 = arith.muli %add3A_101, %mul3A_121 : i32
          %add3A_123 = arith.addi %arg1, %mul3A_122 : i32
          %mul3A_124 = arith.constant 1280 : i32
          %mul3A_125 = arith.muli %add3A_123, %mul3A_124 : i32
          %dma_wait3A = arith.constant 0 : i32
          %dma_wait3A_126 = tpu.memref_slice %arg3[%dma_wait3A, %mul3A_125] : memref<2x800000xi32, #tpu.memory_space<hbm>> -> memref<1x1280xi32, #tpu.memory_space<hbm>>
          %dma_wait3A_127 = tpu.memref_squeeze %dma_wait3A_126 : memref<1x1280xi32, #tpu.memory_space<hbm>> -> memref<1280xi32, #tpu.memory_space<hbm>>
          %dma_wait3A_128 = tpu.memref_slice %arg3[%dma_wait3A, %mul3A_125] : memref<2x800000xi32, #tpu.memory_space<hbm>> -> memref<1x1280xi32, #tpu.memory_space<hbm>>
          %dma_wait3A_129 = tpu.memref_squeeze %dma_wait3A_128 : memref<1x1280xi32, #tpu.memory_space<hbm>> -> memref<1280xi32, #tpu.memory_space<hbm>>
          tpu.wait_dma2 semaphore(%arg24 : memref<!tpu.dma_semaphore, #tpu.memory_space<semaphore_mem>>) src(%dma_wait3A_129 : memref<1280xi32, #tpu.memory_space<hbm>>) dst(%arg10 : memref<1280xi32, #tpu.memory_space<vmem>>)
          %dma_wait3A_130 = arith.constant 1 : i32
          %dma_wait3A_131 = tpu.memref_slice %arg3[%dma_wait3A_130, %mul3A_125] : memref<2x800000xi32, #tpu.memory_space<hbm>> -> memref<1x1280xi32, #tpu.memory_space<hbm>>
          %dma_wait3A_132 = tpu.memref_squeeze %dma_wait3A_131 : memref<1x1280xi32, #tpu.memory_space<hbm>> -> memref<1280xi32, #tpu.memory_space<hbm>>
          %dma_wait3A_133 = tpu.memref_slice %arg3[%dma_wait3A_130, %mul3A_125] : memref<2x800000xi32, #tpu.memory_space<hbm>> -> memref<1x1280xi32, #tpu.memory_space<hbm>>
          %dma_wait3A_134 = tpu.memref_squeeze %dma_wait3A_133 : memref<1x1280xi32, #tpu.memory_space<hbm>> -> memref<1280xi32, #tpu.memory_space<hbm>>
          tpu.wait_dma2 semaphore(%arg24 : memref<!tpu.dma_semaphore, #tpu.memory_space<semaphore_mem>>) src(%dma_wait3A_134 : memref<1280xi32, #tpu.memory_space<hbm>>) dst(%arg13 : memref<1280xi32, #tpu.memory_space<vmem>>)
          %parallel_loop3A_135 = arith.constant 0 : i32
          %parallel_loop3A_136 = arith.constant 1280 : i32
          %parallel_loop3A_137 = arith.constant 16 : i32
          scf.for %parallel_loop3A_142 = %parallel_loop3A_135 to %parallel_loop3A_136 step %parallel_loop3A_137  : i32 {
            %parallel_loop3A_143 = arith.index_cast %parallel_loop3A_142 : i32 to index
            %parallel_loop3A_144 = tpu.vector_load %arg13[%parallel_loop3A_143] {strides = array<i32>} : memref<1280xi32, #tpu.memory_space<vmem>>, vector<16xi32>,
            %parallel_loop3A_145 = tpu.vector_load_idx %arg7[%parallel_loop3A_144] : memref<50000xf32, #tpu.memory_space<vmem>>[vector<16xi32>], vector<16xf32>,
            %parallel_loop3A_146 = arith.constant 5.000000e+00 : f32
            %parallel_loop3A_147 = vector.broadcast %parallel_loop3A_146 : f32 to vector<16xf32>
            %parallel_loop3A_148 = arith.mulf %parallel_loop3A_145, %parallel_loop3A_147 : vector<16xf32>
            %parallel_loop3A_149 = math.exp %parallel_loop3A_148 : vector<16xf32>
            %parallel_loop3A_150 = arith.mulf %parallel_loop3A_145, %parallel_loop3A_149 : vector<16xf32>
            %parallel_loop3A_151 = arith.index_cast %parallel_loop3A_142 : i32 to index
            %parallel_loop3A_152 = tpu.vector_load %arg16[%parallel_loop3A_151] {strides = array<i32>} : memref<1280xf32, #tpu.memory_space<vmem>>, vector<16xf32>,
            tpu.vector_store %arg16[%parallel_loop3A_151], %parallel_loop3A_150 {strides = array<i32>} : memref<1280xf32, #tpu.memory_space<vmem>>, vector<16xf32>,
            %parallel_loop3A_153 = arith.index_cast %parallel_loop3A_142 : i32 to index
            %parallel_loop3A_154 = tpu.vector_load %arg19[%parallel_loop3A_153] {strides = array<i32>} : memref<1280xf32, #tpu.memory_space<vmem>>, vector<16xf32>,
            tpu.vector_store %arg19[%parallel_loop3A_153], %parallel_loop3A_149 {strides = array<i32>} : memref<1280xf32, #tpu.memory_space<vmem>>, vector<16xf32>,
          } {sc.loop_unroll_factor = 8 : i64, sc.parallel_access}
          %dma_start3A_138 = arith.constant 0 : i32
          %dma_start3A_139 = tpu.memref_slice %arg21[%dma_start3A_138] : memref<50176xf32, #tpu.memory_space<vmem_shared>> -> memref<50176xf32, #tpu.memory_space<vmem_shared>>
          tpu.enqueue_indirect_dma source(%arg16 : memref<1280xf32, #tpu.memory_space<vmem>>) target(%dma_start3A_139 : memref<50176xf32, #tpu.memory_space<vmem_shared>>) offsets(%arg10 : memref<1280xi32, #tpu.memory_space<vmem>>) semaphore(%arg23 : memref<!tpu.dma_semaphore, #tpu.memory_space<semaphore_mem>>) {add = true}
          %dma_start3A_140 = arith.constant 0 : i32
          %dma_start3A_141 = tpu.memref_slice %arg22[%dma_start3A_140] : memref<50176xf32, #tpu.memory_space<vmem_shared>> -> memref<50176xf32, #tpu.memory_space<vmem_shared>>
          tpu.enqueue_indirect_dma source(%arg19 : memref<1280xf32, #tpu.memory_space<vmem>>) target(%dma_start3A_141 : memref<50176xf32, #tpu.memory_space<vmem_shared>>) offsets(%arg10 : memref<1280xi32, #tpu.memory_space<vmem>>) semaphore(%arg23 : memref<!tpu.dma_semaphore, #tpu.memory_space<semaphore_mem>>) {add = true}
        } else {
        }
      }
    } else {
    }
    %eq3A_10 = arith.constant 1 : i32
    %eq3A_11 = arith.cmpi eq, %arg0, %eq3A_10 : i32
    %convert_element_type3A_12 = arith.extui %eq3A_11 : i1 to i32
    %cond3A_13 = arith.constant 0 : i32
    %cond3A_14 = arith.cmpi ne, %convert_element_type3A_12, %cond3A_13 : i32
    scf.if %cond3A_14 {
      %add3A_25 = arith.constant 0 : i32
      %add3A_26 = arith.addi %arg1, %add3A_25 : i32
      %mul3A_27 = arith.constant 1280 : i32
      %mul3A_28 = arith.muli %add3A_26, %mul3A_27 : i32
      %dma_start3A = arith.constant 0 : i32
      %dma_start3A_29 = tpu.memref_slice %arg4[%dma_start3A, %mul3A_28] : memref<2x800000xi32, #tpu.memory_space<hbm>> -> memref<1x1280xi32, #tpu.memory_space<hbm>>
      %dma_start3A_30 = tpu.memref_squeeze %dma_start3A_29 : memref<1x1280xi32, #tpu.memory_space<hbm>> -> memref<1280xi32, #tpu.memory_space<hbm>>
      %dma_start3A_31 = tpu.memref_slice %arg4[%dma_start3A, %mul3A_28] : memref<2x800000xi32, #tpu.memory_space<hbm>> -> memref<1x1280xi32, #tpu.memory_space<hbm>>
      %dma_start3A_32 = tpu.memref_squeeze %dma_start3A_31 : memref<1x1280xi32, #tpu.memory_space<hbm>> -> memref<1280xi32, #tpu.memory_space<hbm>>
      tpu.enqueue_dma source(%dma_start3A_32 : memref<1280xi32, #tpu.memory_space<hbm>>) target(%arg8 : memref<1280xi32, #tpu.memory_space<vmem>>) target_semaphore(%arg24 : memref<!tpu.dma_semaphore, #tpu.memory_space<semaphore_mem>>)
      %dma_start3A_33 = arith.constant 1 : i32
      %dma_start3A_34 = tpu.memref_slice %arg4[%dma_start3A_33, %mul3A_28] : memref<2x800000xi32, #tpu.memory_space<hbm>> -> memref<1x1280xi32, #tpu.memory_space<hbm>>
      %dma_start3A_35 = tpu.memref_squeeze %dma_start3A_34 : memref<1x1280xi32, #tpu.memory_space<hbm>> -> memref<1280xi32, #tpu.memory_space<hbm>>
      %dma_start3A_36 = tpu.memref_slice %arg4[%dma_start3A_33, %mul3A_28] : memref<2x800000xi32, #tpu.memory_space<hbm>> -> memref<1x1280xi32, #tpu.memory_space<hbm>>
      %dma_start3A_37 = tpu.memref_squeeze %dma_start3A_36 : memref<1x1280xi32, #tpu.memory_space<hbm>> -> memref<1280xi32, #tpu.memory_space<hbm>>
      tpu.enqueue_dma source(%dma_start3A_37 : memref<1280xi32, #tpu.memory_space<hbm>>) target(%arg11 : memref<1280xi32, #tpu.memory_space<vmem>>) target_semaphore(%arg24 : memref<!tpu.dma_semaphore, #tpu.memory_space<semaphore_mem>>)
      %add3A_38 = arith.constant 2 : i32
      %add3A_39 = arith.addi %add3A_7, %add3A_38 : i32
      %sub3A_40 = arith.constant 0 : i32
      %sub3A_41 = arith.subi %add3A_39, %sub3A_40 : i32
      %sub3A_42 = arith.constant 3 : i32
      %sub3A_43 = arith.constant 1 : i32
      %sub3A_44 = arith.subi %sub3A_42, %sub3A_43 : i32
      %add3A_45 = arith.addi %sub3A_41, %sub3A_44 : i32
      %div3A_46 = arith.constant 3 : i32
      %div3A_47 = arith.divsi %add3A_45, %div3A_46 : i32
      %while3A = arith.constant 3 : i32
      %while3A_48 = arith.constant 0 : i32
      %while3A_49 = arith.constant 0 : i32
      %while3A_50 = arith.subi %div3A_47, %while3A_49 : i32
      %while3A_51 = arith.addi %while3A_49, %while3A_50 : i32
      %while3A_52 = arith.constant 1 : i32
      %while3A_53 = arith.divsi %while3A_50, %while3A_52 : i32
      %while3A_54 = arith.muli %while3A_53, %while3A_52 : i32
      %while3A_55 = arith.addi %while3A_49, %while3A_54 : i32
      %while3A_56 = arith.constant 1 : i32
      scf.for %while3A_58 = %while3A_49 to %while3A_55 step %while3A_56  : i32 {
        %mul3A_59 = arith.muli %while3A_58, %while3A : i32
        %add3A_60 = arith.addi %while3A_48, %mul3A_59 : i32
        %add3A_61 = arith.constant 0 : i32
        %add3A_62 = arith.addi %add3A_60, %add3A_61 : i32
        %ge3A = arith.constant 2 : i32
        %ge3A_63 = arith.cmpi sge, %add3A_62, %ge3A : i32
        %sub3A_64 = arith.constant 2 : i32
        %sub3A_65 = arith.subi %add3A_62, %sub3A_64 : i32
        %lt3A = arith.cmpi slt, %sub3A_65, %add3A_7 : i32
        %and3A = arith.andi %ge3A_63, %lt3A : i1
        %convert_element_type3A_66 = arith.extui %and3A : i1 to i32
        %cond3A_67 = arith.constant 0 : i32
        %cond3A_68 = arith.cmpi ne, %convert_element_type3A_66, %cond3A_67 : i32
        scf.if %cond3A_68 {
          %dma_wait3A = arith.constant 0 : i32
          %dma_wait3A_121 = tpu.memref_slice %arg21[%dma_wait3A] : memref<50176xf32, #tpu.memory_space<vmem_shared>> -> memref<50176xf32, #tpu.memory_space<vmem_shared>>
          tpu.wait_indirect_dma semaphore(%arg23 : memref<!tpu.dma_semaphore, #tpu.memory_space<semaphore_mem>>) src(%arg15 : memref<1280xf32, #tpu.memory_space<vmem>>) dst(%dma_wait3A_121 : memref<50176xf32, #tpu.memory_space<vmem_shared>>)
          %dma_wait3A_122 = arith.constant 0 : i32
          %dma_wait3A_123 = tpu.memref_slice %arg22[%dma_wait3A_122] : memref<50176xf32, #tpu.memory_space<vmem_shared>> -> memref<50176xf32, #tpu.memory_space<vmem_shared>>
          tpu.wait_indirect_dma semaphore(%arg23 : memref<!tpu.dma_semaphore, #tpu.memory_space<semaphore_mem>>) src(%arg18 : memref<1280xf32, #tpu.memory_space<vmem>>) dst(%dma_wait3A_123 : memref<50176xf32, #tpu.memory_space<vmem_shared>>)
        } else {
        }
        %add3A_69 = arith.constant 1 : i32
        %add3A_70 = arith.addi %add3A_62, %add3A_69 : i32
        %lt3A_71 = arith.cmpi slt, %add3A_70, %add3A_7 : i32
        %convert_element_type3A_72 = arith.extui %lt3A_71 : i1 to i32
        %cond3A_73 = arith.constant 0 : i32
        %cond3A_74 = arith.cmpi ne, %convert_element_type3A_72, %cond3A_73 : i32
        scf.if %cond3A_74 {
          %add3A_121 = arith.constant 1 : i32
          %add3A_122 = arith.addi %add3A_62, %add3A_121 : i32
          %mul3A_123 = arith.constant 16 : i32
          %mul3A_124 = arith.muli %add3A_122, %mul3A_123 : i32
          %add3A_125 = arith.addi %arg1, %mul3A_124 : i32
          %mul3A_126 = arith.constant 1280 : i32
          %mul3A_127 = arith.muli %add3A_125, %mul3A_126 : i32
          %dma_start3A_128 = arith.constant 0 : i32
          %dma_start3A_129 = tpu.memref_slice %arg4[%dma_start3A_128, %mul3A_127] : memref<2x800000xi32, #tpu.memory_space<hbm>> -> memref<1x1280xi32, #tpu.memory_space<hbm>>
          %dma_start3A_130 = tpu.memref_squeeze %dma_start3A_129 : memref<1x1280xi32, #tpu.memory_space<hbm>> -> memref<1280xi32, #tpu.memory_space<hbm>>
          %dma_start3A_131 = tpu.memref_slice %arg4[%dma_start3A_128, %mul3A_127] : memref<2x800000xi32, #tpu.memory_space<hbm>> -> memref<1x1280xi32, #tpu.memory_space<hbm>>
          %dma_start3A_132 = tpu.memref_squeeze %dma_start3A_131 : memref<1x1280xi32, #tpu.memory_space<hbm>> -> memref<1280xi32, #tpu.memory_space<hbm>>
          tpu.enqueue_dma source(%dma_start3A_132 : memref<1280xi32, #tpu.memory_space<hbm>>) target(%arg9 : memref<1280xi32, #tpu.memory_space<vmem>>) target_semaphore(%arg24 : memref<!tpu.dma_semaphore, #tpu.memory_space<semaphore_mem>>)
          %dma_start3A_133 = arith.constant 1 : i32
          %dma_start3A_134 = tpu.memref_slice %arg4[%dma_start3A_133, %mul3A_127] : memref<2x800000xi32, #tpu.memory_space<hbm>> -> memref<1x1280xi32, #tpu.memory_space<hbm>>
          %dma_start3A_135 = tpu.memref_squeeze %dma_start3A_134 : memref<1x1280xi32, #tpu.memory_space<hbm>> -> memref<1280xi32, #tpu.memory_space<hbm>>
          %dma_start3A_136 = tpu.memref_slice %arg4[%dma_start3A_133, %mul3A_127] : memref<2x800000xi32, #tpu.memory_space<hbm>> -> memref<1x1280xi32, #tpu.memory_space<hbm>>
          %dma_start3A_137 = tpu.memref_squeeze %dma_start3A_136 : memref<1x1280xi32, #tpu.memory_space<hbm>> -> memref<1280xi32, #tpu.memory_space<hbm>>
          tpu.enqueue_dma source(%dma_start3A_137 : memref<1280xi32, #tpu.memory_space<hbm>>) target(%arg12 : memref<1280xi32, #tpu.memory_space<vmem>>) target_semaphore(%arg24 : memref<!tpu.dma_semaphore, #tpu.memory_space<semaphore_mem>>)
        } else {
        }
        %lt3A_75 = arith.cmpi slt, %add3A_62, %add3A_7 : i32
        %convert_element_type3A_76 = arith.extui %lt3A_75 : i1 to i32
        %cond3A_77 = arith.constant 0 : i32
        %cond3A_78 = arith.cmpi ne, %convert_element_type3A_76, %cond3A_77 : i32
        scf.if %cond3A_78 {
          %mul3A_121 = arith.constant 16 : i32
          %mul3A_122 = arith.muli %add3A_62, %mul3A_121 : i32
          %add3A_123 = arith.addi %arg1, %mul3A_122 : i32
          %mul3A_124 = arith.constant 1280 : i32
          %mul3A_125 = arith.muli %add3A_123, %mul3A_124 : i32
          %dma_wait3A = arith.constant 0 : i32
          %dma_wait3A_126 = tpu.memref_slice %arg4[%dma_wait3A, %mul3A_125] : memref<2x800000xi32, #tpu.memory_space<hbm>> -> memref<1x1280xi32, #tpu.memory_space<hbm>>
          %dma_wait3A_127 = tpu.memref_squeeze %dma_wait3A_126 : memref<1x1280xi32, #tpu.memory_space<hbm>> -> memref<1280xi32, #tpu.memory_space<hbm>>
          %dma_wait3A_128 = tpu.memref_slice %arg4[%dma_wait3A, %mul3A_125] : memref<2x800000xi32, #tpu.memory_space<hbm>> -> memref<1x1280xi32, #tpu.memory_space<hbm>>
          %dma_wait3A_129 = tpu.memref_squeeze %dma_wait3A_128 : memref<1x1280xi32, #tpu.memory_space<hbm>> -> memref<1280xi32, #tpu.memory_space<hbm>>
          tpu.wait_dma2 semaphore(%arg24 : memref<!tpu.dma_semaphore, #tpu.memory_space<semaphore_mem>>) src(%dma_wait3A_129 : memref<1280xi32, #tpu.memory_space<hbm>>) dst(%arg8 : memref<1280xi32, #tpu.memory_space<vmem>>)
          %dma_wait3A_130 = arith.constant 1 : i32
          %dma_wait3A_131 = tpu.memref_slice %arg4[%dma_wait3A_130, %mul3A_125] : memref<2x800000xi32, #tpu.memory_space<hbm>> -> memref<1x1280xi32, #tpu.memory_space<hbm>>
          %dma_wait3A_132 = tpu.memref_squeeze %dma_wait3A_131 : memref<1x1280xi32, #tpu.memory_space<hbm>> -> memref<1280xi32, #tpu.memory_space<hbm>>
          %dma_wait3A_133 = tpu.memref_slice %arg4[%dma_wait3A_130, %mul3A_125] : memref<2x800000xi32, #tpu.memory_space<hbm>> -> memref<1x1280xi32, #tpu.memory_space<hbm>>
          %dma_wait3A_134 = tpu.memref_squeeze %dma_wait3A_133 : memref<1x1280xi32, #tpu.memory_space<hbm>> -> memref<1280xi32, #tpu.memory_space<hbm>>
          tpu.wait_dma2 semaphore(%arg24 : memref<!tpu.dma_semaphore, #tpu.memory_space<semaphore_mem>>) src(%dma_wait3A_134 : memref<1280xi32, #tpu.memory_space<hbm>>) dst(%arg11 : memref<1280xi32, #tpu.memory_space<vmem>>)
          %parallel_loop3A_135 = arith.constant 0 : i32
          %parallel_loop3A_136 = arith.constant 1280 : i32
          %parallel_loop3A_137 = arith.constant 16 : i32
          scf.for %parallel_loop3A_142 = %parallel_loop3A_135 to %parallel_loop3A_136 step %parallel_loop3A_137  : i32 {
            %parallel_loop3A_143 = arith.index_cast %parallel_loop3A_142 : i32 to index
            %parallel_loop3A_144 = tpu.vector_load %arg11[%parallel_loop3A_143] {strides = array<i32>} : memref<1280xi32, #tpu.memory_space<vmem>>, vector<16xi32>,
            %parallel_loop3A_145 = tpu.vector_load_idx %arg7[%parallel_loop3A_144] : memref<50000xf32, #tpu.memory_space<vmem>>[vector<16xi32>], vector<16xf32>,
            %parallel_loop3A_146 = arith.constant 1.000000e+00 : f32
            %parallel_loop3A_147 = vector.broadcast %parallel_loop3A_146 : f32 to vector<16xf32>
            %parallel_loop3A_148 = arith.subf %parallel_loop3A_147, %parallel_loop3A_145 : vector<16xf32>
            %parallel_loop3A_149 = arith.constant 5.000000e+00 : f32
            %parallel_loop3A_150 = vector.broadcast %parallel_loop3A_149 : f32 to vector<16xf32>
            %parallel_loop3A_151 = arith.mulf %parallel_loop3A_148, %parallel_loop3A_150 : vector<16xf32>
            %parallel_loop3A_152 = math.exp %parallel_loop3A_151 : vector<16xf32>
            %parallel_loop3A_153 = arith.mulf %parallel_loop3A_148, %parallel_loop3A_152 : vector<16xf32>
            %parallel_loop3A_154 = arith.index_cast %parallel_loop3A_142 : i32 to index
            %parallel_loop3A_155 = tpu.vector_load %arg14[%parallel_loop3A_154] {strides = array<i32>} : memref<1280xf32, #tpu.memory_space<vmem>>, vector<16xf32>,
            tpu.vector_store %arg14[%parallel_loop3A_154], %parallel_loop3A_153 {strides = array<i32>} : memref<1280xf32, #tpu.memory_space<vmem>>, vector<16xf32>,
            %parallel_loop3A_156 = arith.index_cast %parallel_loop3A_142 : i32 to index
            %parallel_loop3A_157 = tpu.vector_load %arg17[%parallel_loop3A_156] {strides = array<i32>} : memref<1280xf32, #tpu.memory_space<vmem>>, vector<16xf32>,
            tpu.vector_store %arg17[%parallel_loop3A_156], %parallel_loop3A_152 {strides = array<i32>} : memref<1280xf32, #tpu.memory_space<vmem>>, vector<16xf32>,
          } {sc.loop_unroll_factor = 8 : i64, sc.parallel_access}
          %dma_start3A_138 = arith.constant 0 : i32
          %dma_start3A_139 = tpu.memref_slice %arg21[%dma_start3A_138] : memref<50176xf32, #tpu.memory_space<vmem_shared>> -> memref<50176xf32, #tpu.memory_space<vmem_shared>>
          tpu.enqueue_indirect_dma source(%arg14 : memref<1280xf32, #tpu.memory_space<vmem>>) target(%dma_start3A_139 : memref<50176xf32, #tpu.memory_space<vmem_shared>>) offsets(%arg8 : memref<1280xi32, #tpu.memory_space<vmem>>) semaphore(%arg23 : memref<!tpu.dma_semaphore, #tpu.memory_space<semaphore_mem>>) {add = true}
          %dma_start3A_140 = arith.constant 0 : i32
          %dma_start3A_141 = tpu.memref_slice %arg22[%dma_start3A_140] : memref<50176xf32, #tpu.memory_space<vmem_shared>> -> memref<50176xf32, #tpu.memory_space<vmem_shared>>
          tpu.enqueue_indirect_dma source(%arg17 : memref<1280xf32, #tpu.memory_space<vmem>>) target(%dma_start3A_141 : memref<50176xf32, #tpu.memory_space<vmem_shared>>) offsets(%arg8 : memref<1280xi32, #tpu.memory_space<vmem>>) semaphore(%arg23 : memref<!tpu.dma_semaphore, #tpu.memory_space<semaphore_mem>>) {add = true}
        } else {
        }
        %add3A_79 = arith.constant 1 : i32
        %add3A_80 = arith.addi %add3A_60, %add3A_79 : i32
        %ge3A_81 = arith.constant 2 : i32
        %ge3A_82 = arith.cmpi sge, %add3A_80, %ge3A_81 : i32
        %sub3A_83 = arith.constant 2 : i32
        %sub3A_84 = arith.subi %add3A_80, %sub3A_83 : i32
        %lt3A_85 = arith.cmpi slt, %sub3A_84, %add3A_7 : i32
        %and3A_86 = arith.andi %ge3A_82, %lt3A_85 : i1
        %convert_element_type3A_87 = arith.extui %and3A_86 : i1 to i32
        %cond3A_88 = arith.constant 0 : i32
        %cond3A_89 = arith.cmpi ne, %convert_element_type3A_87, %cond3A_88 : i32
        scf.if %cond3A_89 {
          %dma_wait3A = arith.constant 0 : i32
          %dma_wait3A_121 = tpu.memref_slice %arg21[%dma_wait3A] : memref<50176xf32, #tpu.memory_space<vmem_shared>> -> memref<50176xf32, #tpu.memory_space<vmem_shared>>
          tpu.wait_indirect_dma semaphore(%arg23 : memref<!tpu.dma_semaphore, #tpu.memory_space<semaphore_mem>>) src(%arg16 : memref<1280xf32, #tpu.memory_space<vmem>>) dst(%dma_wait3A_121 : memref<50176xf32, #tpu.memory_space<vmem_shared>>)
          %dma_wait3A_122 = arith.constant 0 : i32
          %dma_wait3A_123 = tpu.memref_slice %arg22[%dma_wait3A_122] : memref<50176xf32, #tpu.memory_space<vmem_shared>> -> memref<50176xf32, #tpu.memory_space<vmem_shared>>
          tpu.wait_indirect_dma semaphore(%arg23 : memref<!tpu.dma_semaphore, #tpu.memory_space<semaphore_mem>>) src(%arg19 : memref<1280xf32, #tpu.memory_space<vmem>>) dst(%dma_wait3A_123 : memref<50176xf32, #tpu.memory_space<vmem_shared>>)
        } else {
        }
        %add3A_90 = arith.constant 1 : i32
        %add3A_91 = arith.addi %add3A_80, %add3A_90 : i32
        %lt3A_92 = arith.cmpi slt, %add3A_91, %add3A_7 : i32
        %convert_element_type3A_93 = arith.extui %lt3A_92 : i1 to i32
        %cond3A_94 = arith.constant 0 : i32
        %cond3A_95 = arith.cmpi ne, %convert_element_type3A_93, %cond3A_94 : i32
        scf.if %cond3A_95 {
          %add3A_121 = arith.constant 1 : i32
          %add3A_122 = arith.addi %add3A_80, %add3A_121 : i32
          %mul3A_123 = arith.constant 16 : i32
          %mul3A_124 = arith.muli %add3A_122, %mul3A_123 : i32
          %add3A_125 = arith.addi %arg1, %mul3A_124 : i32
          %mul3A_126 = arith.constant 1280 : i32
          %mul3A_127 = arith.muli %add3A_125, %mul3A_126 : i32
          %dma_start3A_128 = arith.constant 0 : i32
          %dma_start3A_129 = tpu.memref_slice %arg4[%dma_start3A_128, %mul3A_127] : memref<2x800000xi32, #tpu.memory_space<hbm>> -> memref<1x1280xi32, #tpu.memory_space<hbm>>
          %dma_start3A_130 = tpu.memref_squeeze %dma_start3A_129 : memref<1x1280xi32, #tpu.memory_space<hbm>> -> memref<1280xi32, #tpu.memory_space<hbm>>
          %dma_start3A_131 = tpu.memref_slice %arg4[%dma_start3A_128, %mul3A_127] : memref<2x800000xi32, #tpu.memory_space<hbm>> -> memref<1x1280xi32, #tpu.memory_space<hbm>>
          %dma_start3A_132 = tpu.memref_squeeze %dma_start3A_131 : memref<1x1280xi32, #tpu.memory_space<hbm>> -> memref<1280xi32, #tpu.memory_space<hbm>>
          tpu.enqueue_dma source(%dma_start3A_132 : memref<1280xi32, #tpu.memory_space<hbm>>) target(%arg10 : memref<1280xi32, #tpu.memory_space<vmem>>) target_semaphore(%arg24 : memref<!tpu.dma_semaphore, #tpu.memory_space<semaphore_mem>>)
          %dma_start3A_133 = arith.constant 1 : i32
          %dma_start3A_134 = tpu.memref_slice %arg4[%dma_start3A_133, %mul3A_127] : memref<2x800000xi32, #tpu.memory_space<hbm>> -> memref<1x1280xi32, #tpu.memory_space<hbm>>
          %dma_start3A_135 = tpu.memref_squeeze %dma_start3A_134 : memref<1x1280xi32, #tpu.memory_space<hbm>> -> memref<1280xi32, #tpu.memory_space<hbm>>
          %dma_start3A_136 = tpu.memref_slice %arg4[%dma_start3A_133, %mul3A_127] : memref<2x800000xi32, #tpu.memory_space<hbm>> -> memref<1x1280xi32, #tpu.memory_space<hbm>>
          %dma_start3A_137 = tpu.memref_squeeze %dma_start3A_136 : memref<1x1280xi32, #tpu.memory_space<hbm>> -> memref<1280xi32, #tpu.memory_space<hbm>>
          tpu.enqueue_dma source(%dma_start3A_137 : memref<1280xi32, #tpu.memory_space<hbm>>) target(%arg13 : memref<1280xi32, #tpu.memory_space<vmem>>) target_semaphore(%arg24 : memref<!tpu.dma_semaphore, #tpu.memory_space<semaphore_mem>>)
        } else {
        }
        %lt3A_96 = arith.cmpi slt, %add3A_80, %add3A_7 : i32
        %convert_element_type3A_97 = arith.extui %lt3A_96 : i1 to i32
        %cond3A_98 = arith.constant 0 : i32
        %cond3A_99 = arith.cmpi ne, %convert_element_type3A_97, %cond3A_98 : i32
        scf.if %cond3A_99 {
          %mul3A_121 = arith.constant 16 : i32
          %mul3A_122 = arith.muli %add3A_80, %mul3A_121 : i32
          %add3A_123 = arith.addi %arg1, %mul3A_122 : i32
          %mul3A_124 = arith.constant 1280 : i32
          %mul3A_125 = arith.muli %add3A_123, %mul3A_124 : i32
          %dma_wait3A = arith.constant 0 : i32
          %dma_wait3A_126 = tpu.memref_slice %arg4[%dma_wait3A, %mul3A_125] : memref<2x800000xi32, #tpu.memory_space<hbm>> -> memref<1x1280xi32, #tpu.memory_space<hbm>>
          %dma_wait3A_127 = tpu.memref_squeeze %dma_wait3A_126 : memref<1x1280xi32, #tpu.memory_space<hbm>> -> memref<1280xi32, #tpu.memory_space<hbm>>
          %dma_wait3A_128 = tpu.memref_slice %arg4[%dma_wait3A, %mul3A_125] : memref<2x800000xi32, #tpu.memory_space<hbm>> -> memref<1x1280xi32, #tpu.memory_space<hbm>>
          %dma_wait3A_129 = tpu.memref_squeeze %dma_wait3A_128 : memref<1x1280xi32, #tpu.memory_space<hbm>> -> memref<1280xi32, #tpu.memory_space<hbm>>
          tpu.wait_dma2 semaphore(%arg24 : memref<!tpu.dma_semaphore, #tpu.memory_space<semaphore_mem>>) src(%dma_wait3A_129 : memref<1280xi32, #tpu.memory_space<hbm>>) dst(%arg9 : memref<1280xi32, #tpu.memory_space<vmem>>)
          %dma_wait3A_130 = arith.constant 1 : i32
          %dma_wait3A_131 = tpu.memref_slice %arg4[%dma_wait3A_130, %mul3A_125] : memref<2x800000xi32, #tpu.memory_space<hbm>> -> memref<1x1280xi32, #tpu.memory_space<hbm>>
          %dma_wait3A_132 = tpu.memref_squeeze %dma_wait3A_131 : memref<1x1280xi32, #tpu.memory_space<hbm>> -> memref<1280xi32, #tpu.memory_space<hbm>>
          %dma_wait3A_133 = tpu.memref_slice %arg4[%dma_wait3A_130, %mul3A_125] : memref<2x800000xi32, #tpu.memory_space<hbm>> -> memref<1x1280xi32, #tpu.memory_space<hbm>>
          %dma_wait3A_134 = tpu.memref_squeeze %dma_wait3A_133 : memref<1x1280xi32, #tpu.memory_space<hbm>> -> memref<1280xi32, #tpu.memory_space<hbm>>
          tpu.wait_dma2 semaphore(%arg24 : memref<!tpu.dma_semaphore, #tpu.memory_space<semaphore_mem>>) src(%dma_wait3A_134 : memref<1280xi32, #tpu.memory_space<hbm>>) dst(%arg12 : memref<1280xi32, #tpu.memory_space<vmem>>)
          %parallel_loop3A_135 = arith.constant 0 : i32
          %parallel_loop3A_136 = arith.constant 1280 : i32
          %parallel_loop3A_137 = arith.constant 16 : i32
          scf.for %parallel_loop3A_142 = %parallel_loop3A_135 to %parallel_loop3A_136 step %parallel_loop3A_137  : i32 {
            %parallel_loop3A_143 = arith.index_cast %parallel_loop3A_142 : i32 to index
            %parallel_loop3A_144 = tpu.vector_load %arg12[%parallel_loop3A_143] {strides = array<i32>} : memref<1280xi32, #tpu.memory_space<vmem>>, vector<16xi32>,
            %parallel_loop3A_145 = tpu.vector_load_idx %arg7[%parallel_loop3A_144] : memref<50000xf32, #tpu.memory_space<vmem>>[vector<16xi32>], vector<16xf32>,
            %parallel_loop3A_146 = arith.constant 1.000000e+00 : f32
            %parallel_loop3A_147 = vector.broadcast %parallel_loop3A_146 : f32 to vector<16xf32>
            %parallel_loop3A_148 = arith.subf %parallel_loop3A_147, %parallel_loop3A_145 : vector<16xf32>
            %parallel_loop3A_149 = arith.constant 5.000000e+00 : f32
            %parallel_loop3A_150 = vector.broadcast %parallel_loop3A_149 : f32 to vector<16xf32>
            %parallel_loop3A_151 = arith.mulf %parallel_loop3A_148, %parallel_loop3A_150 : vector<16xf32>
            %parallel_loop3A_152 = math.exp %parallel_loop3A_151 : vector<16xf32>
            %parallel_loop3A_153 = arith.mulf %parallel_loop3A_148, %parallel_loop3A_152 : vector<16xf32>
            %parallel_loop3A_154 = arith.index_cast %parallel_loop3A_142 : i32 to index
            %parallel_loop3A_155 = tpu.vector_load %arg15[%parallel_loop3A_154] {strides = array<i32>} : memref<1280xf32, #tpu.memory_space<vmem>>, vector<16xf32>,
            tpu.vector_store %arg15[%parallel_loop3A_154], %parallel_loop3A_153 {strides = array<i32>} : memref<1280xf32, #tpu.memory_space<vmem>>, vector<16xf32>,
            %parallel_loop3A_156 = arith.index_cast %parallel_loop3A_142 : i32 to index
            %parallel_loop3A_157 = tpu.vector_load %arg18[%parallel_loop3A_156] {strides = array<i32>} : memref<1280xf32, #tpu.memory_space<vmem>>, vector<16xf32>,
            tpu.vector_store %arg18[%parallel_loop3A_156], %parallel_loop3A_152 {strides = array<i32>} : memref<1280xf32, #tpu.memory_space<vmem>>, vector<16xf32>,
          } {sc.loop_unroll_factor = 8 : i64, sc.parallel_access}
          %dma_start3A_138 = arith.constant 0 : i32
          %dma_start3A_139 = tpu.memref_slice %arg21[%dma_start3A_138] : memref<50176xf32, #tpu.memory_space<vmem_shared>> -> memref<50176xf32, #tpu.memory_space<vmem_shared>>
          tpu.enqueue_indirect_dma source(%arg15 : memref<1280xf32, #tpu.memory_space<vmem>>) target(%dma_start3A_139 : memref<50176xf32, #tpu.memory_space<vmem_shared>>) offsets(%arg9 : memref<1280xi32, #tpu.memory_space<vmem>>) semaphore(%arg23 : memref<!tpu.dma_semaphore, #tpu.memory_space<semaphore_mem>>) {add = true}
          %dma_start3A_140 = arith.constant 0 : i32
          %dma_start3A_141 = tpu.memref_slice %arg22[%dma_start3A_140] : memref<50176xf32, #tpu.memory_space<vmem_shared>> -> memref<50176xf32, #tpu.memory_space<vmem_shared>>
          tpu.enqueue_indirect_dma source(%arg18 : memref<1280xf32, #tpu.memory_space<vmem>>) target(%dma_start3A_141 : memref<50176xf32, #tpu.memory_space<vmem_shared>>) offsets(%arg9 : memref<1280xi32, #tpu.memory_space<vmem>>) semaphore(%arg23 : memref<!tpu.dma_semaphore, #tpu.memory_space<semaphore_mem>>) {add = true}
        } else {
        }
        %add3A_100 = arith.constant 2 : i32
        %add3A_101 = arith.addi %add3A_60, %add3A_100 : i32
        %ge3A_102 = arith.constant 2 : i32
        %ge3A_103 = arith.cmpi sge, %add3A_101, %ge3A_102 : i32
        %sub3A_104 = arith.constant 2 : i32
        %sub3A_105 = arith.subi %add3A_101, %sub3A_104 : i32
        %lt3A_106 = arith.cmpi slt, %sub3A_105, %add3A_7 : i32
        %and3A_107 = arith.andi %ge3A_103, %lt3A_106 : i1
        %convert_element_type3A_108 = arith.extui %and3A_107 : i1 to i32
        %cond3A_109 = arith.constant 0 : i32
        %cond3A_110 = arith.cmpi ne, %convert_element_type3A_108, %cond3A_109 : i32
        scf.if %cond3A_110 {
          %dma_wait3A = arith.constant 0 : i32
          %dma_wait3A_121 = tpu.memref_slice %arg21[%dma_wait3A] : memref<50176xf32, #tpu.memory_space<vmem_shared>> -> memref<50176xf32, #tpu.memory_space<vmem_shared>>
          tpu.wait_indirect_dma semaphore(%arg23 : memref<!tpu.dma_semaphore, #tpu.memory_space<semaphore_mem>>) src(%arg14 : memref<1280xf32, #tpu.memory_space<vmem>>) dst(%dma_wait3A_121 : memref<50176xf32, #tpu.memory_space<vmem_shared>>)
          %dma_wait3A_122 = arith.constant 0 : i32
          %dma_wait3A_123 = tpu.memref_slice %arg22[%dma_wait3A_122] : memref<50176xf32, #tpu.memory_space<vmem_shared>> -> memref<50176xf32, #tpu.memory_space<vmem_shared>>
          tpu.wait_indirect_dma semaphore(%arg23 : memref<!tpu.dma_semaphore, #tpu.memory_space<semaphore_mem>>) src(%arg17 : memref<1280xf32, #tpu.memory_space<vmem>>) dst(%dma_wait3A_123 : memref<50176xf32, #tpu.memory_space<vmem_shared>>)
        } else {
        }
        %add3A_111 = arith.constant 1 : i32
        %add3A_112 = arith.addi %add3A_101, %add3A_111 : i32
        %lt3A_113 = arith.cmpi slt, %add3A_112, %add3A_7 : i32
        %convert_element_type3A_114 = arith.extui %lt3A_113 : i1 to i32
        %cond3A_115 = arith.constant 0 : i32
        %cond3A_116 = arith.cmpi ne, %convert_element_type3A_114, %cond3A_115 : i32
        scf.if %cond3A_116 {
          %add3A_121 = arith.constant 1 : i32
          %add3A_122 = arith.addi %add3A_101, %add3A_121 : i32
          %mul3A_123 = arith.constant 16 : i32
          %mul3A_124 = arith.muli %add3A_122, %mul3A_123 : i32
          %add3A_125 = arith.addi %arg1, %mul3A_124 : i32
          %mul3A_126 = arith.constant 1280 : i32
          %mul3A_127 = arith.muli %add3A_125, %mul3A_126 : i32
          %dma_start3A_128 = arith.constant 0 : i32
          %dma_start3A_129 = tpu.memref_slice %arg4[%dma_start3A_128, %mul3A_127] : memref<2x800000xi32, #tpu.memory_space<hbm>> -> memref<1x1280xi32, #tpu.memory_space<hbm>>
          %dma_start3A_130 = tpu.memref_squeeze %dma_start3A_129 : memref<1x1280xi32, #tpu.memory_space<hbm>> -> memref<1280xi32, #tpu.memory_space<hbm>>
          %dma_start3A_131 = tpu.memref_slice %arg4[%dma_start3A_128, %mul3A_127] : memref<2x800000xi32, #tpu.memory_space<hbm>> -> memref<1x1280xi32, #tpu.memory_space<hbm>>
          %dma_start3A_132 = tpu.memref_squeeze %dma_start3A_131 : memref<1x1280xi32, #tpu.memory_space<hbm>> -> memref<1280xi32, #tpu.memory_space<hbm>>
          tpu.enqueue_dma source(%dma_start3A_132 : memref<1280xi32, #tpu.memory_space<hbm>>) target(%arg8 : memref<1280xi32, #tpu.memory_space<vmem>>) target_semaphore(%arg24 : memref<!tpu.dma_semaphore, #tpu.memory_space<semaphore_mem>>)
          %dma_start3A_133 = arith.constant 1 : i32
          %dma_start3A_134 = tpu.memref_slice %arg4[%dma_start3A_133, %mul3A_127] : memref<2x800000xi32, #tpu.memory_space<hbm>> -> memref<1x1280xi32, #tpu.memory_space<hbm>>
          %dma_start3A_135 = tpu.memref_squeeze %dma_start3A_134 : memref<1x1280xi32, #tpu.memory_space<hbm>> -> memref<1280xi32, #tpu.memory_space<hbm>>
          %dma_start3A_136 = tpu.memref_slice %arg4[%dma_start3A_133, %mul3A_127] : memref<2x800000xi32, #tpu.memory_space<hbm>> -> memref<1x1280xi32, #tpu.memory_space<hbm>>
          %dma_start3A_137 = tpu.memref_squeeze %dma_start3A_136 : memref<1x1280xi32, #tpu.memory_space<hbm>> -> memref<1280xi32, #tpu.memory_space<hbm>>
          tpu.enqueue_dma source(%dma_start3A_137 : memref<1280xi32, #tpu.memory_space<hbm>>) target(%arg11 : memref<1280xi32, #tpu.memory_space<vmem>>) target_semaphore(%arg24 : memref<!tpu.dma_semaphore, #tpu.memory_space<semaphore_mem>>)
        } else {
        }
        %lt3A_117 = arith.cmpi slt, %add3A_101, %add3A_7 : i32
        %convert_element_type3A_118 = arith.extui %lt3A_117 : i1 to i32
        %cond3A_119 = arith.constant 0 : i32
        %cond3A_120 = arith.cmpi ne, %convert_element_type3A_118, %cond3A_119 : i32
        scf.if %cond3A_120 {
          %mul3A_121 = arith.constant 16 : i32
          %mul3A_122 = arith.muli %add3A_101, %mul3A_121 : i32
          %add3A_123 = arith.addi %arg1, %mul3A_122 : i32
          %mul3A_124 = arith.constant 1280 : i32
          %mul3A_125 = arith.muli %add3A_123, %mul3A_124 : i32
          %dma_wait3A = arith.constant 0 : i32
          %dma_wait3A_126 = tpu.memref_slice %arg4[%dma_wait3A, %mul3A_125] : memref<2x800000xi32, #tpu.memory_space<hbm>> -> memref<1x1280xi32, #tpu.memory_space<hbm>>
          %dma_wait3A_127 = tpu.memref_squeeze %dma_wait3A_126 : memref<1x1280xi32, #tpu.memory_space<hbm>> -> memref<1280xi32, #tpu.memory_space<hbm>>
          %dma_wait3A_128 = tpu.memref_slice %arg4[%dma_wait3A, %mul3A_125] : memref<2x800000xi32, #tpu.memory_space<hbm>> -> memref<1x1280xi32, #tpu.memory_space<hbm>>
          %dma_wait3A_129 = tpu.memref_squeeze %dma_wait3A_128 : memref<1x1280xi32, #tpu.memory_space<hbm>> -> memref<1280xi32, #tpu.memory_space<hbm>>
          tpu.wait_dma2 semaphore(%arg24 : memref<!tpu.dma_semaphore, #tpu.memory_space<semaphore_mem>>) src(%dma_wait3A_129 : memref<1280xi32, #tpu.memory_space<hbm>>) dst(%arg10 : memref<1280xi32, #tpu.memory_space<vmem>>)
          %dma_wait3A_130 = arith.constant 1 : i32
          %dma_wait3A_131 = tpu.memref_slice %arg4[%dma_wait3A_130, %mul3A_125] : memref<2x800000xi32, #tpu.memory_space<hbm>> -> memref<1x1280xi32, #tpu.memory_space<hbm>>
          %dma_wait3A_132 = tpu.memref_squeeze %dma_wait3A_131 : memref<1x1280xi32, #tpu.memory_space<hbm>> -> memref<1280xi32, #tpu.memory_space<hbm>>
          %dma_wait3A_133 = tpu.memref_slice %arg4[%dma_wait3A_130, %mul3A_125] : memref<2x800000xi32, #tpu.memory_space<hbm>> -> memref<1x1280xi32, #tpu.memory_space<hbm>>
          %dma_wait3A_134 = tpu.memref_squeeze %dma_wait3A_133 : memref<1x1280xi32, #tpu.memory_space<hbm>> -> memref<1280xi32, #tpu.memory_space<hbm>>
          tpu.wait_dma2 semaphore(%arg24 : memref<!tpu.dma_semaphore, #tpu.memory_space<semaphore_mem>>) src(%dma_wait3A_134 : memref<1280xi32, #tpu.memory_space<hbm>>) dst(%arg13 : memref<1280xi32, #tpu.memory_space<vmem>>)
          %parallel_loop3A_135 = arith.constant 0 : i32
          %parallel_loop3A_136 = arith.constant 1280 : i32
          %parallel_loop3A_137 = arith.constant 16 : i32
          scf.for %parallel_loop3A_142 = %parallel_loop3A_135 to %parallel_loop3A_136 step %parallel_loop3A_137  : i32 {
            %parallel_loop3A_143 = arith.index_cast %parallel_loop3A_142 : i32 to index
            %parallel_loop3A_144 = tpu.vector_load %arg13[%parallel_loop3A_143] {strides = array<i32>} : memref<1280xi32, #tpu.memory_space<vmem>>, vector<16xi32>,
            %parallel_loop3A_145 = tpu.vector_load_idx %arg7[%parallel_loop3A_144] : memref<50000xf32, #tpu.memory_space<vmem>>[vector<16xi32>], vector<16xf32>,
            %parallel_loop3A_146 = arith.constant 1.000000e+00 : f32
            %parallel_loop3A_147 = vector.broadcast %parallel_loop3A_146 : f32 to vector<16xf32>
            %parallel_loop3A_148 = arith.subf %parallel_loop3A_147, %parallel_loop3A_145 : vector<16xf32>
            %parallel_loop3A_149 = arith.constant 5.000000e+00 : f32
            %parallel_loop3A_150 = vector.broadcast %parallel_loop3A_149 : f32 to vector<16xf32>
            %parallel_loop3A_151 = arith.mulf %parallel_loop3A_148, %parallel_loop3A_150 : vector<16xf32>
            %parallel_loop3A_152 = math.exp %parallel_loop3A_151 : vector<16xf32>
            %parallel_loop3A_153 = arith.mulf %parallel_loop3A_148, %parallel_loop3A_152 : vector<16xf32>
            %parallel_loop3A_154 = arith.index_cast %parallel_loop3A_142 : i32 to index
            %parallel_loop3A_155 = tpu.vector_load %arg16[%parallel_loop3A_154] {strides = array<i32>} : memref<1280xf32, #tpu.memory_space<vmem>>, vector<16xf32>,
            tpu.vector_store %arg16[%parallel_loop3A_154], %parallel_loop3A_153 {strides = array<i32>} : memref<1280xf32, #tpu.memory_space<vmem>>, vector<16xf32>,
            %parallel_loop3A_156 = arith.index_cast %parallel_loop3A_142 : i32 to index
            %parallel_loop3A_157 = tpu.vector_load %arg19[%parallel_loop3A_156] {strides = array<i32>} : memref<1280xf32, #tpu.memory_space<vmem>>, vector<16xf32>,
            tpu.vector_store %arg19[%parallel_loop3A_156], %parallel_loop3A_152 {strides = array<i32>} : memref<1280xf32, #tpu.memory_space<vmem>>, vector<16xf32>,
          } {sc.loop_unroll_factor = 8 : i64, sc.parallel_access}
          %dma_start3A_138 = arith.constant 0 : i32
          %dma_start3A_139 = tpu.memref_slice %arg21[%dma_start3A_138] : memref<50176xf32, #tpu.memory_space<vmem_shared>> -> memref<50176xf32, #tpu.memory_space<vmem_shared>>
          tpu.enqueue_indirect_dma source(%arg16 : memref<1280xf32, #tpu.memory_space<vmem>>) target(%dma_start3A_139 : memref<50176xf32, #tpu.memory_space<vmem_shared>>) offsets(%arg10 : memref<1280xi32, #tpu.memory_space<vmem>>) semaphore(%arg23 : memref<!tpu.dma_semaphore, #tpu.memory_space<semaphore_mem>>) {add = true}
          %dma_start3A_140 = arith.constant 0 : i32
          %dma_start3A_141 = tpu.memref_slice %arg22[%dma_start3A_140] : memref<50176xf32, #tpu.memory_space<vmem_shared>> -> memref<50176xf32, #tpu.memory_space<vmem_shared>>
          tpu.enqueue_indirect_dma source(%arg19 : memref<1280xf32, #tpu.memory_space<vmem>>) target(%dma_start3A_141 : memref<50176xf32, #tpu.memory_space<vmem_shared>>) offsets(%arg10 : memref<1280xi32, #tpu.memory_space<vmem>>) semaphore(%arg23 : memref<!tpu.dma_semaphore, #tpu.memory_space<semaphore_mem>>) {add = true}
        } else {
        }
      }
      %while3A_57 = arith.constant 1 : i32
      scf.for %while3A_58 = %while3A_55 to %while3A_51 step %while3A_57  : i32 {
        %mul3A_59 = arith.muli %while3A_58, %while3A : i32
        %add3A_60 = arith.addi %while3A_48, %mul3A_59 : i32
        %add3A_61 = arith.constant 0 : i32
        %add3A_62 = arith.addi %add3A_60, %add3A_61 : i32
        %ge3A = arith.constant 2 : i32
        %ge3A_63 = arith.cmpi sge, %add3A_62, %ge3A : i32
        %sub3A_64 = arith.constant 2 : i32
        %sub3A_65 = arith.subi %add3A_62, %sub3A_64 : i32
        %lt3A = arith.cmpi slt, %sub3A_65, %add3A_7 : i32
        %and3A = arith.andi %ge3A_63, %lt3A : i1
        %convert_element_type3A_66 = arith.extui %and3A : i1 to i32
        %cond3A_67 = arith.constant 0 : i32
        %cond3A_68 = arith.cmpi ne, %convert_element_type3A_66, %cond3A_67 : i32
        scf.if %cond3A_68 {
          %dma_wait3A = arith.constant 0 : i32
          %dma_wait3A_121 = tpu.memref_slice %arg21[%dma_wait3A] : memref<50176xf32, #tpu.memory_space<vmem_shared>> -> memref<50176xf32, #tpu.memory_space<vmem_shared>>
          tpu.wait_indirect_dma semaphore(%arg23 : memref<!tpu.dma_semaphore, #tpu.memory_space<semaphore_mem>>) src(%arg15 : memref<1280xf32, #tpu.memory_space<vmem>>) dst(%dma_wait3A_121 : memref<50176xf32, #tpu.memory_space<vmem_shared>>)
          %dma_wait3A_122 = arith.constant 0 : i32
          %dma_wait3A_123 = tpu.memref_slice %arg22[%dma_wait3A_122] : memref<50176xf32, #tpu.memory_space<vmem_shared>> -> memref<50176xf32, #tpu.memory_space<vmem_shared>>
          tpu.wait_indirect_dma semaphore(%arg23 : memref<!tpu.dma_semaphore, #tpu.memory_space<semaphore_mem>>) src(%arg18 : memref<1280xf32, #tpu.memory_space<vmem>>) dst(%dma_wait3A_123 : memref<50176xf32, #tpu.memory_space<vmem_shared>>)
        } else {
        }
        %add3A_69 = arith.constant 1 : i32
        %add3A_70 = arith.addi %add3A_62, %add3A_69 : i32
        %lt3A_71 = arith.cmpi slt, %add3A_70, %add3A_7 : i32
        %convert_element_type3A_72 = arith.extui %lt3A_71 : i1 to i32
        %cond3A_73 = arith.constant 0 : i32
        %cond3A_74 = arith.cmpi ne, %convert_element_type3A_72, %cond3A_73 : i32
        scf.if %cond3A_74 {
          %add3A_121 = arith.constant 1 : i32
          %add3A_122 = arith.addi %add3A_62, %add3A_121 : i32
          %mul3A_123 = arith.constant 16 : i32
          %mul3A_124 = arith.muli %add3A_122, %mul3A_123 : i32
          %add3A_125 = arith.addi %arg1, %mul3A_124 : i32
          %mul3A_126 = arith.constant 1280 : i32
          %mul3A_127 = arith.muli %add3A_125, %mul3A_126 : i32
          %dma_start3A_128 = arith.constant 0 : i32
          %dma_start3A_129 = tpu.memref_slice %arg4[%dma_start3A_128, %mul3A_127] : memref<2x800000xi32, #tpu.memory_space<hbm>> -> memref<1x1280xi32, #tpu.memory_space<hbm>>
          %dma_start3A_130 = tpu.memref_squeeze %dma_start3A_129 : memref<1x1280xi32, #tpu.memory_space<hbm>> -> memref<1280xi32, #tpu.memory_space<hbm>>
          %dma_start3A_131 = tpu.memref_slice %arg4[%dma_start3A_128, %mul3A_127] : memref<2x800000xi32, #tpu.memory_space<hbm>> -> memref<1x1280xi32, #tpu.memory_space<hbm>>
          %dma_start3A_132 = tpu.memref_squeeze %dma_start3A_131 : memref<1x1280xi32, #tpu.memory_space<hbm>> -> memref<1280xi32, #tpu.memory_space<hbm>>
          tpu.enqueue_dma source(%dma_start3A_132 : memref<1280xi32, #tpu.memory_space<hbm>>) target(%arg9 : memref<1280xi32, #tpu.memory_space<vmem>>) target_semaphore(%arg24 : memref<!tpu.dma_semaphore, #tpu.memory_space<semaphore_mem>>)
          %dma_start3A_133 = arith.constant 1 : i32
          %dma_start3A_134 = tpu.memref_slice %arg4[%dma_start3A_133, %mul3A_127] : memref<2x800000xi32, #tpu.memory_space<hbm>> -> memref<1x1280xi32, #tpu.memory_space<hbm>>
          %dma_start3A_135 = tpu.memref_squeeze %dma_start3A_134 : memref<1x1280xi32, #tpu.memory_space<hbm>> -> memref<1280xi32, #tpu.memory_space<hbm>>
          %dma_start3A_136 = tpu.memref_slice %arg4[%dma_start3A_133, %mul3A_127] : memref<2x800000xi32, #tpu.memory_space<hbm>> -> memref<1x1280xi32, #tpu.memory_space<hbm>>
          %dma_start3A_137 = tpu.memref_squeeze %dma_start3A_136 : memref<1x1280xi32, #tpu.memory_space<hbm>> -> memref<1280xi32, #tpu.memory_space<hbm>>
          tpu.enqueue_dma source(%dma_start3A_137 : memref<1280xi32, #tpu.memory_space<hbm>>) target(%arg12 : memref<1280xi32, #tpu.memory_space<vmem>>) target_semaphore(%arg24 : memref<!tpu.dma_semaphore, #tpu.memory_space<semaphore_mem>>)
        } else {
        }
        %lt3A_75 = arith.cmpi slt, %add3A_62, %add3A_7 : i32
        %convert_element_type3A_76 = arith.extui %lt3A_75 : i1 to i32
        %cond3A_77 = arith.constant 0 : i32
        %cond3A_78 = arith.cmpi ne, %convert_element_type3A_76, %cond3A_77 : i32
        scf.if %cond3A_78 {
          %mul3A_121 = arith.constant 16 : i32
          %mul3A_122 = arith.muli %add3A_62, %mul3A_121 : i32
          %add3A_123 = arith.addi %arg1, %mul3A_122 : i32
          %mul3A_124 = arith.constant 1280 : i32
          %mul3A_125 = arith.muli %add3A_123, %mul3A_124 : i32
          %dma_wait3A = arith.constant 0 : i32
          %dma_wait3A_126 = tpu.memref_slice %arg4[%dma_wait3A, %mul3A_125] : memref<2x800000xi32, #tpu.memory_space<hbm>> -> memref<1x1280xi32, #tpu.memory_space<hbm>>
          %dma_wait3A_127 = tpu.memref_squeeze %dma_wait3A_126 : memref<1x1280xi32, #tpu.memory_space<hbm>> -> memref<1280xi32, #tpu.memory_space<hbm>>
          %dma_wait3A_128 = tpu.memref_slice %arg4[%dma_wait3A, %mul3A_125] : memref<2x800000xi32, #tpu.memory_space<hbm>> -> memref<1x1280xi32, #tpu.memory_space<hbm>>
          %dma_wait3A_129 = tpu.memref_squeeze %dma_wait3A_128 : memref<1x1280xi32, #tpu.memory_space<hbm>> -> memref<1280xi32, #tpu.memory_space<hbm>>
          tpu.wait_dma2 semaphore(%arg24 : memref<!tpu.dma_semaphore, #tpu.memory_space<semaphore_mem>>) src(%dma_wait3A_129 : memref<1280xi32, #tpu.memory_space<hbm>>) dst(%arg8 : memref<1280xi32, #tpu.memory_space<vmem>>)
          %dma_wait3A_130 = arith.constant 1 : i32
          %dma_wait3A_131 = tpu.memref_slice %arg4[%dma_wait3A_130, %mul3A_125] : memref<2x800000xi32, #tpu.memory_space<hbm>> -> memref<1x1280xi32, #tpu.memory_space<hbm>>
          %dma_wait3A_132 = tpu.memref_squeeze %dma_wait3A_131 : memref<1x1280xi32, #tpu.memory_space<hbm>> -> memref<1280xi32, #tpu.memory_space<hbm>>
          %dma_wait3A_133 = tpu.memref_slice %arg4[%dma_wait3A_130, %mul3A_125] : memref<2x800000xi32, #tpu.memory_space<hbm>> -> memref<1x1280xi32, #tpu.memory_space<hbm>>
          %dma_wait3A_134 = tpu.memref_squeeze %dma_wait3A_133 : memref<1x1280xi32, #tpu.memory_space<hbm>> -> memref<1280xi32, #tpu.memory_space<hbm>>
          tpu.wait_dma2 semaphore(%arg24 : memref<!tpu.dma_semaphore, #tpu.memory_space<semaphore_mem>>) src(%dma_wait3A_134 : memref<1280xi32, #tpu.memory_space<hbm>>) dst(%arg11 : memref<1280xi32, #tpu.memory_space<vmem>>)
          %parallel_loop3A_135 = arith.constant 0 : i32
          %parallel_loop3A_136 = arith.constant 1280 : i32
          %parallel_loop3A_137 = arith.constant 16 : i32
          scf.for %parallel_loop3A_142 = %parallel_loop3A_135 to %parallel_loop3A_136 step %parallel_loop3A_137  : i32 {
            %parallel_loop3A_143 = arith.index_cast %parallel_loop3A_142 : i32 to index
            %parallel_loop3A_144 = tpu.vector_load %arg11[%parallel_loop3A_143] {strides = array<i32>} : memref<1280xi32, #tpu.memory_space<vmem>>, vector<16xi32>,
            %parallel_loop3A_145 = tpu.vector_load_idx %arg7[%parallel_loop3A_144] : memref<50000xf32, #tpu.memory_space<vmem>>[vector<16xi32>], vector<16xf32>,
            %parallel_loop3A_146 = arith.constant 1.000000e+00 : f32
            %parallel_loop3A_147 = vector.broadcast %parallel_loop3A_146 : f32 to vector<16xf32>
            %parallel_loop3A_148 = arith.subf %parallel_loop3A_147, %parallel_loop3A_145 : vector<16xf32>
            %parallel_loop3A_149 = arith.constant 5.000000e+00 : f32
            %parallel_loop3A_150 = vector.broadcast %parallel_loop3A_149 : f32 to vector<16xf32>
            %parallel_loop3A_151 = arith.mulf %parallel_loop3A_148, %parallel_loop3A_150 : vector<16xf32>
            %parallel_loop3A_152 = math.exp %parallel_loop3A_151 : vector<16xf32>
            %parallel_loop3A_153 = arith.mulf %parallel_loop3A_148, %parallel_loop3A_152 : vector<16xf32>
            %parallel_loop3A_154 = arith.index_cast %parallel_loop3A_142 : i32 to index
            %parallel_loop3A_155 = tpu.vector_load %arg14[%parallel_loop3A_154] {strides = array<i32>} : memref<1280xf32, #tpu.memory_space<vmem>>, vector<16xf32>,
            tpu.vector_store %arg14[%parallel_loop3A_154], %parallel_loop3A_153 {strides = array<i32>} : memref<1280xf32, #tpu.memory_space<vmem>>, vector<16xf32>,
            %parallel_loop3A_156 = arith.index_cast %parallel_loop3A_142 : i32 to index
            %parallel_loop3A_157 = tpu.vector_load %arg17[%parallel_loop3A_156] {strides = array<i32>} : memref<1280xf32, #tpu.memory_space<vmem>>, vector<16xf32>,
            tpu.vector_store %arg17[%parallel_loop3A_156], %parallel_loop3A_152 {strides = array<i32>} : memref<1280xf32, #tpu.memory_space<vmem>>, vector<16xf32>,
          } {sc.loop_unroll_factor = 8 : i64, sc.parallel_access}
          %dma_start3A_138 = arith.constant 0 : i32
          %dma_start3A_139 = tpu.memref_slice %arg21[%dma_start3A_138] : memref<50176xf32, #tpu.memory_space<vmem_shared>> -> memref<50176xf32, #tpu.memory_space<vmem_shared>>
          tpu.enqueue_indirect_dma source(%arg14 : memref<1280xf32, #tpu.memory_space<vmem>>) target(%dma_start3A_139 : memref<50176xf32, #tpu.memory_space<vmem_shared>>) offsets(%arg8 : memref<1280xi32, #tpu.memory_space<vmem>>) semaphore(%arg23 : memref<!tpu.dma_semaphore, #tpu.memory_space<semaphore_mem>>) {add = true}
          %dma_start3A_140 = arith.constant 0 : i32
          %dma_start3A_141 = tpu.memref_slice %arg22[%dma_start3A_140] : memref<50176xf32, #tpu.memory_space<vmem_shared>> -> memref<50176xf32, #tpu.memory_space<vmem_shared>>
          tpu.enqueue_indirect_dma source(%arg17 : memref<1280xf32, #tpu.memory_space<vmem>>) target(%dma_start3A_141 : memref<50176xf32, #tpu.memory_space<vmem_shared>>) offsets(%arg8 : memref<1280xi32, #tpu.memory_space<vmem>>) semaphore(%arg23 : memref<!tpu.dma_semaphore, #tpu.memory_space<semaphore_mem>>) {add = true}
        } else {
        }
        %add3A_79 = arith.constant 1 : i32
        %add3A_80 = arith.addi %add3A_60, %add3A_79 : i32
        %ge3A_81 = arith.constant 2 : i32
        %ge3A_82 = arith.cmpi sge, %add3A_80, %ge3A_81 : i32
        %sub3A_83 = arith.constant 2 : i32
        %sub3A_84 = arith.subi %add3A_80, %sub3A_83 : i32
        %lt3A_85 = arith.cmpi slt, %sub3A_84, %add3A_7 : i32
        %and3A_86 = arith.andi %ge3A_82, %lt3A_85 : i1
        %convert_element_type3A_87 = arith.extui %and3A_86 : i1 to i32
        %cond3A_88 = arith.constant 0 : i32
        %cond3A_89 = arith.cmpi ne, %convert_element_type3A_87, %cond3A_88 : i32
        scf.if %cond3A_89 {
          %dma_wait3A = arith.constant 0 : i32
          %dma_wait3A_121 = tpu.memref_slice %arg21[%dma_wait3A] : memref<50176xf32, #tpu.memory_space<vmem_shared>> -> memref<50176xf32, #tpu.memory_space<vmem_shared>>
          tpu.wait_indirect_dma semaphore(%arg23 : memref<!tpu.dma_semaphore, #tpu.memory_space<semaphore_mem>>) src(%arg16 : memref<1280xf32, #tpu.memory_space<vmem>>) dst(%dma_wait3A_121 : memref<50176xf32, #tpu.memory_space<vmem_shared>>)
          %dma_wait3A_122 = arith.constant 0 : i32
          %dma_wait3A_123 = tpu.memref_slice %arg22[%dma_wait3A_122] : memref<50176xf32, #tpu.memory_space<vmem_shared>> -> memref<50176xf32, #tpu.memory_space<vmem_shared>>
          tpu.wait_indirect_dma semaphore(%arg23 : memref<!tpu.dma_semaphore, #tpu.memory_space<semaphore_mem>>) src(%arg19 : memref<1280xf32, #tpu.memory_space<vmem>>) dst(%dma_wait3A_123 : memref<50176xf32, #tpu.memory_space<vmem_shared>>)
        } else {
        }
        %add3A_90 = arith.constant 1 : i32
        %add3A_91 = arith.addi %add3A_80, %add3A_90 : i32
        %lt3A_92 = arith.cmpi slt, %add3A_91, %add3A_7 : i32
        %convert_element_type3A_93 = arith.extui %lt3A_92 : i1 to i32
        %cond3A_94 = arith.constant 0 : i32
        %cond3A_95 = arith.cmpi ne, %convert_element_type3A_93, %cond3A_94 : i32
        scf.if %cond3A_95 {
          %add3A_121 = arith.constant 1 : i32
          %add3A_122 = arith.addi %add3A_80, %add3A_121 : i32
          %mul3A_123 = arith.constant 16 : i32
          %mul3A_124 = arith.muli %add3A_122, %mul3A_123 : i32
          %add3A_125 = arith.addi %arg1, %mul3A_124 : i32
          %mul3A_126 = arith.constant 1280 : i32
          %mul3A_127 = arith.muli %add3A_125, %mul3A_126 : i32
          %dma_start3A_128 = arith.constant 0 : i32
          %dma_start3A_129 = tpu.memref_slice %arg4[%dma_start3A_128, %mul3A_127] : memref<2x800000xi32, #tpu.memory_space<hbm>> -> memref<1x1280xi32, #tpu.memory_space<hbm>>
          %dma_start3A_130 = tpu.memref_squeeze %dma_start3A_129 : memref<1x1280xi32, #tpu.memory_space<hbm>> -> memref<1280xi32, #tpu.memory_space<hbm>>
          %dma_start3A_131 = tpu.memref_slice %arg4[%dma_start3A_128, %mul3A_127] : memref<2x800000xi32, #tpu.memory_space<hbm>> -> memref<1x1280xi32, #tpu.memory_space<hbm>>
          %dma_start3A_132 = tpu.memref_squeeze %dma_start3A_131 : memref<1x1280xi32, #tpu.memory_space<hbm>> -> memref<1280xi32, #tpu.memory_space<hbm>>
          tpu.enqueue_dma source(%dma_start3A_132 : memref<1280xi32, #tpu.memory_space<hbm>>) target(%arg10 : memref<1280xi32, #tpu.memory_space<vmem>>) target_semaphore(%arg24 : memref<!tpu.dma_semaphore, #tpu.memory_space<semaphore_mem>>)
          %dma_start3A_133 = arith.constant 1 : i32
          %dma_start3A_134 = tpu.memref_slice %arg4[%dma_start3A_133, %mul3A_127] : memref<2x800000xi32, #tpu.memory_space<hbm>> -> memref<1x1280xi32, #tpu.memory_space<hbm>>
          %dma_start3A_135 = tpu.memref_squeeze %dma_start3A_134 : memref<1x1280xi32, #tpu.memory_space<hbm>> -> memref<1280xi32, #tpu.memory_space<hbm>>
          %dma_start3A_136 = tpu.memref_slice %arg4[%dma_start3A_133, %mul3A_127] : memref<2x800000xi32, #tpu.memory_space<hbm>> -> memref<1x1280xi32, #tpu.memory_space<hbm>>
          %dma_start3A_137 = tpu.memref_squeeze %dma_start3A_136 : memref<1x1280xi32, #tpu.memory_space<hbm>> -> memref<1280xi32, #tpu.memory_space<hbm>>
          tpu.enqueue_dma source(%dma_start3A_137 : memref<1280xi32, #tpu.memory_space<hbm>>) target(%arg13 : memref<1280xi32, #tpu.memory_space<vmem>>) target_semaphore(%arg24 : memref<!tpu.dma_semaphore, #tpu.memory_space<semaphore_mem>>)
        } else {
        }
        %lt3A_96 = arith.cmpi slt, %add3A_80, %add3A_7 : i32
        %convert_element_type3A_97 = arith.extui %lt3A_96 : i1 to i32
        %cond3A_98 = arith.constant 0 : i32
        %cond3A_99 = arith.cmpi ne, %convert_element_type3A_97, %cond3A_98 : i32
        scf.if %cond3A_99 {
          %mul3A_121 = arith.constant 16 : i32
          %mul3A_122 = arith.muli %add3A_80, %mul3A_121 : i32
          %add3A_123 = arith.addi %arg1, %mul3A_122 : i32
          %mul3A_124 = arith.constant 1280 : i32
          %mul3A_125 = arith.muli %add3A_123, %mul3A_124 : i32
          %dma_wait3A = arith.constant 0 : i32
          %dma_wait3A_126 = tpu.memref_slice %arg4[%dma_wait3A, %mul3A_125] : memref<2x800000xi32, #tpu.memory_space<hbm>> -> memref<1x1280xi32, #tpu.memory_space<hbm>>
          %dma_wait3A_127 = tpu.memref_squeeze %dma_wait3A_126 : memref<1x1280xi32, #tpu.memory_space<hbm>> -> memref<1280xi32, #tpu.memory_space<hbm>>
          %dma_wait3A_128 = tpu.memref_slice %arg4[%dma_wait3A, %mul3A_125] : memref<2x800000xi32, #tpu.memory_space<hbm>> -> memref<1x1280xi32, #tpu.memory_space<hbm>>
          %dma_wait3A_129 = tpu.memref_squeeze %dma_wait3A_128 : memref<1x1280xi32, #tpu.memory_space<hbm>> -> memref<1280xi32, #tpu.memory_space<hbm>>
          tpu.wait_dma2 semaphore(%arg24 : memref<!tpu.dma_semaphore, #tpu.memory_space<semaphore_mem>>) src(%dma_wait3A_129 : memref<1280xi32, #tpu.memory_space<hbm>>) dst(%arg9 : memref<1280xi32, #tpu.memory_space<vmem>>)
          %dma_wait3A_130 = arith.constant 1 : i32
          %dma_wait3A_131 = tpu.memref_slice %arg4[%dma_wait3A_130, %mul3A_125] : memref<2x800000xi32, #tpu.memory_space<hbm>> -> memref<1x1280xi32, #tpu.memory_space<hbm>>
          %dma_wait3A_132 = tpu.memref_squeeze %dma_wait3A_131 : memref<1x1280xi32, #tpu.memory_space<hbm>> -> memref<1280xi32, #tpu.memory_space<hbm>>
          %dma_wait3A_133 = tpu.memref_slice %arg4[%dma_wait3A_130, %mul3A_125] : memref<2x800000xi32, #tpu.memory_space<hbm>> -> memref<1x1280xi32, #tpu.memory_space<hbm>>
          %dma_wait3A_134 = tpu.memref_squeeze %dma_wait3A_133 : memref<1x1280xi32, #tpu.memory_space<hbm>> -> memref<1280xi32, #tpu.memory_space<hbm>>
          tpu.wait_dma2 semaphore(%arg24 : memref<!tpu.dma_semaphore, #tpu.memory_space<semaphore_mem>>) src(%dma_wait3A_134 : memref<1280xi32, #tpu.memory_space<hbm>>) dst(%arg12 : memref<1280xi32, #tpu.memory_space<vmem>>)
          %parallel_loop3A_135 = arith.constant 0 : i32
          %parallel_loop3A_136 = arith.constant 1280 : i32
          %parallel_loop3A_137 = arith.constant 16 : i32
          scf.for %parallel_loop3A_142 = %parallel_loop3A_135 to %parallel_loop3A_136 step %parallel_loop3A_137  : i32 {
            %parallel_loop3A_143 = arith.index_cast %parallel_loop3A_142 : i32 to index
            %parallel_loop3A_144 = tpu.vector_load %arg12[%parallel_loop3A_143] {strides = array<i32>} : memref<1280xi32, #tpu.memory_space<vmem>>, vector<16xi32>,
            %parallel_loop3A_145 = tpu.vector_load_idx %arg7[%parallel_loop3A_144] : memref<50000xf32, #tpu.memory_space<vmem>>[vector<16xi32>], vector<16xf32>,
            %parallel_loop3A_146 = arith.constant 1.000000e+00 : f32
            %parallel_loop3A_147 = vector.broadcast %parallel_loop3A_146 : f32 to vector<16xf32>
            %parallel_loop3A_148 = arith.subf %parallel_loop3A_147, %parallel_loop3A_145 : vector<16xf32>
            %parallel_loop3A_149 = arith.constant 5.000000e+00 : f32
            %parallel_loop3A_150 = vector.broadcast %parallel_loop3A_149 : f32 to vector<16xf32>
            %parallel_loop3A_151 = arith.mulf %parallel_loop3A_148, %parallel_loop3A_150 : vector<16xf32>
            %parallel_loop3A_152 = math.exp %parallel_loop3A_151 : vector<16xf32>
            %parallel_loop3A_153 = arith.mulf %parallel_loop3A_148, %parallel_loop3A_152 : vector<16xf32>
            %parallel_loop3A_154 = arith.index_cast %parallel_loop3A_142 : i32 to index
            %parallel_loop3A_155 = tpu.vector_load %arg15[%parallel_loop3A_154] {strides = array<i32>} : memref<1280xf32, #tpu.memory_space<vmem>>, vector<16xf32>,
            tpu.vector_store %arg15[%parallel_loop3A_154], %parallel_loop3A_153 {strides = array<i32>} : memref<1280xf32, #tpu.memory_space<vmem>>, vector<16xf32>,
            %parallel_loop3A_156 = arith.index_cast %parallel_loop3A_142 : i32 to index
            %parallel_loop3A_157 = tpu.vector_load %arg18[%parallel_loop3A_156] {strides = array<i32>} : memref<1280xf32, #tpu.memory_space<vmem>>, vector<16xf32>,
            tpu.vector_store %arg18[%parallel_loop3A_156], %parallel_loop3A_152 {strides = array<i32>} : memref<1280xf32, #tpu.memory_space<vmem>>, vector<16xf32>,
          } {sc.loop_unroll_factor = 8 : i64, sc.parallel_access}
          %dma_start3A_138 = arith.constant 0 : i32
          %dma_start3A_139 = tpu.memref_slice %arg21[%dma_start3A_138] : memref<50176xf32, #tpu.memory_space<vmem_shared>> -> memref<50176xf32, #tpu.memory_space<vmem_shared>>
          tpu.enqueue_indirect_dma source(%arg15 : memref<1280xf32, #tpu.memory_space<vmem>>) target(%dma_start3A_139 : memref<50176xf32, #tpu.memory_space<vmem_shared>>) offsets(%arg9 : memref<1280xi32, #tpu.memory_space<vmem>>) semaphore(%arg23 : memref<!tpu.dma_semaphore, #tpu.memory_space<semaphore_mem>>) {add = true}
          %dma_start3A_140 = arith.constant 0 : i32
          %dma_start3A_141 = tpu.memref_slice %arg22[%dma_start3A_140] : memref<50176xf32, #tpu.memory_space<vmem_shared>> -> memref<50176xf32, #tpu.memory_space<vmem_shared>>
          tpu.enqueue_indirect_dma source(%arg18 : memref<1280xf32, #tpu.memory_space<vmem>>) target(%dma_start3A_141 : memref<50176xf32, #tpu.memory_space<vmem_shared>>) offsets(%arg9 : memref<1280xi32, #tpu.memory_space<vmem>>) semaphore(%arg23 : memref<!tpu.dma_semaphore, #tpu.memory_space<semaphore_mem>>) {add = true}
        } else {
        }
        %add3A_100 = arith.constant 2 : i32
        %add3A_101 = arith.addi %add3A_60, %add3A_100 : i32
        %ge3A_102 = arith.constant 2 : i32
        %ge3A_103 = arith.cmpi sge, %add3A_101, %ge3A_102 : i32
        %sub3A_104 = arith.constant 2 : i32
        %sub3A_105 = arith.subi %add3A_101, %sub3A_104 : i32
        %lt3A_106 = arith.cmpi slt, %sub3A_105, %add3A_7 : i32
        %and3A_107 = arith.andi %ge3A_103, %lt3A_106 : i1
        %convert_element_type3A_108 = arith.extui %and3A_107 : i1 to i32
        %cond3A_109 = arith.constant 0 : i32
        %cond3A_110 = arith.cmpi ne, %convert_element_type3A_108, %cond3A_109 : i32
        scf.if %cond3A_110 {
          %dma_wait3A = arith.constant 0 : i32
          %dma_wait3A_121 = tpu.memref_slice %arg21[%dma_wait3A] : memref<50176xf32, #tpu.memory_space<vmem_shared>> -> memref<50176xf32, #tpu.memory_space<vmem_shared>>
          tpu.wait_indirect_dma semaphore(%arg23 : memref<!tpu.dma_semaphore, #tpu.memory_space<semaphore_mem>>) src(%arg14 : memref<1280xf32, #tpu.memory_space<vmem>>) dst(%dma_wait3A_121 : memref<50176xf32, #tpu.memory_space<vmem_shared>>)
          %dma_wait3A_122 = arith.constant 0 : i32
          %dma_wait3A_123 = tpu.memref_slice %arg22[%dma_wait3A_122] : memref<50176xf32, #tpu.memory_space<vmem_shared>> -> memref<50176xf32, #tpu.memory_space<vmem_shared>>
          tpu.wait_indirect_dma semaphore(%arg23 : memref<!tpu.dma_semaphore, #tpu.memory_space<semaphore_mem>>) src(%arg17 : memref<1280xf32, #tpu.memory_space<vmem>>) dst(%dma_wait3A_123 : memref<50176xf32, #tpu.memory_space<vmem_shared>>)
        } else {
        }
        %add3A_111 = arith.constant 1 : i32
        %add3A_112 = arith.addi %add3A_101, %add3A_111 : i32
        %lt3A_113 = arith.cmpi slt, %add3A_112, %add3A_7 : i32
        %convert_element_type3A_114 = arith.extui %lt3A_113 : i1 to i32
        %cond3A_115 = arith.constant 0 : i32
        %cond3A_116 = arith.cmpi ne, %convert_element_type3A_114, %cond3A_115 : i32
        scf.if %cond3A_116 {
          %add3A_121 = arith.constant 1 : i32
          %add3A_122 = arith.addi %add3A_101, %add3A_121 : i32
          %mul3A_123 = arith.constant 16 : i32
          %mul3A_124 = arith.muli %add3A_122, %mul3A_123 : i32
          %add3A_125 = arith.addi %arg1, %mul3A_124 : i32
          %mul3A_126 = arith.constant 1280 : i32
          %mul3A_127 = arith.muli %add3A_125, %mul3A_126 : i32
          %dma_start3A_128 = arith.constant 0 : i32
          %dma_start3A_129 = tpu.memref_slice %arg4[%dma_start3A_128, %mul3A_127] : memref<2x800000xi32, #tpu.memory_space<hbm>> -> memref<1x1280xi32, #tpu.memory_space<hbm>>
          %dma_start3A_130 = tpu.memref_squeeze %dma_start3A_129 : memref<1x1280xi32, #tpu.memory_space<hbm>> -> memref<1280xi32, #tpu.memory_space<hbm>>
          %dma_start3A_131 = tpu.memref_slice %arg4[%dma_start3A_128, %mul3A_127] : memref<2x800000xi32, #tpu.memory_space<hbm>> -> memref<1x1280xi32, #tpu.memory_space<hbm>>
          %dma_start3A_132 = tpu.memref_squeeze %dma_start3A_131 : memref<1x1280xi32, #tpu.memory_space<hbm>> -> memref<1280xi32, #tpu.memory_space<hbm>>
          tpu.enqueue_dma source(%dma_start3A_132 : memref<1280xi32, #tpu.memory_space<hbm>>) target(%arg8 : memref<1280xi32, #tpu.memory_space<vmem>>) target_semaphore(%arg24 : memref<!tpu.dma_semaphore, #tpu.memory_space<semaphore_mem>>)
          %dma_start3A_133 = arith.constant 1 : i32
          %dma_start3A_134 = tpu.memref_slice %arg4[%dma_start3A_133, %mul3A_127] : memref<2x800000xi32, #tpu.memory_space<hbm>> -> memref<1x1280xi32, #tpu.memory_space<hbm>>
          %dma_start3A_135 = tpu.memref_squeeze %dma_start3A_134 : memref<1x1280xi32, #tpu.memory_space<hbm>> -> memref<1280xi32, #tpu.memory_space<hbm>>
          %dma_start3A_136 = tpu.memref_slice %arg4[%dma_start3A_133, %mul3A_127] : memref<2x800000xi32, #tpu.memory_space<hbm>> -> memref<1x1280xi32, #tpu.memory_space<hbm>>
          %dma_start3A_137 = tpu.memref_squeeze %dma_start3A_136 : memref<1x1280xi32, #tpu.memory_space<hbm>> -> memref<1280xi32, #tpu.memory_space<hbm>>
          tpu.enqueue_dma source(%dma_start3A_137 : memref<1280xi32, #tpu.memory_space<hbm>>) target(%arg11 : memref<1280xi32, #tpu.memory_space<vmem>>) target_semaphore(%arg24 : memref<!tpu.dma_semaphore, #tpu.memory_space<semaphore_mem>>)
        } else {
        }
        %lt3A_117 = arith.cmpi slt, %add3A_101, %add3A_7 : i32
        %convert_element_type3A_118 = arith.extui %lt3A_117 : i1 to i32
        %cond3A_119 = arith.constant 0 : i32
        %cond3A_120 = arith.cmpi ne, %convert_element_type3A_118, %cond3A_119 : i32
        scf.if %cond3A_120 {
          %mul3A_121 = arith.constant 16 : i32
          %mul3A_122 = arith.muli %add3A_101, %mul3A_121 : i32
          %add3A_123 = arith.addi %arg1, %mul3A_122 : i32
          %mul3A_124 = arith.constant 1280 : i32
          %mul3A_125 = arith.muli %add3A_123, %mul3A_124 : i32
          %dma_wait3A = arith.constant 0 : i32
          %dma_wait3A_126 = tpu.memref_slice %arg4[%dma_wait3A, %mul3A_125] : memref<2x800000xi32, #tpu.memory_space<hbm>> -> memref<1x1280xi32, #tpu.memory_space<hbm>>
          %dma_wait3A_127 = tpu.memref_squeeze %dma_wait3A_126 : memref<1x1280xi32, #tpu.memory_space<hbm>> -> memref<1280xi32, #tpu.memory_space<hbm>>
          %dma_wait3A_128 = tpu.memref_slice %arg4[%dma_wait3A, %mul3A_125] : memref<2x800000xi32, #tpu.memory_space<hbm>> -> memref<1x1280xi32, #tpu.memory_space<hbm>>
          %dma_wait3A_129 = tpu.memref_squeeze %dma_wait3A_128 : memref<1x1280xi32, #tpu.memory_space<hbm>> -> memref<1280xi32, #tpu.memory_space<hbm>>
          tpu.wait_dma2 semaphore(%arg24 : memref<!tpu.dma_semaphore, #tpu.memory_space<semaphore_mem>>) src(%dma_wait3A_129 : memref<1280xi32, #tpu.memory_space<hbm>>) dst(%arg10 : memref<1280xi32, #tpu.memory_space<vmem>>)
          %dma_wait3A_130 = arith.constant 1 : i32
          %dma_wait3A_131 = tpu.memref_slice %arg4[%dma_wait3A_130, %mul3A_125] : memref<2x800000xi32, #tpu.memory_space<hbm>> -> memref<1x1280xi32, #tpu.memory_space<hbm>>
          %dma_wait3A_132 = tpu.memref_squeeze %dma_wait3A_131 : memref<1x1280xi32, #tpu.memory_space<hbm>> -> memref<1280xi32, #tpu.memory_space<hbm>>
          %dma_wait3A_133 = tpu.memref_slice %arg4[%dma_wait3A_130, %mul3A_125] : memref<2x800000xi32, #tpu.memory_space<hbm>> -> memref<1x1280xi32, #tpu.memory_space<hbm>>
          %dma_wait3A_134 = tpu.memref_squeeze %dma_wait3A_133 : memref<1x1280xi32, #tpu.memory_space<hbm>> -> memref<1280xi32, #tpu.memory_space<hbm>>
          tpu.wait_dma2 semaphore(%arg24 : memref<!tpu.dma_semaphore, #tpu.memory_space<semaphore_mem>>) src(%dma_wait3A_134 : memref<1280xi32, #tpu.memory_space<hbm>>) dst(%arg13 : memref<1280xi32, #tpu.memory_space<vmem>>)
          %parallel_loop3A_135 = arith.constant 0 : i32
          %parallel_loop3A_136 = arith.constant 1280 : i32
          %parallel_loop3A_137 = arith.constant 16 : i32
          scf.for %parallel_loop3A_142 = %parallel_loop3A_135 to %parallel_loop3A_136 step %parallel_loop3A_137  : i32 {
            %parallel_loop3A_143 = arith.index_cast %parallel_loop3A_142 : i32 to index
            %parallel_loop3A_144 = tpu.vector_load %arg13[%parallel_loop3A_143] {strides = array<i32>} : memref<1280xi32, #tpu.memory_space<vmem>>, vector<16xi32>,
            %parallel_loop3A_145 = tpu.vector_load_idx %arg7[%parallel_loop3A_144] : memref<50000xf32, #tpu.memory_space<vmem>>[vector<16xi32>], vector<16xf32>,
            %parallel_loop3A_146 = arith.constant 1.000000e+00 : f32
            %parallel_loop3A_147 = vector.broadcast %parallel_loop3A_146 : f32 to vector<16xf32>
            %parallel_loop3A_148 = arith.subf %parallel_loop3A_147, %parallel_loop3A_145 : vector<16xf32>
            %parallel_loop3A_149 = arith.constant 5.000000e+00 : f32
            %parallel_loop3A_150 = vector.broadcast %parallel_loop3A_149 : f32 to vector<16xf32>
            %parallel_loop3A_151 = arith.mulf %parallel_loop3A_148, %parallel_loop3A_150 : vector<16xf32>
            %parallel_loop3A_152 = math.exp %parallel_loop3A_151 : vector<16xf32>
            %parallel_loop3A_153 = arith.mulf %parallel_loop3A_148, %parallel_loop3A_152 : vector<16xf32>
            %parallel_loop3A_154 = arith.index_cast %parallel_loop3A_142 : i32 to index
            %parallel_loop3A_155 = tpu.vector_load %arg16[%parallel_loop3A_154] {strides = array<i32>} : memref<1280xf32, #tpu.memory_space<vmem>>, vector<16xf32>,
            tpu.vector_store %arg16[%parallel_loop3A_154], %parallel_loop3A_153 {strides = array<i32>} : memref<1280xf32, #tpu.memory_space<vmem>>, vector<16xf32>,
            %parallel_loop3A_156 = arith.index_cast %parallel_loop3A_142 : i32 to index
            %parallel_loop3A_157 = tpu.vector_load %arg19[%parallel_loop3A_156] {strides = array<i32>} : memref<1280xf32, #tpu.memory_space<vmem>>, vector<16xf32>,
            tpu.vector_store %arg19[%parallel_loop3A_156], %parallel_loop3A_152 {strides = array<i32>} : memref<1280xf32, #tpu.memory_space<vmem>>, vector<16xf32>,
          } {sc.loop_unroll_factor = 8 : i64, sc.parallel_access}
          %dma_start3A_138 = arith.constant 0 : i32
          %dma_start3A_139 = tpu.memref_slice %arg21[%dma_start3A_138] : memref<50176xf32, #tpu.memory_space<vmem_shared>> -> memref<50176xf32, #tpu.memory_space<vmem_shared>>
          tpu.enqueue_indirect_dma source(%arg16 : memref<1280xf32, #tpu.memory_space<vmem>>) target(%dma_start3A_139 : memref<50176xf32, #tpu.memory_space<vmem_shared>>) offsets(%arg10 : memref<1280xi32, #tpu.memory_space<vmem>>) semaphore(%arg23 : memref<!tpu.dma_semaphore, #tpu.memory_space<semaphore_mem>>) {add = true}
          %dma_start3A_140 = arith.constant 0 : i32
          %dma_start3A_141 = tpu.memref_slice %arg22[%dma_start3A_140] : memref<50176xf32, #tpu.memory_space<vmem_shared>> -> memref<50176xf32, #tpu.memory_space<vmem_shared>>
          tpu.enqueue_indirect_dma source(%arg19 : memref<1280xf32, #tpu.memory_space<vmem>>) target(%dma_start3A_141 : memref<50176xf32, #tpu.memory_space<vmem_shared>>) offsets(%arg10 : memref<1280xi32, #tpu.memory_space<vmem>>) semaphore(%arg23 : memref<!tpu.dma_semaphore, #tpu.memory_space<semaphore_mem>>) {add = true}
        } else {
        }
      }
    } else {
    }
    %barrier3A_15 = arith.constant 0 : index
    tpu.barrier barrier_id(%barrier3A_15)
    %mul3A_16 = arith.constant 50176 : i32
    %mul3A_17 = arith.muli %arg0, %mul3A_16 : i32
    %mul3A_18 = arith.constant 3136 : i32
    %mul3A_19 = arith.muli %arg1, %mul3A_18 : i32
    %add3A_20 = arith.addi %mul3A_17, %mul3A_19 : i32
    %mul3A_21 = arith.constant 3136 : i32
    %mul3A_22 = arith.muli %arg1, %mul3A_21 : i32
    "tpu.region"() ({
      %run_scoped3A = tpu.sem_alloc : memref<!tpu.dma_semaphore, #tpu.memory_space<semaphore_mem>>
      %dma_start3A = tpu.memref_slice %arg21[%mul3A_22] : memref<50176xf32, #tpu.memory_space<vmem_shared>> -> memref<3136xf32, #tpu.memory_space<vmem_shared>>
      %dma_start3A_25 = tpu.memref_slice %arg21[%mul3A_22] : memref<50176xf32, #tpu.memory_space<vmem_shared>> -> memref<3136xf32, #tpu.memory_space<vmem_shared>>
      tpu.enqueue_dma source(%dma_start3A_25 : memref<3136xf32, #tpu.memory_space<vmem_shared>>) target(%arg20 : memref<3136xf32, #tpu.memory_space<vmem>>) target_semaphore(%run_scoped3A : memref<!tpu.dma_semaphore, #tpu.memory_space<semaphore_mem>>)
      %dma_wait3A = tpu.memref_slice %arg21[%mul3A_22] : memref<50176xf32, #tpu.memory_space<vmem_shared>> -> memref<3136xf32, #tpu.memory_space<vmem_shared>>
      %dma_wait3A_26 = tpu.memref_slice %arg21[%mul3A_22] : memref<50176xf32, #tpu.memory_space<vmem_shared>> -> memref<3136xf32, #tpu.memory_space<vmem_shared>>
      tpu.wait_dma2 semaphore(%run_scoped3A : memref<!tpu.dma_semaphore, #tpu.memory_space<semaphore_mem>>) src(%dma_wait3A_26 : memref<3136xf32, #tpu.memory_space<vmem_shared>>) dst(%arg20 : memref<3136xf32, #tpu.memory_space<vmem>>)
      tpu.yield
    }) : () -> ()
    "tpu.region"() ({
      %run_scoped3A = tpu.sem_alloc : memref<!tpu.dma_semaphore, #tpu.memory_space<semaphore_mem>>
      %dma_start3A = tpu.memref_slice %arg5[%add3A_20] : memref<100352xf32, #tpu.memory_space<hbm>> -> memref<3136xf32, #tpu.memory_space<hbm>>
      %dma_start3A_25 = tpu.memref_slice %arg5[%add3A_20] : memref<100352xf32, #tpu.memory_space<hbm>> -> memref<3136xf32, #tpu.memory_space<hbm>>
      tpu.enqueue_dma source(%arg20 : memref<3136xf32, #tpu.memory_space<vmem>>) target(%dma_start3A_25 : memref<3136xf32, #tpu.memory_space<hbm>>) target_semaphore(%run_scoped3A : memref<!tpu.dma_semaphore, #tpu.memory_space<semaphore_mem>>)
      %dma_wait3A = tpu.memref_slice %arg5[%add3A_20] : memref<100352xf32, #tpu.memory_space<hbm>> -> memref<3136xf32, #tpu.memory_space<hbm>>
      %dma_wait3A_26 = tpu.memref_slice %arg5[%add3A_20] : memref<100352xf32, #tpu.memory_space<hbm>> -> memref<3136xf32, #tpu.memory_space<hbm>>
      tpu.wait_dma2 semaphore(%run_scoped3A : memref<!tpu.dma_semaphore, #tpu.memory_space<semaphore_mem>>) src(%arg20 : memref<3136xf32, #tpu.memory_space<vmem>>) dst(%dma_wait3A_26 : memref<3136xf32, #tpu.memory_space<hbm>>)
      tpu.yield
    }) : () -> ()
    %mul3A_23 = arith.constant 3136 : i32
    %mul3A_24 = arith.muli %arg1, %mul3A_23 : i32
    "tpu.region"() ({
      %run_scoped3A = tpu.sem_alloc : memref<!tpu.dma_semaphore, #tpu.memory_space<semaphore_mem>>
      %dma_start3A = tpu.memref_slice %arg22[%mul3A_24] : memref<50176xf32, #tpu.memory_space<vmem_shared>> -> memref<3136xf32, #tpu.memory_space<vmem_shared>>
      %dma_start3A_25 = tpu.memref_slice %arg22[%mul3A_24] : memref<50176xf32, #tpu.memory_space<vmem_shared>> -> memref<3136xf32, #tpu.memory_space<vmem_shared>>
      tpu.enqueue_dma source(%dma_start3A_25 : memref<3136xf32, #tpu.memory_space<vmem_shared>>) target(%arg20 : memref<3136xf32, #tpu.memory_space<vmem>>) target_semaphore(%run_scoped3A : memref<!tpu.dma_semaphore, #tpu.memory_space<semaphore_mem>>)
      %dma_wait3A = tpu.memref_slice %arg22[%mul3A_24] : memref<50176xf32, #tpu.memory_space<vmem_shared>> -> memref<3136xf32, #tpu.memory_space<vmem_shared>>
      %dma_wait3A_26 = tpu.memref_slice %arg22[%mul3A_24] : memref<50176xf32, #tpu.memory_space<vmem_shared>> -> memref<3136xf32, #tpu.memory_space<vmem_shared>>
      tpu.wait_dma2 semaphore(%run_scoped3A : memref<!tpu.dma_semaphore, #tpu.memory_space<semaphore_mem>>) src(%dma_wait3A_26 : memref<3136xf32, #tpu.memory_space<vmem_shared>>) dst(%arg20 : memref<3136xf32, #tpu.memory_space<vmem>>)
      tpu.yield
    }) : () -> ()
    "tpu.region"() ({
      %run_scoped3A = tpu.sem_alloc : memref<!tpu.dma_semaphore, #tpu.memory_space<semaphore_mem>>
      %dma_start3A = tpu.memref_slice %arg6[%add3A_20] : memref<100352xf32, #tpu.memory_space<hbm>> -> memref<3136xf32, #tpu.memory_space<hbm>>
      %dma_start3A_25 = tpu.memref_slice %arg6[%add3A_20] : memref<100352xf32, #tpu.memory_space<hbm>> -> memref<3136xf32, #tpu.memory_space<hbm>>
      tpu.enqueue_dma source(%arg20 : memref<3136xf32, #tpu.memory_space<vmem>>) target(%dma_start3A_25 : memref<3136xf32, #tpu.memory_space<hbm>>) target_semaphore(%run_scoped3A : memref<!tpu.dma_semaphore, #tpu.memory_space<semaphore_mem>>)
      %dma_wait3A = tpu.memref_slice %arg6[%add3A_20] : memref<100352xf32, #tpu.memory_space<hbm>> -> memref<3136xf32, #tpu.memory_space<hbm>>
      %dma_wait3A_26 = tpu.memref_slice %arg6[%add3A_20] : memref<100352xf32, #tpu.memory_space<hbm>> -> memref<3136xf32, #tpu.memory_space<hbm>>
      tpu.wait_dma2 semaphore(%run_scoped3A : memref<!tpu.dma_semaphore, #tpu.memory_space<semaphore_mem>>) src(%arg20 : memref<3136xf32, #tpu.memory_space<vmem>>) dst(%dma_wait3A_26 : memref<3136xf32, #tpu.memory_space<hbm>>)
      tpu.yield
    }) : () -> ()
    return
  }
}

module attributes {stable_mosaic.version = 14 : i64} {
  func.func @body(%arg0: memref<100352xf32, #tpu.memory_space<vmem>>, %arg1: memref<100352xf32, #tpu.memory_space<vmem>>, %arg2: memref<1x1xf32, #tpu.memory_space<smem>>) attributes {dimension_semantics = [], scalar_prefetch = 0 : i64, scratch_operands = 0 : i64, tpu.core_type = #tpu.core_type<tc>} {
    %get3A = arith.constant 0 : index
    %get3A_0 = vector.load %arg0[%get3A] : memref<100352xf32, #tpu.memory_space<vmem>>, vector<50176xf32>
    %get3A_1 = arith.constant 50176 : index
    %get3A_2 = vector.load %arg0[%get3A_1] : memref<100352xf32, #tpu.memory_space<vmem>>, vector<50176xf32>
    %add3A = arith.addf %get3A_0, %get3A_2 : vector<50176xf32>
    %reshape3A = vector.shape_cast %add3A : vector<50176xf32> to vector<392x128xf32>
    %get3A_3 = arith.constant 0 : index
    %get3A_4 = vector.load %arg1[%get3A_3] : memref<100352xf32, #tpu.memory_space<vmem>>, vector<50176xf32>
    %get3A_5 = arith.constant 50176 : index
    %get3A_6 = vector.load %arg1[%get3A_5] : memref<100352xf32, #tpu.memory_space<vmem>>, vector<50176xf32>
    %add3A_7 = arith.addf %get3A_4, %get3A_6 : vector<50176xf32>
    %reshape3A_8 = vector.shape_cast %add3A_7 : vector<50176xf32> to vector<392x128xf32>
    %div3A = arith.divf %reshape3A, %reshape3A_8 : vector<392x128xf32>
    %sub3A = arith.constant 5.000000e-01 : f32
    %sub3A_9 = vector.broadcast %sub3A : f32 to vector<392x128xf32>
    %sub3A_10 = arith.subf %sub3A_9, %div3A : vector<392x128xf32>
    %mul3A = arith.constant 1.000000e+01 : f32
    %mul3A_11 = vector.broadcast %mul3A : f32 to vector<392x128xf32>
    %mul3A_12 = arith.mulf %mul3A_11, %sub3A_10 : vector<392x128xf32>
    %exp3A = math.exp %mul3A_12 : vector<392x128xf32>
    %add3A_13 = arith.constant 1.000000e+00 : f32
    %add3A_14 = vector.broadcast %add3A_13 : f32 to vector<392x128xf32>
    %add3A_15 = arith.addf %add3A_14, %exp3A : vector<392x128xf32>
    %div3A_16 = arith.constant 1.000000e+00 : f32
    %div3A_17 = vector.broadcast %div3A_16 : f32 to vector<392x128xf32>
    %div3A_18 = arith.divf %div3A_17, %add3A_15 : vector<392x128xf32>
    %iota3A = tpu.iota {dimensions = array<i32: 0>} : vector<392x128xi32>
    %mul3A_19 = arith.constant 128 : i32
    %mul3A_20 = vector.broadcast %mul3A_19 : i32 to vector<392x128xi32>
    %mul3A_21 = arith.muli %iota3A, %mul3A_20 : vector<392x128xi32>
    %iota3A_22 = tpu.iota {dimensions = array<i32: 1>} : vector<392x128xi32>
    %add3A_23 = arith.addi %mul3A_21, %iota3A_22 : vector<392x128xi32>
    %lt3A = arith.constant 50000 : i32
    %lt3A_24 = vector.broadcast %lt3A : i32 to vector<392x128xi32>
    %lt3A_25 = arith.cmpi slt, %add3A_23, %lt3A_24 : vector<392x128xi32>
    %log3A = math.log %div3A_18 : vector<392x128xf32>
    %jit3A = arith.constant 0.000000e+00 : f32
    %broadcast_in_dim3A = vector.broadcast %jit3A : f32 to vector<392x128xf32>
    %select_n3A = arith.select %lt3A_25, %log3A, %broadcast_in_dim3A : vector<392x128xi1>, vector<392x128xf32>
    %reduce_sum3A = vector.shape_cast %select_n3A : vector<392x128xf32> to vector<1x392x128xf32>
    %reduce_sum3A_26 = arith.constant dense<0.000000e+00> : vector<1xf32>
    %reduce_sum3A_27 = vector.multi_reduction <add>, %reduce_sum3A, %reduce_sum3A_26 [1, 2] : vector<1x392x128xf32> to vector<1xf32>
    %reduce_sum3A_28 = vector.shape_cast %reduce_sum3A_27 : vector<1xf32> to vector<1x1x1xf32>
    %reduce_sum3A_29 = vector.extract %reduce_sum3A_28[0, 0, 0] : f32 from vector<1x1x1xf32>
    %neg3A = arith.constant 0.000000e+00 : f32
    %neg3A_30 = arith.subf %neg3A, %reduce_sum3A_29 : f32
    %swap3A = arith.constant 0 : index
    %swap3A_31 = arith.constant 0 : index
    %swap3A_32 = memref.load %arg2[%swap3A, %swap3A_31] : memref<1x1xf32, #tpu.memory_space<smem>>
    memref.store %neg3A_30, %arg2[%swap3A, %swap3A_31] : memref<1x1xf32, #tpu.memory_space<smem>>
    return
  }
}

</mosaic_0001>

<sc_bundles>
// kernel: kernel.4.cloned.1.call-start
scs
__scs_entry_jumppad:
0x0: {  	(pc) =	sbr.rel $0x88, $3  }
0x1: {  	(tag) =	ssettag $0x0;
	lr =	simm.s32 $0x1  }
0x2: {  	[smem:$0x3F9E] =	sst lr;
	_ =	strace $0xD0000000  }
0x3: {  	_ = 	snop  }
0x4: {  	_ = 	snop  }
0x5: {  	_ = 	snop  }
0x6: {  	_ = 	snop  }
0x7: {  	_ = 	snop  }
__scs_overlays_trampoline_lowered:
0x8: {  	[smem:$0x3FAD] =	sst s0  }
0x9: {  	[smem:$0x3FAE] =	sst s1  }
0xa: {  	[smem:$0x3FAF] =	sst s2  }
0xb: {  	[smem:$0x3FB0] =	sst s3  }
0xc: {  	[smem:$0x3FB1] =	sst s4  }
0xd: {  	[smem:$0x3FB2] =	sst s5  }
0xe: {  	[smem:$0x3FB3] =	sst s6  }
0xf: {  	[smem:$0x3FB4] =	sst s7  }
0x10: {  	[smem:$0x3FB5] =	sst s8  }
0x11: {  	[smem:$0x3FB6] =	sst s9;
	s0 =	simm.s32 @!p0 $0x0  }
0x12: {  	s1 =	sld [smem:$0x3F9C];
	s0 =	simm.s32 @p0 $0x1  }
0x13: {  	[smem:$0x3FB7] =	sst s0;
	s0 =	simm.s32 @!p1 $0x0  }
0x14: {  	s2 =	sld [smem:$0x3F9B];
	s0 =	simm.s32 @p1 $0x1  }
0x15: {  	[smem:$0x3FB8] =	sst s0;
	s0 =	simm.s32 @!p2 $0x0  }
0x16: {  	s3 =	sld [smem:$0x3FDB];
	s0 =	simm.s32 @p2 $0x1  }
0x17: {  	s4 =	simm.s32 $0x1BF5;
	[smem:$0x3FBA] =	sst s0  }
0x18: {  	s0 =	sld [smem:$0x3F9D];
	_ =	swait.ge [sflag:s4], $0x0  }
0x19: {  	s7 =	sld [smem:$0x3F9E]  }
0x1a: {  	s8 =	sadd.s32 $0xFFFFE003, lr  }
0x1b: {  	s9 =	sadd.s32 $0xFFFFFEF7, lr;
	s5 =	simm.s32 $0xFFFFFFFF;
	p2 =	slt.u32 s8, $0xFFFFF086  }
0x1c: {  	p1 =	slt.u32 s9, $0xF7A;
	s5 =	simm.s32 @!p2 $0x0  }
0x1d: {  	s5 =	simm.s32 @p1 $0x1;
	p0 =	seq.s32 s7, s2  }
0x1e: {  	s7 =	smul.u32 @!p0 $0xF7A, s2;
	p2 =	seq.s32 @!p0 s5, $0x0  }
0x1f: {  	s9 =	smul.u32 $0xF7A, s1;
	s8 =	simm.s32 @!p0 $0x1BF5;
	p2 =	por !p2, p0  }
0x20: {  	[sflag:s8] =	ssyncset.s32 @!p0 $0xFFFFF086;
	s6 =	sadd.s32 @!p0 s3, s7;
	s7 =	simm.s32 @!p0 $0x108  }
0x21: {  	s3 =	sadd.s32 s3, s9;
	s6 =	sadd.s32 @!p0 $0x88, s6;
	s7 =	simm.s32 @p2 $0x1082  }
0x22: {  	[simem:s7], [sflag:s8] =	dma.local @!p0 [hbm:s6], $0xF7A  }
0x23: {  	s9 =	sor.u32 $0xD0000000, s2;
	s6 =	simm.s32 $0x108;
	_ =	swait.ge @!p0 [sflag:s8], $0x0  }
0x24: {  	s3 =	sadd.s32 $0x88, s3;
	s6 =	simm.s32 @!p1 $0x1082;
	[sflag:s4] =	ssyncset.s32 $0xFFFFF086  }
0x25: {  	[simem:s6], [sflag:s4] =	dma.local [hbm:s3], $0xF7A  }
0x26: {  	[smem:$0x3F9E] =	sst s1;
	(tag) =	ssettag s2;
	_ =	strace s9  }
0x27: {  	s1 =	sld [smem:$0x3FAE]  }
0x28: {  	s2 =	sld [smem:$0x3FAF]  }
0x29: {  	s4 =	sld [smem:$0x3FB1]  }
0x2a: {  	p0 =	seq.s32 s5, $0x0;
	s5 =	sld [smem:$0x3FB2]  }
0x2b: {  	s6 =	sld [smem:$0x3FB3]  }
0x2c: {  	s7 =	sld [smem:$0x3FB4]  }
0x2d: {  	s3 =	simm.s32 $0x108;
	s8 =	sld [smem:$0x3FB5]  }
0x2e: {  	s3 =	simm.s32 @!p0 $0x1082;
	s9 =	sld [smem:$0x3FB6]  }
0x2f: {  	lr =	sadd.s32 s0, s3;
	s0 =	sld [smem:$0x3FAD]  }
0x30: {  	s3 =	sld [smem:$0x3FB0]  }
0x31: {  	[smem:$0x3FB9] =	sst s10  }
0x32: {  	s10 =	sld [smem:$0x3FB7];
	_ =	sdelay $0x3  }
0x33: {  	p0 =	seq.s32 s10, $0x1;
	s10 =	sld [smem:$0x3FB9];
	_ =	sdelay $0x3  }
0x34: {  	[smem:$0x3FB9] =	sst s10  }
0x35: {  	s10 =	sld [smem:$0x3FB8];
	_ =	sdelay $0x3  }
0x36: {  	p1 =	seq.s32 s10, $0x1;
	s10 =	sld [smem:$0x3FB9];
	_ =	sdelay $0x3  }
0x37: {  	[smem:$0x3FB9] =	sst s10  }
0x38: {  	s10 =	sld [smem:$0x3FBA]  }
0x39: {  	_ = 	snop;
	(pc) =	sbr.ind lr, $3  }
0x3a: {  	_ = 	snop  }
0x3b: {  	_ = 	snop  }
0x3c: {  	p2 =	seq.s32 s10, $0x1;
	s10 =	sld [smem:$0x3FB9]  }
0x3d: {  	_ =	shalt  }
0x3e: {  	_ =	shalt  }
0x3f: {  	_ =	shalt  }
0x40: {  	_ =	shalt  }
0x41: {  	_ =	shalt  }
0x42: {  	_ =	shalt  }
0x43: {  	_ =	shalt  }
0x44: {  	_ =	shalt  }
0x45: {  	_ =	shalt  }
0x46: {  	_ =	shalt  }
0x47: {  	_ =	shalt  }
0x48: {  	_ =	shalt  }
0x49: {  	_ =	shalt  }
0x4a: {  	_ =	shalt  }
0x4b: {  	_ =	shalt  }
0x4c: {  	_ =	shalt  }
0x4d: {  	_ =	shalt  }
0x4e: {  	_ =	shalt  }
0x4f: {  	_ =	shalt  }
0x50: {  	_ =	shalt  }
0x51: {  	_ =	shalt  }
0x52: {  	_ =	shalt  }
0x53: {  	_ =	shalt  }
0x54: {  	_ =	shalt  }
0x55: {  	_ =	shalt  }
0x56: {  	_ =	shalt  }
0x57: {  	_ =	shalt  }
0x58: {  	_ =	shalt  }
0x59: {  	_ =	shalt  }
0x5a: {  	_ =	shalt  }
0x5b: {  	_ =	shalt  }
0x5c: {  	_ =	shalt  }
0x5d: {  	_ =	shalt  }
0x5e: {  	_ =	shalt  }
0x5f: {  	_ =	shalt  }
0x60: {  	_ =	shalt  }
0x61: {  	_ =	shalt  }
0x62: {  	_ =	shalt  }
0x63: {  	_ =	shalt  }
0x64: {  	_ =	shalt  }
0x65: {  	_ =	shalt  }
0x66: {  	_ =	shalt  }
0x67: {  	_ =	shalt  }
0x68: {  	_ =	shalt  }
0x69: {  	_ =	shalt  }
0x6a: {  	_ =	shalt  }
0x6b: {  	_ =	shalt  }
0x6c: {  	_ =	shalt  }
0x6d: {  	_ =	shalt  }
0x6e: {  	_ =	shalt  }
0x6f: {  	_ =	shalt  }
0x70: {  	_ =	shalt  }
0x71: {  	_ =	shalt  }
0x72: {  	_ =	shalt  }
0x73: {  	_ =	shalt  }
0x74: {  	_ =	shalt  }
0x75: {  	_ =	shalt  }
0x76: {  	_ =	shalt  }
0x77: {  	_ =	shalt  }
0x78: {  	_ =	shalt  }
0x79: {  	_ =	shalt  }
0x7a: {  	_ =	shalt  }
0x7b: {  	_ =	shalt  }
0x7c: {  	_ =	shalt  }
0x7d: {  	_ =	shalt  }
0x7e: {  	_ =	shalt  }
0x7f: {  	_ =	shalt  }
0x80: {  	_ =	shalt  }
0x81: {  	_ =	shalt  }
0x82: {  	_ =	shalt  }
0x83: {  	_ =	shalt  }
0x84: {  	_ =	shalt  }
0x85: {  	_ =	shalt  }
0x86: {  	_ =	shalt  }
0x87: {  	_ =	shalt  }
.Lfunc_end0:
.L_simem_size_0:
called_computation_lowered:
.L_overlay_start_0:
0x88: {  	s2 =	sld [smem:$0x3FD9]  }
0x89: {  	s3 =	sld [smem:$0x3FFE];
	_ =	sdelay $0x1  }
0x8a: {  	s1 =	srdreg.scid  }
0x8b: {  	s0 =	sand.u32 $0x1, s1  }
0x8c: {  	s17 =	sshll.u32 s0, $0xA;
	s2 =	sadd.s32 s3, s2  }
0x8d: {  	s2 =	sadd.s32 s2, s17  }
0x8e: {  	[smem:$0x3FC5] =	sst s2  }
0x8f: {  	_ = 	snop  }
0x90: {  	s2 =	sld [smem:$0x3FC8]  }
0x91: {  	s18 =	sld [smem:$0x3FC7];
	(tm) =	ssettm $0x1  }
0x92: {  	s4 =	sld [smem:$0x3FFB];
	_ =	sdelay $0x3  }
0x93: {  	_ =	strace s4  }
0x94: {  	s4 =	sld [smem:$0x3FFC];
	_ =	sdelay $0x3  }
0x95: {  	_ =	strace s4  }
0x96: {  	s4 =	sld [smem:$0x3FFD];
	_ =	sdelay $0x3  }
0x97: {  	_ =	strace s4  }
0x98: {  	_ =	strace $0x8FFFFFFF  }
0x99: {  	s19 =	sld [smem:$0x3FDB];
	_ =	sdelay $0x1  }
0x9a: {  	s5 =	simm.s32 $_scs_section_size  }
0x9b: {  	s6 =	simm.s32 $_size__tile_overlayer_lowered;
	s7 =	simm.s32 $_tile_overlayer_lowered  }
0x9c: {  	s22 =	simm.s32 $0x1BFF;
	s21 =	sshll.u32 s7, $0x1;
	s4 =	sadd.s32 s5, s19  }
0x9d: {  	s8 =	simm.s32 $0x0;
	s20 =	sshll.u32 s6, $0x1;
	s6 =	sadd.s32 s21, s4  }
0x9e: {  	[timem:s8], [sflag:s22] =	dma.local [hbm:s6], s20  }
0x9f: {  	_ =	swait.ge [sflag:s22], s20  }
0xa0: {  	s5 =	ssub.s32 $0x0, s20;
	[sflag:s22] =	ssyncset.done $0x0  }
0xa1: {  	[sflag:s22] =	ssyncadd.s32 s5;
	_ =	sdelay $0x1  }
0xa2: {  	s23 =	simm.s32 $0x1B8B  }
0xa3: {  	_ =	swait.ge [sflag:s23], $0x1  }
0xa4: {  	[sflag:s23] =	ssyncset.done $0x0  }
0xa5: {  	s25 =	simm.s32 $0x1B8E;
	s24 =	sld [smem:$0x3FFE];
	[sflag:s23] =	ssyncadd.s32 $0xFFFFFFFF  }
0xa6: {  	s26 =	simm.s32 $execute0_lowered;
	[smem:$0x3FD2] =	sst s25  }
0xa7: {  	s6 =	sshll.u32 s26, $0x1;
	_ =	strace $0x80000046;
	[dreg:$0x1] =	wrdreg $0xFFFFFFFF  }
0xa8: {  	s28 =	simm.s32 $_size_execute0_lowered;
	s4 =	sadd.s32 s4, s6;
	[dreg:$0x0] =	wrdreg $0x0  }
0xa9: {  	s6 =	sshll.u32 s28, $0x1;
	[dreg:$0x2] =	wrdreg s4  }
0xaa: {  	[dreg:$0x3] =	wrdreg s6  }
0xab: {  	[dreg:$0x4] =	wrdreg $0xC0  }
0xac: {  	_ =	task [dreg:s8], $0x5FFFF  }
0xad: {  	[dreg:$0x1] =	wrdreg $0xFFFFFFFF  }
0xae: {  	[dreg:$0x0] =	wrdreg $0x60  }
0xaf: {  	[dreg:$0x2] =	wrdreg s24  }
0xb0: {  	[dreg:$0x3] =	wrdreg s2  }
0xb1: {  	[dreg:$0x4] =	wrdreg s18  }
0xb2: {  	[dreg:$0x5] =	wrdreg $0x10C000  }
0xb3: {  	[dreg:$0x6] =	wrdreg $0x118400  }
0xb4: {  	[dreg:$0x7] =	wrdreg $0x9  }
0xb5: {  	_ =	task.clear_ibuf [dreg:s8], $0x8FFFF;
	_ =	strace $0x90000046  }
0xb6: {  	s29 =	simm.s32 $0x9;
	_ =	strace $0x80000048  }
0xb7: {  	_ =	swait.ge [sflag:s29], $0x1  }
0xb8: {  	[sflag:s29] =	ssyncadd.s32 $0xFFFFFFFF  }
0xb9: {  	_ =	strace $0x90000048  }
0xba: {  	_ =	sfence  }
0xbb: {  	s30 =	sld [smem:$0x0];
	_ =	sdelay $0x2  }
0xbc: {  	s31 =	sshll.u32 s1, $0xD;
	s1 =	sshrl.u32 s1, $0x2  }
0xbd: {  	s3 =	sand.u32 $0x4000, s31;
	s1 =	sadd.s32 s1, s30  }
0xbe: {  	s0 =	sor.u32 s3, s0;
	s1 =	sshll.u32 s1, $0x11  }
0xbf: {  	s0 =	sor.u32 s1, s0  }
0xc0: {  	s0 =	sadd.s32 $0x8F2B, s0  }
0xc1: {  	[sflag:s0] =	ssyncadd.remote.s32 $0x1  }
0xc2: {  	_ =	sfence.sel $0xFFFF  }
0xc3: {  	[dreg:$0x0] =	wrdreg $0xFFFFFFFF;
	(pc) =	sbr.abs _section_cstart, $3  }
0xc4: {  	[dreg:$0x1] =	wrdreg $0xFFFFFFFF  }
0xc5: {  	_ =	task.clear_ibuf [dreg:s8], $0x2FFFF;
	_ =	strace $0x9FFFFFFF  }
0xc6: {  	(tm) =	ssettm $0x7FFFFFFF  }
0xc7: {  	_ =	shalt  }
tec
execute0_lowered:
.L_overlay_start_1:
0x0: {  	(tag) =	ssettag $0x1  }
0x1: {  	s3 =	rddreg [dreg:$0x0]  }
0x2: {  	s1 =	rddreg [dreg:$0x1]  }
0x3: {  	s2 =	rddreg [dreg:$0x2];
	s5 =	srdreg.scid  }
0x4: {  	s0 =	stileid.u32;
	s4 =	rddreg [dreg:$0x3];
	s6 =	simm.s32 $0x0  }
0x5: {  	s28 =	simm.s32 $0x2;
	s29 =	simm.s32 $0x500;
	s30 =	simm.s32 $0xC880  }
0x6: {  	s31 =	simm.s32 $0xE680;
	s7 =	sand.u32 $0x1, s5;
	s5 =	rddreg [dreg:$0x4]  }
0x7: {  	s13 =	simm.s32 $0xFA80;
	s8 =	smul.u32 $0xC40, s0;
	[smem:$0x7FF] =	sst s6  }
0x8: {  	s12 =	sadd.s32 $0x800, s3;
	s17 =	ssub.s32 $0x270, s0;
	s20 =	smul.u32 $0x140, s0  }
0x9: {  	s14 =	sor.u32 $0x10, s0;
	s16 =	sadd.s32 $0x10, s2;
	s9 =	smul.u32 $0xC400, s7  }
0xa: {  	s10 =	ssub.s32 $0x2, s7;
	_ =	strace $0x80000047;
	[dreg:$0x6] =	wrdreg s12  }
0xb: {  	p0 =	seq.s32 s7, $0x1;
	s12 =	simm.s32 $0xEB80;
	s11 =	sshrl.u32 s10, $0x1  }
0xc: {  	s18 =	sadd.s32 s8, s4;
	s19 =	sadd.s32 s8, s5;
	s21 =	sadd.s32 s1, s20  }
0xd: {  	s23 =	sadd.s32 s2, s20;
	s24 =	sadd.s32 s20, s16;
	[dreg:$0x9] =	wrdreg s21  }
0xe: {  	s9 =	sadd.s32 s8, s9;
	s15 =	ssub.s32 s10, s11;
	[dreg:$0xb] =	wrdreg s23  }
0xf: {  	s10 =	sshrl.u32 s17, $0x4;
	s11 =	sadd.s32 $0x10, s1;
	[dreg:$0xc] =	wrdreg s24  }
0x10: {  	s17 =	simm.s32 $0xF080;
	s8 =	simm.s32 $0x0;
	[dreg:$0x7] =	wrdreg s18  }
0x11: {  	[dreg:$0x8] =	wrdreg s19;
	s9 =	sshrl.u32 s9, $0x3;
	s22 =	sadd.s32 s20, s11  }
.Ltmp0:
0x12: {  	s26 =	smax.u32 s15, $0x1;
	[dreg:$0xa] =	wrdreg s22;
	(pc) =	sbr.rel .LBB2_1-.Ltmp0, $4  }
0x13: {  	s15 =	simm.s32 $0xE180;
	s3 =	sadd.s32 s9, s3;
	[dreg:$0xf] =	wrdreg s26  }
0x14: {  	s9 =	simm.s32 $0xFF80;
	s22 =	simm.s32 $0x3;
	s25 =	sadd.s32 $0x2200, s3  }
0x15: {  	s26 =	simm.s32 $0xCD80;
	s3 =	sadd.s32 $0x5400, s3;
	[dreg:$0xd] =	wrdreg s25  }
0x16: {  	v0 =	vimm.f32 $0.0e+00;
	[dreg:$0xe] =	wrdreg s3;
	s25 =	simm.s32 $0xC380;
	s3 =	simm.s32 $0xF580  }
.LBB2_32:
0x17: {  	[bflag:$0x0] =	sbarrier.arrive $0xFFFF  }
0x18: {  	s9 =	simm.s32 $0xFF80;
	s18 =	rddreg [dreg:$0x7]  }
0x19: {  	[tilespmem:s9], [sflag:$0x3] =	stream.linear.gather [spmem:s18], $0xC40, $0x38;
	[tilespmem:$0x12480] =	vst v63  }
0x1a: {  	_ =	swait.ge [sflag:s22], $0xC40  }
0x1b: {  	[sflag:s22] =	ssyncset.done $0x0  }
0x1c: {  	s7 =	rddreg [dreg:$0xd];
	[sflag:s22] =	ssyncadd.s32 $0xFFFFF3C0  }
0x1d: {  	[hbm4b:s7+s6] =	stream.linear.scatter [tilespmem:s9], [sflag:$0x3], $0xC40, $0x38;
	[tilespmem:$0x12480] =	vst v63  }
0x1e: {  	_ =	swait.ge [sflag:s22], $0xC40  }
0x1f: {  	[sflag:s22] =	ssyncset.done $0x0  }
0x20: {  	s19 =	rddreg [dreg:$0x8];
	[sflag:s22] =	ssyncadd.s32 $0xFFFFF3C0  }
0x21: {  	[tilespmem:s9], [sflag:$0x3] =	stream.linear.gather [spmem:s19], $0xC40, $0x38;
	[tilespmem:$0x12480] =	vst v63  }
0x22: {  	_ =	swait.ge [sflag:s22], $0xC40  }
0x23: {  	[sflag:s22] =	ssyncset.done $0x0  }
0x24: {  	s23 =	rddreg [dreg:$0xe];
	[sflag:s22] =	ssyncadd.s32 $0xFFFFF3C0  }
0x25: {  	[hbm4b:s23+s6] =	stream.linear.scatter [tilespmem:s9], [sflag:$0x3], $0xC40, $0x38;
	[tilespmem:$0x12480] =	vst v63  }
0x26: {  	_ =	swait.ge [sflag:s22], $0xC40  }
0x27: {  	s8 =	rddreg [dreg:$0x10]  }
0x28: {  	s24 =	rddreg [dreg:$0xf];
	s8 =	sadd.s32 $0x1, s8  }
0x29: {  	p1 =	sne.s32 s8, s24  }
.Ltmp1:
0x2a: {  	_ = 	snop;
	(pc) =	sbr.rel @!p1 .LBB2_33-.Ltmp1, $3  }
0x2b: {  	_ =	sdelay $0x1  }
0x2c: {  	[sflag:s22] =	ssyncset.done $0x0  }
0x2d: {  	[sflag:s22] =	ssyncadd.s32 $0xFFFFF3C0  }
.LBB2_1:
0x2e: {  	[dreg:$0x10] =	wrdreg s8;
	s7 =	simm.s32 $0xFFA0  }
0x2f: {  	[tilespmem:s7+$0xFFFFFFE0] =	vst v0  }
0x30: {  	[tilespmem:s7+$0x10] =	vst v0  }
0x31: {  	s8 =	simm.s32 $0x0;
	[tilespmem:s7+$0x0] =	vst v0  }
.LBB2_2:
0x32: {  	s8 =	sadd.s32 $0x40, s8  }
0x33: {  	[tilespmem:s7+$0xFFFFFFF0] =	vst v0;
	s7 =	sadd.s32 $0x40, s7;
	p1 =	slt.u32 s8, $0xC00  }
.Ltmp2:
0x34: {  	[tilespmem:s7+$0xFFFFFFE0] =	vst v0;
	(pc) =	sbr.rel @p1 .LBB2_2-.Ltmp2, $3  }
0x35: {  	_ =	sdelay $0x1  }
0x36: {  	[tilespmem:s7+$0x10] =	vst v0  }
0x37: {  	[tilespmem:s7+$0x0] =	vst v0  }
0x38: {  	[tilespmem:s7+$0xFFFFFFF0] =	vst v0  }
0x39: {  	[spmem:s18] =	stream.linear.scatter [tilespmem:s9], [sflag:$0x3], $0xC40, $0x38;
	[tilespmem:$0x12480] =	vst v63  }
0x3a: {  	_ =	swait.ge [sflag:s22], $0xC40  }
0x3b: {  	[sflag:s22] =	ssyncset.done $0x0  }
0x3c: {  	[sflag:s22] =	ssyncadd.s32 $0xFFFFF3C0  }
0x3d: {  	[spmem:s19] =	stream.linear.scatter [tilespmem:s9], [sflag:$0x3], $0xC40, $0x38;
	[tilespmem:$0x12480] =	vst v63  }
0x3e: {  	_ =	swait.ge [sflag:s22], $0xC40  }
0x3f: {  	[sflag:s22] =	ssyncset.done $0x0  }
0x40: {  	s24 =	rddreg [dreg:$0x6];
	[sflag:s22] =	ssyncadd.s32 $0xFFFFF3C0  }
0x41: {  	[tilespmem:s6], [sflag:$0x3] =	stream.linear.gather [hbm4b:s24+s6], $0xC380, $0x38;
	[tilespmem:$0x12480] =	vst v63  }
.Ltmp3:
0x42: {  	_ =	swait.ge [sflag:s22], $0xC380;
	(pc) =	sbr.rel @!p0 .LBB2_4-.Ltmp3, $3  }
0x43: {  	[sflag:s22] =	ssyncset.done $0x0  }
0x44: {  	[sflag:s22] =	ssyncadd.s32 $0xFFFF3C80  }
0x45: {  	[bflag:$0x0] =	sbarrier.arrive $0xFFFF;
	_ =	sdelay $0x1  }
0x46: {  	s7 =	rddreg [dreg:$0xb]  }
.Ltmp4:
0x47: {  	s8 =	simm.s32 $0x80;
	s9 =	simm.s32 $0x100;
	(pc) =	sbr.rel .LBB2_19-.Ltmp4, $4  }
0x48: {  	[tilespmem:s25], [sflag:$0x2] =	stream.strided.gather [hbm4b:s7+s8], $0x500, s9, s8, $0x38;
	[tilespmem:$0x12480] =	vst v63  }
0x49: {  	s24 =	rddreg [dreg:$0xc];
	s18 =	simm.s32 $0xD280  }
0x4a: {  	[tilespmem:s18], [sflag:$0x2] =	stream.strided.gather [hbm4b:s24+s8], $0x500, s9, s8, $0x38;
	[tilespmem:$0x12480] =	vst v63  }
0x4b: {  	s24 =	simm.s32 $0x0  }
.LBB2_31:
0x4c: {  	s24 =	sadd.s32 $0x1, s24  }
0x4d: {  	p1 =	sne.s32 s24, $0xE  }
.Ltmp5:
0x4e: {  	_ = 	snop;
	(pc) =	sbr.rel @!p1 .LBB2_32-.Ltmp5, $1  }
0x4f: {  	_ =	sdelay $0x3  }
.LBB2_19:
0x50: {  	s7 =	smul.u32 $0x3, s24  }
0x51: {  	p4 =	seq.s32 s24, $0x0  }
0x52: {  	s18 =	simm.s32 @!p4 $0x1;
	p2 =	sge.u32 s7, s10  }
0x53: {  	_ =	swait.ge @!p4 [sflag:s18], $0x500;
	s8 =	smul.u32 @!p2 $0x30, s24  }
0x54: {  	[sflag:s18] =	ssyncset.done @!p4 $0x0  }
0x55: {  	p1 =	sgt.u32 s7, s10;
	[sflag:s18] =	ssyncadd.s32 @!p4 $0xFFFFFB00;
	s8 =	sadd.s32 @!p2 s14, s8  }
0x56: {  	s19 =	simm.s32 @!p2 $0x80;
	_ =	swait.ge @!p4 [sflag:s18], $0x500;
	s8 =	smul.u32 @!p2 $0x140, s8  }
.Ltmp6:
0x57: {  	s20 =	simm.s32 @!p2 $0x100;
	[sflag:s18] =	ssyncset.done @!p4 $0x0;
	(pc) =	sbr.rel @p1 .LBB2_23-.Ltmp6, $4  }
0x58: {  	s21 =	simm.s32 @!p2 $0xC880;
	[sflag:s18] =	ssyncadd.s32 @!p4 $0xFFFFFB00;
	s9 =	sadd.s32 @!p2 s2, s8  }
0x59: {  	[tilespmem:s21], [sflag:$0x2] =	stream.strided.gather @!p2 [hbm4b:s9+s19], $0x500, s20, s19, $0x38;
	[tilespmem:$0x12480] =	vst v63  }
0x5a: {  	s8 =	sadd.s32 @!p2 s8, s16;
	s9 =	simm.s32 @!p2 $0xD780  }
0x5b: {  	[tilespmem:s9], [sflag:$0x2] =	stream.strided.gather @!p2 [hbm4b:s8+s19], $0x500, s20, s19, $0x38;
	[tilespmem:$0x12480] =	vst v63  }
0x5c: {  	_ =	swait.ge [sflag:s28], $0x500  }
0x5d: {  	[sflag:s28] =	ssyncset.done $0x0  }
0x5e: {  	[sflag:s28] =	ssyncadd.s32 $0xFFFFFB00  }
0x5f: {  	_ =	swait.ge [sflag:s28], $0x500  }
0x60: {  	[sflag:s28] =	ssyncset.done $0x0  }
0x61: {  	s8 =	simm.s32 $0xD2C0;
	[sflag:s28] =	ssyncadd.s32 $0xFFFFFB00  }
0x62: {  	v1 =	vld [tilespmem:s8+$0x30]  }
0x63: {  	v2 =	vld [tilespmem:s8+$0xFFFFFFD0]  }
0x64: {  	v3 =	vld [tilespmem:s8+$0xFFFFFFE0]  }
0x65: {  	v4 =	vld [tilespmem:s8+$0xFFFFFFF0]  }
0x66: {  	v5 =	vld [tilespmem:s8+$0x0]  }
0x67: {  	v6 =	vld [tilespmem:s8+$0x10]  }
0x68: {  	v7 =	vld [tilespmem:s8+$0x20]  }
0x69: {  	s23 =	simm.s32 $0xD340;
	v8 =	vld [tilespmem:s8+$0xFFFFFFC0]  }
0x6a: {  	v10 =	vld [tilespmem:s23+$0x30]  }
0x6b: {  	v11 =	vld [tilespmem:s23+$0xFFFFFFE0]  }
0x6c: {  	v12 =	vld [tilespmem:s23+$0xFFFFFFF0]  }
0x6d: {  	v1 =	vld.idx.msk [tilespmem:v1+s6+$0x0], $0xffff  }
0x6e: {  	v2 =	vld.idx.msk [tilespmem:v2+s6+$0x0], $0xffff  }
0x6f: {  	v3 =	vld.idx.msk [tilespmem:v3+s6+$0x0], $0xffff  }
0x70: {  	v4 =	vld.idx.msk [tilespmem:v4+s6+$0x0], $0xffff  }
0x71: {  	v5 =	vld.idx.msk [tilespmem:v5+s6+$0x0], $0xffff  }
0x72: {  	v6 =	vld.idx.msk [tilespmem:v6+s6+$0x0], $0xffff;
	v1 =	vsub.f32 $1.000000000e+00, v1  }
0x73: {  	v7 =	vld.idx.msk [tilespmem:v7+s6+$0x0], $0xffff  }
0x74: {  	v8 =	vld.idx.msk [tilespmem:v8+s6+$0x0], $0xffff;
	v9 =	vmul.f32 $5.000000000e+00, v1  }
0x75: {  	v15 =	vsub.f32 $1.000000000e+00, v2;
	v2 =	vld [tilespmem:s23+$0xFFFFFFD0]  }
0x76: {  	v16 =	vsub.f32 $1.000000000e+00, v3;
	v20 =	vsub.f32 $1.000000000e+00, v5;
	v5 =	vld [tilespmem:s23+$0x10];
	v9 =	vmul.f32 $1.442695020e+00, v9  }
0x77: {  	v10 =	vld.idx.msk [tilespmem:v10+s6+$0x0], $0xffff;
	v3 =	vmul.f32 $5.000000000e+00, v15  }
0x78: {  	v17 =	vsub.f32 $1.000000000e+00, v4;
	v4 =	vld [tilespmem:s23+$0x0];
	(erf) = vpow2.f32 v9;
	v9 =	vmul.f32 $5.000000000e+00, v16  }
0x79: {  	v21 =	vsub.f32 $1.000000000e+00, v6;
	v8 =	vsub.f32 $1.000000000e+00, v8;
	v6 =	vld [tilespmem:s23+$0x20];
	v3 =	vmul.f32 $1.442695020e+00, v3  }
0x7a: {  	v26 =	vsub.f32 $1.000000000e+00, v7;
	v13 =	vmul.f32 $5.000000000e+00, v17;
	v7 =	vmul.f32 $1.442695020e+00, v9;
	v9 =	vld [tilespmem:s23+$0xFFFFFFC0]  }
0x7b: {  	v14 =	vmul.f32 $5.000000000e+00, v20;
	(erf) = vpow2.f32 v3;
	v3 =	vld.idx.msk [tilespmem:v11+s6+$0x0], $0xffff  }
0x7c: {  	v18 =	vmul.f32 $5.000000000e+00, v21;
	v19 =	vmul.f32 $5.000000000e+00, v8  }
0x7d: {  	v22 =	vmul.f32 $5.000000000e+00, v26;
	v13 =	vmul.f32 $1.442695020e+00, v13;
	v2 =	vld.idx.msk [tilespmem:v2+s6+$0x0], $0xffff  }
0x7e: {  	v19 =	vmul.f32 $1.442695020e+00, v19;
	v11 =	vmul.f32 $1.442695020e+00, v14;
	v5 =	vld.idx.msk [tilespmem:v5+s6+$0x0], $0xffff  }
0x7f: {  	v10 =	vsub.f32 $1.000000000e+00, v10;
	(erf) = vpow2.f32 v7;
	v7 =	vld.idx.msk [tilespmem:v12+s6+$0x0], $0xffff;
	v12 =	vmul.f32 $1.442695020e+00, v18  }
0x80: {  	v14 =	vld.idx.msk [tilespmem:v4+s6+$0x0], $0xffff;
	v18 =	vmul.f32 $1.442695020e+00, v22;
	(erf) = vpow2.f32 v19;
	v4 =	vsub.f32 $1.000000000e+00, v3  }
0x81: {  	(erf) = vpow2.f32 v13;
	v3 =	vmul.f32 $5.000000000e+00, v10  }
0x82: {  	v22 =	vmul.f32 $5.000000000e+00, v4;
	v19 =	vpop (erf);
	(erf) = vpow2.f32 v11;
	v9 =	vld.idx.msk [tilespmem:v9+s6+$0x0], $0xffff  }
0x83: {  	s9 =	simm.s32 $0xD3C0;
	v13 =	vld.idx.msk [tilespmem:v6+s6+$0x0], $0xffff;
	v6 =	vsub.f32 $1.000000000e+00, v2;
	v3 =	vmul.f32 $1.442695020e+00, v3;
	(erf) = vpow2.f32 v12  }
0x84: {  	v5 =	vsub.f32 $1.000000000e+00, v5;
	v11 =	vmul.f32 v19, v1;
	(erf) = vpow2.f32 v18;
	v18 =	vld [tilespmem:s9+$0x30]  }
0x85: {  	v23 =	vld [tilespmem:s9+$0xFFFFFFD0];
	v2 =	vsub.f32 $1.000000000e+00, v7;
	v12 =	vmul.f32 $5.000000000e+00, v6;
	v22 =	vmul.f32 $1.442695020e+00, v22;
	v28 =	vpop (erf)  }
0x86: {  	v24 =	vld [tilespmem:s9+$0xFFFFFFE0];
	v1 =	vsub.f32 $1.000000000e+00, v14;
	v15 =	vmul.f32 v28, v15;
	(erf) = vpow2.f32 v3  }
0x87: {  	v27 =	vld [tilespmem:s9+$0xFFFFFFF0];
	v14 =	vmul.f32 $1.442695020e+00, v12;
	v12 =	vmul.f32 $5.000000000e+00, v2;
	v7 =	vsub.f32 $1.000000000e+00, v9  }
0x88: {  	v29 =	vld [tilespmem:s9+$0x0];
	v25 =	vmul.f32 $5.000000000e+00, v1;
	v3 =	vsub.f32 $1.000000000e+00, v13;
	v13 =	vmul.f32 $5.000000000e+00, v5  }
0x89: {  	v31 =	vld [tilespmem:s9+$0x10];
	v30 =	vmul.f32 $1.442695020e+00, v12;
	v9 =	vpop (erf);
	v33 =	vmul.f32 $5.000000000e+00, v7  }
0x8a: {  	v35 =	vld [tilespmem:s9+$0x20];
	v32 =	vmul.f32 $5.000000000e+00, v3;
	v25 =	vmul.f32 $1.442695020e+00, v25;
	v34 =	vpop (erf)  }
0x8b: {  	s8 =	simm.s32 $0xE1C0;
	v37 =	vld [tilespmem:s9+$0xFFFFFFC0];
	(erf) = vpow2.f32 v14;
	v12 =	vpop (erf);
	v33 =	vmul.f32 $1.442695020e+00, v33  }
0x8c: {  	s9 =	simm.s32 $0xF0C0;
	[tilespmem:s8+$0x30] =	vst v11;
	v36 =	vmul.f32 $1.442695020e+00, v13;
	v13 =	vpop (erf);
	(erf) = vpow2.f32 v22;
	v38 =	vld.idx.msk [tilespmem:v18+s6+$0x0], $0xffff  }
0x8d: {  	v39 =	vld.idx.msk [tilespmem:v23+s6+$0x0], $0xffff;
	[tilespmem:s9+$0x30] =	vst v19;
	v32 =	vmul.f32 $1.442695020e+00, v32;
	v14 =	vpop (erf);
	(erf) = vpow2.f32 v33  }
0x8e: {  	v63 =	vld.idx.msk [tilespmem:v24+s6+$0x0], $0xffff;
	[tilespmem:s8+$0xFFFFFFD0] =	vst v15;
	v8 =	vmul.f32 v34, v8;
	v11 =	vpop (erf);
	(erf) = vpow2.f32 v30  }
0x8f: {  	v19 =	vld.idx.msk [tilespmem:v27+s6+$0x0], $0xffff;
	[tilespmem:s9+$0xFFFFFFD0] =	vst v28;
	v24 =	vmul.f32 v9, v16;
	v27 =	vpop (erf);
	(erf) = vpow2.f32 v25  }
0x90: {  	[tilespmem:s8+$0xFFFFFFC0] =	vst v8;
	v18 =	vld.idx.msk [tilespmem:v29+s6+$0x0], $0xffff;
	v10 =	vmul.f32 v27, v10;
	(erf) = vpow2.f32 v36  }
0x91: {  	s19 =	simm.s32 $0xE240;
	v22 =	vmul.f32 v12, v17;
	v17 =	vld.idx.msk [tilespmem:v31+s6+$0x0], $0xffff;
	[tilespmem:s9+$0xFFFFFFC0] =	vst v34;
	v15 =	vsub.f32 $1.000000000e+00, v38;
	(erf) = vpow2.f32 v32  }
0x92: {  	s20 =	simm.s32 $0xF140;
	v16 =	vld.idx.msk [tilespmem:v35+s6+$0x0], $0xffff;
	v23 =	vmul.f32 v13, v20;
	v8 =	vsub.f32 $1.000000000e+00, v39;
	v21 =	vmul.f32 v14, v21;
	[tilespmem:s19+$0x30] =	vst v10  }
0x93: {  	s21 =	simm.s32 $0x100;
	s23 =	simm.s32 $0xD440;
	v20 =	vmul.f32 v11, v26;
	v25 =	vld.idx.msk [tilespmem:v37+s6+$0x0], $0xffff;
	v10 =	vsub.f32 $1.000000000e+00, v63;
	[tilespmem:s20+$0x30] =	vst v27;
	v26 =	vmul.f32 $5.000000000e+00, v15  }
.LBB2_21:
0x94: {  	v27 =	vld [tilespmem:s23+$0x30];
	v28 =	vmul.f32 $5.000000000e+00, v8;
	v29 =	vsub.f32 $1.000000000e+00, v19;
	v30 =	vpop (erf);
	[tilespmem:s8+$0xFFFFFFE0] =	vst v24  }
0x95: {  	s21 =	sadd.s32 $0x80, s21;
	v31 =	vsub.f32 $1.000000000e+00, v18;
	v19 =	vld [tilespmem:s23+$0xFFFFFFD0];
	v24 =	vmul.f32 $5.000000000e+00, v10;
	v18 =	vmul.f32 $1.442695020e+00, v26;
	[tilespmem:s9+$0xFFFFFFE0] =	vst v9;
	v9 =	vpop (erf)  }
0x96: {  	p3 =	slt.u32 s21, $0x480;
	v33 =	vsub.f32 $1.000000000e+00, v17;
	v26 =	vld [tilespmem:s23+$0xFFFFFFE0];
	v28 =	vmul.f32 $1.442695020e+00, v28;
	v32 =	vmul.f32 $5.000000000e+00, v29;
	v17 =	vpop (erf);
	[tilespmem:s8+$0xFFFFFFF0] =	vst v22  }
0x97: {  	v34 =	vmul.f32 $5.000000000e+00, v31;
	v35 =	vsub.f32 $1.000000000e+00, v16;
	v22 =	vld [tilespmem:s23+$0xFFFFFFF0];
	(erf) = vpow2.f32 v18;
	[tilespmem:s9+$0xFFFFFFF0] =	vst v12;
	v12 =	vpop (erf)  }
0x98: {  	v18 =	vsub.f32 $1.000000000e+00, v25;
	v24 =	vmul.f32 $1.442695020e+00, v24;
	v25 =	vmul.f32 $5.000000000e+00, v33;
	v16 =	vld [tilespmem:s23+$0x0];
	v36 =	vpop (erf);
	[tilespmem:s8+$0x0] =	vst v23  }
0x99: {  	v32 =	vmul.f32 $1.442695020e+00, v32;
	v37 =	vmul.f32 $5.000000000e+00, v35;
	v23 =	vld [tilespmem:s23+$0x10];
	v38 =	vpop (erf);
	[tilespmem:s9+$0x0] =	vst v13;
	v13 =	vmov v36  }
0x9a: {  	v34 =	vmul.f32 $1.442695020e+00, v34;
	v39 =	vmul.f32 $5.000000000e+00, v18;
	v36 =	vld [tilespmem:s23+$0x20];
	v40 =	vpop (erf);
	[tilespmem:s8+$0x10] =	vst v21  }
0x9b: {  	v25 =	vmul.f32 $1.442695020e+00, v25;
	v37 =	vmul.f32 $1.442695020e+00, v37;
	v21 =	vld [tilespmem:s23+$0xFFFFFFC0];
	[tilespmem:s9+$0x10] =	vst v14;
	v14 =	vmov v38  }
0x9c: {  	v38 =	vmul.f32 $1.442695020e+00, v39;
	v27 =	vld.idx.msk [tilespmem:v27+s6+$0x0], $0xffff;
	(erf) = vpow2.f32 v28;
	[tilespmem:s8+$0x20] =	vst v20;
	s8 =	smov.u32 s19  }
0x9d: {  	v20 =	vld.idx.msk [tilespmem:v19+s6+$0x0], $0xffff;
	(erf) = vpow2.f32 v24;
	v24 =	vmul.f32 v17, v7;
	[tilespmem:s9+$0x20] =	vst v11;
	v7 =	vmovc v18;
	v11 =	vmov v40;
	s9 =	smov.u32 s20  }
0x9e: {  	v28 =	vmul.f32 v30, v6;
	v6 =	vmov v8;
	v26 =	vld.idx.msk [tilespmem:v26+s6+$0x0], $0xffff;
	(erf) = vpow2.f32 v38  }
0x9f: {  	v19 =	vld.idx.msk [tilespmem:v22+s6+$0x0], $0xffff;
	(erf) = vpow2.f32 v32;
	[tilespmem:s19+$0xFFFFFFC0] =	vst v24;
	v24 =	vmul.f32 v9, v4;
	v4 =	vmov v10  }
.Ltmp7:
0xa0: {  	v22 =	vmul.f32 v12, v2;
	v2 =	vmov v29;
	v18 =	vld.idx.msk [tilespmem:v16+s6+$0x0], $0xffff;
	(erf) = vpow2.f32 v34;
	v32 =	vpop (erf);
	[tilespmem:s20+$0xFFFFFFC0] =	vst v17;
	(pc) =	sbr.rel @p3 .LBB2_21-.Ltmp7, $4  }
0xa1: {  	v17 =	vld.idx.msk [tilespmem:v23+s6+$0x0], $0xffff;
	v10 =	vmul.f32 v32, v15;
	(erf) = vpow2.f32 v25;
	[tilespmem:s19+$0xFFFFFFD0] =	vst v28  }
0xa2: {  	v15 =	vsub.f32 $1.000000000e+00, v27;
	v23 =	vmul.f32 v13, v1;
	s19 =	sadd.s32 $0x80, s19;
	v1 =	vmovc v31;
	v16 =	vld.idx.msk [tilespmem:v36+s6+$0x0], $0xffff;
	(erf) = vpow2.f32 v37;
	[tilespmem:s20+$0xFFFFFFD0] =	vst v30  }
0xa3: {  	v8 =	vsub.f32 $1.000000000e+00, v20;
	v20 =	vmul.f32 v11, v3;
	s20 =	sadd.s32 $0x80, s20;
	v25 =	vld.idx.msk [tilespmem:v21+s6+$0x0], $0xffff;
	[tilespmem:s19+$0x30] =	vst v10;
	v21 =	vmul.f32 v14, v5  }
0xa4: {  	s23 =	sadd.s32 $0x80, s23;
	v3 =	vmovc v35;
	v10 =	vsub.f32 $1.000000000e+00, v26;
	v26 =	vmul.f32 $5.000000000e+00, v15;
	v5 =	vmov v33;
	[tilespmem:s20+$0x30] =	vst v32  }
0xa5: {  	[tilespmem:s8+$0xFFFFFFE0] =	vst v24  }
0xa6: {  	[tilespmem:s8+$0xFFFFFFF0] =	vst v22  }
0xa7: {  	[tilespmem:s8+$0x0] =	vst v23  }
0xa8: {  	[tilespmem:s8+$0x10] =	vst v21  }
0xa9: {  	[tilespmem:s8+$0x20] =	vst v20  }
0xaa: {  	[tilespmem:s9+$0xFFFFFFE0] =	vst v9  }
0xab: {  	[tilespmem:s9+$0xFFFFFFF0] =	vst v12  }
0xac: {  	v35 =	vpop (erf);
	[tilespmem:s9+$0x0] =	vst v13  }
0xad: {  	v40 =	vmul.f32 $5.000000000e+00, v8;
	[tilespmem:s9+$0x10] =	vst v14;
	v6 =	vmul.f32 v35, v6  }
0xae: {  	v34 =	vmul.f32 $1.442695020e+00, v26;
	v36 =	vpop (erf);
	v42 =	vmul.f32 $5.000000000e+00, v10;
	[tilespmem:s9+$0x20] =	vst v11;
	v39 =	vsub.f32 $1.000000000e+00, v25  }
0xaf: {  	v37 =	vpop (erf);
	v44 =	vmul.f32 $1.442695020e+00, v40;
	v4 =	vmul.f32 v36, v4;
	[tilespmem:s19+$0xFFFFFFD0] =	vst v6  }
0xb0: {  	v7 =	vmul.f32 v37, v7;
	[tilespmem:s20+$0xFFFFFFD0] =	vst v35;
	v25 =	vmul.f32 $5.000000000e+00, v39  }
0xb1: {  	(erf) = vpow2.f32 v34;
	v46 =	vmul.f32 $1.442695020e+00, v42;
	[tilespmem:s19+$0xFFFFFFE0] =	vst v4  }
0xb2: {  	v38 =	vpop (erf);
	(erf) = vpow2.f32 v44;
	[tilespmem:s19+$0xFFFFFFC0] =	vst v7;
	v47 =	vmul.f32 $1.442695020e+00, v25  }
0xb3: {  	v50 =	vsub.f32 $1.000000000e+00, v19;
	v2 =	vmul.f32 v38, v2;
	(erf) = vpow2.f32 v46;
	[tilespmem:s20+$0xFFFFFFE0] =	vst v36  }
0xb4: {  	v51 =	vsub.f32 $1.000000000e+00, v18;
	v53 =	vsub.f32 $1.000000000e+00, v17;
	v41 =	vpop (erf);
	[tilespmem:s20+$0xFFFFFFC0] =	vst v37;
	(erf) = vpow2.f32 v47  }
0xb5: {  	v52 =	vmul.f32 $5.000000000e+00, v50;
	v1 =	vmul.f32 v41, v1;
	[tilespmem:s19+$0xFFFFFFF0] =	vst v2  }
0xb6: {  	v54 =	vmul.f32 $5.000000000e+00, v51;
	v55 =	vmul.f32 $5.000000000e+00, v53;
	v43 =	vpop (erf);
	v2 =	vsub.f32 $1.000000000e+00, v16;
	[tilespmem:s20+$0xFFFFFFF0] =	vst v38  }
0xb7: {  	v9 =	vmul.f32 $1.442695020e+00, v52;
	v5 =	vmul.f32 v43, v5;
	[tilespmem:s19+$0x0] =	vst v1  }
0xb8: {  	v11 =	vmul.f32 $1.442695020e+00, v54;
	v45 =	vpop (erf);
	v1 =	vmul.f32 $5.000000000e+00, v2;
	[tilespmem:s20+$0x0] =	vst v41  }
0xb9: {  	v3 =	vmul.f32 v45, v3;
	[tilespmem:s19+$0x10] =	vst v5;
	(erf) = vpow2.f32 v9  }
0xba: {  	v56 =	vmul.f32 $1.442695020e+00, v55;
	[tilespmem:s20+$0x10] =	vst v43;
	v1 =	vmul.f32 $1.442695020e+00, v1;
	v48 =	vpop (erf)  }
0xbb: {  	[tilespmem:s19+$0x20] =	vst v3;
	v49 =	vmul.f32 v48, v15;
	v57 =	vpop (erf);
	(erf) = vpow2.f32 v11  }
0xbc: {  	s21 =	sadd.s32 $0x80, s19;
	[tilespmem:s20+$0x20] =	vst v45;
	v58 =	vpop (erf);
	(erf) = vpow2.f32 v56  }
0xbd: {  	s23 =	sadd.s32 $0x80, s20;
	[tilespmem:s21+$0x30] =	vst v49;
	v59 =	vpop (erf);
	(erf) = vpow2.f32 v1;
	v1 =	vmul.f32 v57, v8  }
0xbe: {  	[tilespmem:s23+$0x30] =	vst v48;
	v3 =	vmul.f32 v59, v39  }
0xbf: {  	[tilespmem:s21+$0xFFFFFFD0] =	vst v1  }
0xc0: {  	[tilespmem:s21+$0xFFFFFFC0] =	vst v3;
	v3 =	vmul.f32 v58, v10  }
0xc1: {  	[tilespmem:s23+$0xFFFFFFD0] =	vst v57  }
0xc2: {  	[tilespmem:s23+$0xFFFFFFC0] =	vst v59;
	v1 =	vpop (erf)  }
0xc3: {  	v60 =	vmul.f32 v1, v50;
	[tilespmem:s21+$0xFFFFFFE0] =	vst v3  }
0xc4: {  	[tilespmem:s23+$0xFFFFFFE0] =	vst v58;
	v3 =	vpop (erf)  }
0xc5: {  	[tilespmem:s21+$0xFFFFFFF0] =	vst v60;
	v61 =	vmul.f32 v3, v51  }
0xc6: {  	v62 =	vpop (erf);
	[tilespmem:s23+$0xFFFFFFF0] =	vst v1  }
0xc7: {  	v1 =	vmul.f32 v62, v53;
	[tilespmem:s21+$0x0] =	vst v61  }
0xc8: {  	v63 =	vpop (erf);
	[tilespmem:s23+$0x0] =	vst v3  }
0xc9: {  	v2 =	vmul.f32 v63, v2;
	[tilespmem:s21+$0x10] =	vst v1  }
0xca: {  	[tilespmem:s23+$0x10] =	vst v62  }
0xcb: {  	[tilespmem:s21+$0x20] =	vst v2  }
0xcc: {  	[tilespmem:s23+$0x20] =	vst v63  }
0xcd: {  	[spmem:s4] =	stream.indirect.scatter.add.f32 [tilespmem:s15], [sflag:$0x1], $0x1, s25, s29, $0xb8;
	[tilespmem:$0x12480] =	vst v63  }
0xce: {  	_ = 	snop  }
0xcf: {  	[spmem:s5] =	stream.indirect.scatter.add.f32 [tilespmem:s17], [sflag:$0x1], $0x1, s25, s29, $0xb8;
	[tilespmem:$0x12480] =	vst v63  }
.LBB2_23:
0xd0: {  	s8 =	sadd.s32 $0x2, s7  }
0xd1: {  	_ =	swait.ge @!p4 [sflag:s18], $0x500;
	p3 =	sgt.u32 s8, s10  }
0xd2: {  	[sflag:s18] =	ssyncset.done @!p4 $0x0;
	s8 =	sshll.u32 @!p3 s8, $0x4  }
0xd3: {  	[sflag:s18] =	ssyncadd.s32 @!p4 $0xFFFFFB00;
	s8 =	sor.u32 @!p3 s0, s8  }
0xd4: {  	s19 =	simm.s32 @!p3 $0x100;
	_ =	swait.ge @!p4 [sflag:s18], $0x500;
	s8 =	smul.u32 @!p3 $0x140, s8  }
.Ltmp8:
0xd5: {  	s20 =	simm.s32 @!p3 $0xCD80;
	[sflag:s18] =	ssyncset.done @!p4 $0x0;
	(pc) =	sbr.rel @p2 .LBB2_27-.Ltmp8, $4  }
0xd6: {  	[sflag:s18] =	ssyncadd.s32 @!p4 $0xFFFFFB00;
	s18 =	simm.s32 @!p3 $0x80;
	s9 =	sadd.s32 @!p3 s2, s8  }
0xd7: {  	[tilespmem:s20], [sflag:$0x2] =	stream.strided.gather @!p3 [hbm4b:s9+s18], $0x500, s19, s18, $0x38;
	[tilespmem:$0x12480] =	vst v63  }
0xd8: {  	s8 =	sadd.s32 @!p3 s8, s16;
	s9 =	simm.s32 @!p3 $0xDC80  }
0xd9: {  	[tilespmem:s9], [sflag:$0x2] =	stream.strided.gather @!p3 [hbm4b:s8+s18], $0x500, s19, s18, $0x38;
	[tilespmem:$0x12480] =	vst v63  }
0xda: {  	_ =	swait.ge [sflag:s28], $0x500  }
0xdb: {  	[sflag:s28] =	ssyncset.done $0x0  }
0xdc: {  	[sflag:s28] =	ssyncadd.s32 $0xFFFFFB00  }
0xdd: {  	_ =	swait.ge [sflag:s28], $0x500  }
0xde: {  	[sflag:s28] =	ssyncset.done $0x0  }
0xdf: {  	s8 =	simm.s32 $0xD7C0;
	[sflag:s28] =	ssyncadd.s32 $0xFFFFFB00  }
0xe0: {  	v1 =	vld [tilespmem:s8+$0x30]  }
0xe1: {  	v2 =	vld [tilespmem:s8+$0xFFFFFFD0]  }
0xe2: {  	v3 =	vld [tilespmem:s8+$0xFFFFFFE0]  }
0xe3: {  	v4 =	vld [tilespmem:s8+$0xFFFFFFF0]  }
0xe4: {  	v5 =	vld [tilespmem:s8+$0x0]  }
0xe5: {  	v6 =	vld [tilespmem:s8+$0x10]  }
0xe6: {  	v7 =	vld [tilespmem:s8+$0x20]  }
0xe7: {  	s23 =	simm.s32 $0xD840;
	v8 =	vld [tilespmem:s8+$0xFFFFFFC0]  }
0xe8: {  	v10 =	vld [tilespmem:s23+$0x30]  }
0xe9: {  	v11 =	vld [tilespmem:s23+$0xFFFFFFE0]  }
0xea: {  	v12 =	vld [tilespmem:s23+$0xFFFFFFF0]  }
0xeb: {  	v1 =	vld.idx.msk [tilespmem:v1+s6+$0x0], $0xffff  }
0xec: {  	v2 =	vld.idx.msk [tilespmem:v2+s6+$0x0], $0xffff  }
0xed: {  	v3 =	vld.idx.msk [tilespmem:v3+s6+$0x0], $0xffff  }
0xee: {  	v4 =	vld.idx.msk [tilespmem:v4+s6+$0x0], $0xffff  }
0xef: {  	v5 =	vld.idx.msk [tilespmem:v5+s6+$0x0], $0xffff  }
0xf0: {  	v6 =	vld.idx.msk [tilespmem:v6+s6+$0x0], $0xffff;
	v1 =	vsub.f32 $1.000000000e+00, v1  }
0xf1: {  	v7 =	vld.idx.msk [tilespmem:v7+s6+$0x0], $0xffff  }
0xf2: {  	v8 =	vld.idx.msk [tilespmem:v8+s6+$0x0], $0xffff;
	v9 =	vmul.f32 $5.000000000e+00, v1  }
0xf3: {  	v15 =	vsub.f32 $1.000000000e+00, v2;
	v2 =	vld [tilespmem:s23+$0xFFFFFFD0]  }
0xf4: {  	v16 =	vsub.f32 $1.000000000e+00, v3;
	v20 =	vsub.f32 $1.000000000e+00, v5;
	v5 =	vld [tilespmem:s23+$0x10];
	v9 =	vmul.f32 $1.442695020e+00, v9  }
0xf5: {  	v10 =	vld.idx.msk [tilespmem:v10+s6+$0x0], $0xffff;
	v3 =	vmul.f32 $5.000000000e+00, v15  }
0xf6: {  	v17 =	vsub.f32 $1.000000000e+00, v4;
	v4 =	vld [tilespmem:s23+$0x0];
	(erf) = vpow2.f32 v9;
	v9 =	vmul.f32 $5.000000000e+00, v16  }
0xf7: {  	v21 =	vsub.f32 $1.000000000e+00, v6;
	v8 =	vsub.f32 $1.000000000e+00, v8;
	v6 =	vld [tilespmem:s23+$0x20];
	v3 =	vmul.f32 $1.442695020e+00, v3  }
0xf8: {  	v26 =	vsub.f32 $1.000000000e+00, v7;
	v13 =	vmul.f32 $5.000000000e+00, v17;
	v7 =	vmul.f32 $1.442695020e+00, v9;
	v9 =	vld [tilespmem:s23+$0xFFFFFFC0]  }
0xf9: {  	v14 =	vmul.f32 $5.000000000e+00, v20;
	(erf) = vpow2.f32 v3;
	v3 =	vld.idx.msk [tilespmem:v11+s6+$0x0], $0xffff  }
0xfa: {  	v18 =	vmul.f32 $5.000000000e+00, v21;
	v19 =	vmul.f32 $5.000000000e+00, v8  }
0xfb: {  	v22 =	vmul.f32 $5.000000000e+00, v26;
	v13 =	vmul.f32 $1.442695020e+00, v13;
	v2 =	vld.idx.msk [tilespmem:v2+s6+$0x0], $0xffff  }
0xfc: {  	v19 =	vmul.f32 $1.442695020e+00, v19;
	v11 =	vmul.f32 $1.442695020e+00, v14;
	v5 =	vld.idx.msk [tilespmem:v5+s6+$0x0], $0xffff  }
0xfd: {  	v10 =	vsub.f32 $1.000000000e+00, v10;
	(erf) = vpow2.f32 v7;
	v7 =	vld.idx.msk [tilespmem:v12+s6+$0x0], $0xffff;
	v12 =	vmul.f32 $1.442695020e+00, v18  }
0xfe: {  	v14 =	vld.idx.msk [tilespmem:v4+s6+$0x0], $0xffff;
	v18 =	vmul.f32 $1.442695020e+00, v22;
	(erf) = vpow2.f32 v19;
	v4 =	vsub.f32 $1.000000000e+00, v3  }
0xff: {  	(erf) = vpow2.f32 v13;
	v3 =	vmul.f32 $5.000000000e+00, v10  }
0x100: {  	v22 =	vmul.f32 $5.000000000e+00, v4;
	v19 =	vpop (erf);
	(erf) = vpow2.f32 v11;
	v9 =	vld.idx.msk [tilespmem:v9+s6+$0x0], $0xffff  }
0x101: {  	s9 =	simm.s32 $0xD8C0;
	v13 =	vld.idx.msk [tilespmem:v6+s6+$0x0], $0xffff;
	v6 =	vsub.f32 $1.000000000e+00, v2;
	v3 =	vmul.f32 $1.442695020e+00, v3;
	(erf) = vpow2.f32 v12  }
0x102: {  	v5 =	vsub.f32 $1.000000000e+00, v5;
	v11 =	vmul.f32 v19, v1;
	(erf) = vpow2.f32 v18;
	v18 =	vld [tilespmem:s9+$0x30]  }
0x103: {  	v23 =	vld [tilespmem:s9+$0xFFFFFFD0];
	v2 =	vsub.f32 $1.000000000e+00, v7;
	v12 =	vmul.f32 $5.000000000e+00, v6;
	v22 =	vmul.f32 $1.442695020e+00, v22;
	v28 =	vpop (erf)  }
0x104: {  	v24 =	vld [tilespmem:s9+$0xFFFFFFE0];
	v1 =	vsub.f32 $1.000000000e+00, v14;
	v15 =	vmul.f32 v28, v15;
	(erf) = vpow2.f32 v3  }
0x105: {  	v27 =	vld [tilespmem:s9+$0xFFFFFFF0];
	v14 =	vmul.f32 $1.442695020e+00, v12;
	v12 =	vmul.f32 $5.000000000e+00, v2;
	v7 =	vsub.f32 $1.000000000e+00, v9  }
0x106: {  	v29 =	vld [tilespmem:s9+$0x0];
	v25 =	vmul.f32 $5.000000000e+00, v1;
	v3 =	vsub.f32 $1.000000000e+00, v13;
	v13 =	vmul.f32 $5.000000000e+00, v5  }
0x107: {  	v31 =	vld [tilespmem:s9+$0x10];
	v30 =	vmul.f32 $1.442695020e+00, v12;
	v9 =	vpop (erf);
	v33 =	vmul.f32 $5.000000000e+00, v7  }
0x108: {  	v35 =	vld [tilespmem:s9+$0x20];
	v32 =	vmul.f32 $5.000000000e+00, v3;
	v25 =	vmul.f32 $1.442695020e+00, v25;
	v34 =	vpop (erf)  }
0x109: {  	s8 =	simm.s32 $0xE6C0;
	v37 =	vld [tilespmem:s9+$0xFFFFFFC0];
	(erf) = vpow2.f32 v14;
	v12 =	vpop (erf);
	v33 =	vmul.f32 $1.442695020e+00, v33  }
0x10a: {  	s9 =	simm.s32 $0xF5C0;
	[tilespmem:s8+$0x30] =	vst v11;
	v36 =	vmul.f32 $1.442695020e+00, v13;
	v13 =	vpop (erf);
	(erf) = vpow2.f32 v22;
	v38 =	vld.idx.msk [tilespmem:v18+s6+$0x0], $0xffff  }
0x10b: {  	v39 =	vld.idx.msk [tilespmem:v23+s6+$0x0], $0xffff;
	[tilespmem:s9+$0x30] =	vst v19;
	v32 =	vmul.f32 $1.442695020e+00, v32;
	v14 =	vpop (erf);
	(erf) = vpow2.f32 v33  }
0x10c: {  	v63 =	vld.idx.msk [tilespmem:v24+s6+$0x0], $0xffff;
	[tilespmem:s8+$0xFFFFFFD0] =	vst v15;
	v8 =	vmul.f32 v34, v8;
	v11 =	vpop (erf);
	(erf) = vpow2.f32 v30  }
0x10d: {  	v19 =	vld.idx.msk [tilespmem:v27+s6+$0x0], $0xffff;
	[tilespmem:s9+$0xFFFFFFD0] =	vst v28;
	v24 =	vmul.f32 v9, v16;
	v27 =	vpop (erf);
	(erf) = vpow2.f32 v25  }
0x10e: {  	[tilespmem:s8+$0xFFFFFFC0] =	vst v8;
	v18 =	vld.idx.msk [tilespmem:v29+s6+$0x0], $0xffff;
	v10 =	vmul.f32 v27, v10;
	(erf) = vpow2.f32 v36  }
0x10f: {  	s18 =	simm.s32 $0xE740;
	v22 =	vmul.f32 v12, v17;
	v17 =	vld.idx.msk [tilespmem:v31+s6+$0x0], $0xffff;
	[tilespmem:s9+$0xFFFFFFC0] =	vst v34;
	v15 =	vsub.f32 $1.000000000e+00, v38;
	(erf) = vpow2.f32 v32  }
0x110: {  	s19 =	simm.s32 $0xF640;
	v16 =	vld.idx.msk [tilespmem:v35+s6+$0x0], $0xffff;
	v23 =	vmul.f32 v13, v20;
	v8 =	vsub.f32 $1.000000000e+00, v39;
	v21 =	vmul.f32 v14, v21;
	[tilespmem:s18+$0x30] =	vst v10  }
0x111: {  	s20 =	simm.s32 $0x100;
	s21 =	simm.s32 $0xD940;
	v20 =	vmul.f32 v11, v26;
	v25 =	vld.idx.msk [tilespmem:v37+s6+$0x0], $0xffff;
	v10 =	vsub.f32 $1.000000000e+00, v63;
	[tilespmem:s19+$0x30] =	vst v27;
	v26 =	vmul.f32 $5.000000000e+00, v15  }
.LBB2_25:
0x112: {  	v27 =	vld [tilespmem:s21+$0x30];
	v28 =	vmul.f32 $5.000000000e+00, v8;
	v29 =	vsub.f32 $1.000000000e+00, v19;
	v30 =	vpop (erf);
	[tilespmem:s8+$0xFFFFFFE0] =	vst v24  }
0x113: {  	s20 =	sadd.s32 $0x80, s20;
	v31 =	vsub.f32 $1.000000000e+00, v18;
	v19 =	vld [tilespmem:s21+$0xFFFFFFD0];
	v24 =	vmul.f32 $5.000000000e+00, v10;
	v18 =	vmul.f32 $1.442695020e+00, v26;
	[tilespmem:s9+$0xFFFFFFE0] =	vst v9;
	v9 =	vpop (erf)  }
0x114: {  	p2 =	slt.u32 s20, $0x480;
	v33 =	vsub.f32 $1.000000000e+00, v17;
	v26 =	vld [tilespmem:s21+$0xFFFFFFE0];
	v28 =	vmul.f32 $1.442695020e+00, v28;
	v32 =	vmul.f32 $5.000000000e+00, v29;
	v17 =	vpop (erf);
	[tilespmem:s8+$0xFFFFFFF0] =	vst v22  }
0x115: {  	v34 =	vmul.f32 $5.000000000e+00, v31;
	v35 =	vsub.f32 $1.000000000e+00, v16;
	v22 =	vld [tilespmem:s21+$0xFFFFFFF0];
	(erf) = vpow2.f32 v18;
	[tilespmem:s9+$0xFFFFFFF0] =	vst v12;
	v12 =	vpop (erf)  }
0x116: {  	v18 =	vsub.f32 $1.000000000e+00, v25;
	v24 =	vmul.f32 $1.442695020e+00, v24;
	v25 =	vmul.f32 $5.000000000e+00, v33;
	v16 =	vld [tilespmem:s21+$0x0];
	v36 =	vpop (erf);
	[tilespmem:s8+$0x0] =	vst v23  }
0x117: {  	v32 =	vmul.f32 $1.442695020e+00, v32;
	v37 =	vmul.f32 $5.000000000e+00, v35;
	v23 =	vld [tilespmem:s21+$0x10];
	v38 =	vpop (erf);
	[tilespmem:s9+$0x0] =	vst v13;
	v13 =	vmov v36  }
0x118: {  	v34 =	vmul.f32 $1.442695020e+00, v34;
	v39 =	vmul.f32 $5.000000000e+00, v18;
	v36 =	vld [tilespmem:s21+$0x20];
	v40 =	vpop (erf);
	[tilespmem:s8+$0x10] =	vst v21  }
0x119: {  	v25 =	vmul.f32 $1.442695020e+00, v25;
	v37 =	vmul.f32 $1.442695020e+00, v37;
	v21 =	vld [tilespmem:s21+$0xFFFFFFC0];
	[tilespmem:s9+$0x10] =	vst v14;
	v14 =	vmov v38  }
0x11a: {  	v38 =	vmul.f32 $1.442695020e+00, v39;
	v27 =	vld.idx.msk [tilespmem:v27+s6+$0x0], $0xffff;
	(erf) = vpow2.f32 v28;
	[tilespmem:s8+$0x20] =	vst v20;
	s8 =	smov.u32 s18  }
0x11b: {  	v20 =	vld.idx.msk [tilespmem:v19+s6+$0x0], $0xffff;
	(erf) = vpow2.f32 v24;
	v24 =	vmul.f32 v17, v7;
	[tilespmem:s9+$0x20] =	vst v11;
	v7 =	vmovc v18;
	v11 =	vmov v40;
	s9 =	smov.u32 s19  }
0x11c: {  	v28 =	vmul.f32 v30, v6;
	v6 =	vmov v8;
	v26 =	vld.idx.msk [tilespmem:v26+s6+$0x0], $0xffff;
	(erf) = vpow2.f32 v38  }
0x11d: {  	v19 =	vld.idx.msk [tilespmem:v22+s6+$0x0], $0xffff;
	(erf) = vpow2.f32 v32;
	[tilespmem:s18+$0xFFFFFFC0] =	vst v24;
	v24 =	vmul.f32 v9, v4;
	v4 =	vmov v10  }
.Ltmp9:
0x11e: {  	v22 =	vmul.f32 v12, v2;
	v2 =	vmov v29;
	v18 =	vld.idx.msk [tilespmem:v16+s6+$0x0], $0xffff;
	(erf) = vpow2.f32 v34;
	v32 =	vpop (erf);
	[tilespmem:s19+$0xFFFFFFC0] =	vst v17;
	(pc) =	sbr.rel @p2 .LBB2_25-.Ltmp9, $4  }
0x11f: {  	v17 =	vld.idx.msk [tilespmem:v23+s6+$0x0], $0xffff;
	v10 =	vmul.f32 v32, v15;
	(erf) = vpow2.f32 v25;
	[tilespmem:s18+$0xFFFFFFD0] =	vst v28  }
0x120: {  	v15 =	vsub.f32 $1.000000000e+00, v27;
	v23 =	vmul.f32 v13, v1;
	s18 =	sadd.s32 $0x80, s18;
	v1 =	vmovc v31;
	v16 =	vld.idx.msk [tilespmem:v36+s6+$0x0], $0xffff;
	(erf) = vpow2.f32 v37;
	[tilespmem:s19+$0xFFFFFFD0] =	vst v30  }
0x121: {  	v8 =	vsub.f32 $1.000000000e+00, v20;
	v20 =	vmul.f32 v11, v3;
	s19 =	sadd.s32 $0x80, s19;
	v25 =	vld.idx.msk [tilespmem:v21+s6+$0x0], $0xffff;
	[tilespmem:s18+$0x30] =	vst v10;
	v21 =	vmul.f32 v14, v5  }
0x122: {  	s21 =	sadd.s32 $0x80, s21;
	v3 =	vmovc v35;
	v10 =	vsub.f32 $1.000000000e+00, v26;
	v26 =	vmul.f32 $5.000000000e+00, v15;
	v5 =	vmov v33;
	[tilespmem:s19+$0x30] =	vst v32  }
0x123: {  	[tilespmem:s8+$0xFFFFFFE0] =	vst v24  }
0x124: {  	[tilespmem:s8+$0xFFFFFFF0] =	vst v22  }
0x125: {  	[tilespmem:s8+$0x0] =	vst v23  }
0x126: {  	[tilespmem:s8+$0x10] =	vst v21  }
0x127: {  	[tilespmem:s8+$0x20] =	vst v20  }
0x128: {  	[tilespmem:s9+$0xFFFFFFE0] =	vst v9  }
0x129: {  	[tilespmem:s9+$0xFFFFFFF0] =	vst v12  }
0x12a: {  	v35 =	vpop (erf);
	[tilespmem:s9+$0x0] =	vst v13  }
0x12b: {  	v40 =	vmul.f32 $5.000000000e+00, v8;
	[tilespmem:s9+$0x10] =	vst v14;
	v6 =	vmul.f32 v35, v6  }
0x12c: {  	v34 =	vmul.f32 $1.442695020e+00, v26;
	v36 =	vpop (erf);
	v42 =	vmul.f32 $5.000000000e+00, v10;
	[tilespmem:s9+$0x20] =	vst v11;
	v39 =	vsub.f32 $1.000000000e+00, v25  }
0x12d: {  	v37 =	vpop (erf);
	v44 =	vmul.f32 $1.442695020e+00, v40;
	v4 =	vmul.f32 v36, v4;
	[tilespmem:s18+$0xFFFFFFD0] =	vst v6  }
0x12e: {  	v7 =	vmul.f32 v37, v7;
	[tilespmem:s19+$0xFFFFFFD0] =	vst v35;
	v25 =	vmul.f32 $5.000000000e+00, v39  }
0x12f: {  	(erf) = vpow2.f32 v34;
	v46 =	vmul.f32 $1.442695020e+00, v42;
	[tilespmem:s18+$0xFFFFFFE0] =	vst v4  }
0x130: {  	v38 =	vpop (erf);
	(erf) = vpow2.f32 v44;
	[tilespmem:s18+$0xFFFFFFC0] =	vst v7;
	v47 =	vmul.f32 $1.442695020e+00, v25  }
0x131: {  	v50 =	vsub.f32 $1.000000000e+00, v19;
	v2 =	vmul.f32 v38, v2;
	(erf) = vpow2.f32 v46;
	[tilespmem:s19+$0xFFFFFFE0] =	vst v36  }
0x132: {  	v51 =	vsub.f32 $1.000000000e+00, v18;
	v53 =	vsub.f32 $1.000000000e+00, v17;
	v41 =	vpop (erf);
	[tilespmem:s19+$0xFFFFFFC0] =	vst v37;
	(erf) = vpow2.f32 v47  }
0x133: {  	v52 =	vmul.f32 $5.000000000e+00, v50;
	v1 =	vmul.f32 v41, v1;
	[tilespmem:s18+$0xFFFFFFF0] =	vst v2  }
0x134: {  	v54 =	vmul.f32 $5.000000000e+00, v51;
	v55 =	vmul.f32 $5.000000000e+00, v53;
	v43 =	vpop (erf);
	v2 =	vsub.f32 $1.000000000e+00, v16;
	[tilespmem:s19+$0xFFFFFFF0] =	vst v38  }
0x135: {  	v9 =	vmul.f32 $1.442695020e+00, v52;
	v5 =	vmul.f32 v43, v5;
	[tilespmem:s18+$0x0] =	vst v1  }
0x136: {  	v11 =	vmul.f32 $1.442695020e+00, v54;
	v45 =	vpop (erf);
	v1 =	vmul.f32 $5.000000000e+00, v2;
	[tilespmem:s19+$0x0] =	vst v41  }
0x137: {  	v3 =	vmul.f32 v45, v3;
	[tilespmem:s18+$0x10] =	vst v5;
	(erf) = vpow2.f32 v9  }
0x138: {  	v56 =	vmul.f32 $1.442695020e+00, v55;
	[tilespmem:s19+$0x10] =	vst v43;
	v1 =	vmul.f32 $1.442695020e+00, v1;
	v48 =	vpop (erf)  }
0x139: {  	[tilespmem:s18+$0x20] =	vst v3;
	v49 =	vmul.f32 v48, v15;
	v57 =	vpop (erf);
	(erf) = vpow2.f32 v11  }
0x13a: {  	s21 =	sadd.s32 $0x80, s18;
	[tilespmem:s19+$0x20] =	vst v45;
	v58 =	vpop (erf);
	(erf) = vpow2.f32 v56  }
0x13b: {  	s23 =	sadd.s32 $0x80, s19;
	[tilespmem:s21+$0x30] =	vst v49;
	v59 =	vpop (erf);
	(erf) = vpow2.f32 v1;
	v1 =	vmul.f32 v57, v8  }
0x13c: {  	[tilespmem:s23+$0x30] =	vst v48;
	v3 =	vmul.f32 v59, v39  }
0x13d: {  	[tilespmem:s21+$0xFFFFFFD0] =	vst v1  }
0x13e: {  	[tilespmem:s21+$0xFFFFFFC0] =	vst v3;
	v3 =	vmul.f32 v58, v10  }
0x13f: {  	[tilespmem:s23+$0xFFFFFFD0] =	vst v57  }
0x140: {  	[tilespmem:s23+$0xFFFFFFC0] =	vst v59;
	v1 =	vpop (erf)  }
0x141: {  	v60 =	vmul.f32 v1, v50;
	[tilespmem:s21+$0xFFFFFFE0] =	vst v3  }
0x142: {  	[tilespmem:s23+$0xFFFFFFE0] =	vst v58;
	v3 =	vpop (erf)  }
0x143: {  	[tilespmem:s21+$0xFFFFFFF0] =	vst v60;
	v61 =	vmul.f32 v3, v51  }
0x144: {  	v62 =	vpop (erf);
	[tilespmem:s23+$0xFFFFFFF0] =	vst v1  }
0x145: {  	v1 =	vmul.f32 v62, v53;
	[tilespmem:s21+$0x0] =	vst v61  }
0x146: {  	v63 =	vpop (erf);
	[tilespmem:s23+$0x0] =	vst v3  }
0x147: {  	v2 =	vmul.f32 v63, v2;
	[tilespmem:s21+$0x10] =	vst v1  }
0x148: {  	[tilespmem:s23+$0x10] =	vst v62  }
0x149: {  	[tilespmem:s21+$0x20] =	vst v2  }
0x14a: {  	[tilespmem:s23+$0x20] =	vst v63  }
0x14b: {  	[spmem:s4] =	stream.indirect.scatter.add.f32 [tilespmem:s31], [sflag:$0x1], $0x1, s30, s29, $0xb8;
	[tilespmem:$0x12480] =	vst v63  }
0x14c: {  	_ = 	snop  }
0x14d: {  	[spmem:s5] =	stream.indirect.scatter.add.f32 [tilespmem:s3], [sflag:$0x1], $0x1, s30, s29, $0xb8;
	[tilespmem:$0x12480] =	vst v63  }
.LBB2_27:
0x14e: {  	s8 =	simm.s32 @!p1 $0x1;
	s7 =	sadd.s32 $0x3, s7  }
0x14f: {  	_ =	swait.ge @!p1 [sflag:s8], $0x500;
	p2 =	sgt.u32 s7, s10  }
0x150: {  	[sflag:s8] =	ssyncset.done @!p1 $0x0;
	s7 =	sshll.u32 @!p2 s7, $0x4  }
0x151: {  	[sflag:s8] =	ssyncadd.s32 @!p1 $0xFFFFFB00;
	s7 =	sor.u32 @!p2 s0, s7  }
0x152: {  	s9 =	simm.s32 @!p2 $0x80;
	_ =	swait.ge @!p1 [sflag:s8], $0x500;
	s7 =	smul.u32 @!p2 $0x140, s7  }
.Ltmp10:
0x153: {  	s18 =	simm.s32 @!p2 $0x100;
	[sflag:s8] =	ssyncset.done @!p1 $0x0;
	(pc) =	sbr.rel @p3 .LBB2_31-.Ltmp10, $4  }
0x154: {  	s19 =	simm.s32 @!p2 $0xC380;
	[sflag:s8] =	ssyncadd.s32 @!p1 $0xFFFFFB00;
	s8 =	sadd.s32 @!p2 s2, s7  }
0x155: {  	[tilespmem:s19], [sflag:$0x2] =	stream.strided.gather @!p2 [hbm4b:s8+s9], $0x500, s18, s9, $0x38;
	[tilespmem:$0x12480] =	vst v63  }
0x156: {  	s7 =	sadd.s32 @!p2 s7, s16;
	s8 =	simm.s32 @!p2 $0xD280  }
0x157: {  	[tilespmem:s8], [sflag:$0x2] =	stream.strided.gather @!p2 [hbm4b:s7+s9], $0x500, s18, s9, $0x38;
	[tilespmem:$0x12480] =	vst v63  }
0x158: {  	_ =	swait.ge [sflag:s28], $0x500  }
0x159: {  	[sflag:s28] =	ssyncset.done $0x0  }
0x15a: {  	[sflag:s28] =	ssyncadd.s32 $0xFFFFFB00  }
0x15b: {  	_ =	swait.ge [sflag:s28], $0x500  }
0x15c: {  	[sflag:s28] =	ssyncset.done $0x0  }
0x15d: {  	s7 =	simm.s32 $0xDCC0;
	[sflag:s28] =	ssyncadd.s32 $0xFFFFFB00  }
0x15e: {  	v1 =	vld [tilespmem:s7+$0x30]  }
0x15f: {  	v2 =	vld [tilespmem:s7+$0xFFFFFFD0]  }
0x160: {  	v3 =	vld [tilespmem:s7+$0xFFFFFFE0]  }
0x161: {  	v4 =	vld [tilespmem:s7+$0xFFFFFFF0]  }
0x162: {  	v5 =	vld [tilespmem:s7+$0x0]  }
0x163: {  	v6 =	vld [tilespmem:s7+$0x10]  }
0x164: {  	v7 =	vld [tilespmem:s7+$0x20]  }
0x165: {  	s21 =	simm.s32 $0xDD40;
	v8 =	vld [tilespmem:s7+$0xFFFFFFC0]  }
0x166: {  	v10 =	vld [tilespmem:s21+$0x30]  }
0x167: {  	v11 =	vld [tilespmem:s21+$0xFFFFFFE0]  }
0x168: {  	v12 =	vld [tilespmem:s21+$0xFFFFFFF0]  }
0x169: {  	v1 =	vld.idx.msk [tilespmem:v1+s6+$0x0], $0xffff  }
0x16a: {  	v2 =	vld.idx.msk [tilespmem:v2+s6+$0x0], $0xffff  }
0x16b: {  	v3 =	vld.idx.msk [tilespmem:v3+s6+$0x0], $0xffff  }
0x16c: {  	v4 =	vld.idx.msk [tilespmem:v4+s6+$0x0], $0xffff  }
0x16d: {  	v5 =	vld.idx.msk [tilespmem:v5+s6+$0x0], $0xffff  }
0x16e: {  	v6 =	vld.idx.msk [tilespmem:v6+s6+$0x0], $0xffff;
	v1 =	vsub.f32 $1.000000000e+00, v1  }
0x16f: {  	v7 =	vld.idx.msk [tilespmem:v7+s6+$0x0], $0xffff  }
0x170: {  	v8 =	vld.idx.msk [tilespmem:v8+s6+$0x0], $0xffff;
	v9 =	vmul.f32 $5.000000000e+00, v1  }
0x171: {  	v15 =	vsub.f32 $1.000000000e+00, v2;
	v2 =	vld [tilespmem:s21+$0xFFFFFFD0]  }
0x172: {  	v16 =	vsub.f32 $1.000000000e+00, v3;
	v20 =	vsub.f32 $1.000000000e+00, v5;
	v5 =	vld [tilespmem:s21+$0x10];
	v9 =	vmul.f32 $1.442695020e+00, v9  }
0x173: {  	v10 =	vld.idx.msk [tilespmem:v10+s6+$0x0], $0xffff;
	v3 =	vmul.f32 $5.000000000e+00, v15  }
0x174: {  	v17 =	vsub.f32 $1.000000000e+00, v4;
	v4 =	vld [tilespmem:s21+$0x0];
	(erf) = vpow2.f32 v9;
	v9 =	vmul.f32 $5.000000000e+00, v16  }
0x175: {  	v21 =	vsub.f32 $1.000000000e+00, v6;
	v8 =	vsub.f32 $1.000000000e+00, v8;
	v6 =	vld [tilespmem:s21+$0x20];
	v3 =	vmul.f32 $1.442695020e+00, v3  }
0x176: {  	v26 =	vsub.f32 $1.000000000e+00, v7;
	v13 =	vmul.f32 $5.000000000e+00, v17;
	v7 =	vmul.f32 $1.442695020e+00, v9;
	v9 =	vld [tilespmem:s21+$0xFFFFFFC0]  }
0x177: {  	v14 =	vmul.f32 $5.000000000e+00, v20;
	(erf) = vpow2.f32 v3;
	v3 =	vld.idx.msk [tilespmem:v11+s6+$0x0], $0xffff  }
0x178: {  	v18 =	vmul.f32 $5.000000000e+00, v21;
	v19 =	vmul.f32 $5.000000000e+00, v8  }
0x179: {  	v22 =	vmul.f32 $5.000000000e+00, v26;
	v13 =	vmul.f32 $1.442695020e+00, v13;
	v2 =	vld.idx.msk [tilespmem:v2+s6+$0x0], $0xffff  }
0x17a: {  	v19 =	vmul.f32 $1.442695020e+00, v19;
	v11 =	vmul.f32 $1.442695020e+00, v14;
	v5 =	vld.idx.msk [tilespmem:v5+s6+$0x0], $0xffff  }
0x17b: {  	v10 =	vsub.f32 $1.000000000e+00, v10;
	(erf) = vpow2.f32 v7;
	v7 =	vld.idx.msk [tilespmem:v12+s6+$0x0], $0xffff;
	v12 =	vmul.f32 $1.442695020e+00, v18  }
0x17c: {  	v14 =	vld.idx.msk [tilespmem:v4+s6+$0x0], $0xffff;
	v18 =	vmul.f32 $1.442695020e+00, v22;
	(erf) = vpow2.f32 v19;
	v4 =	vsub.f32 $1.000000000e+00, v3  }
0x17d: {  	(erf) = vpow2.f32 v13;
	v3 =	vmul.f32 $5.000000000e+00, v10  }
0x17e: {  	v22 =	vmul.f32 $5.000000000e+00, v4;
	v19 =	vpop (erf);
	(erf) = vpow2.f32 v11;
	v9 =	vld.idx.msk [tilespmem:v9+s6+$0x0], $0xffff  }
0x17f: {  	s23 =	simm.s32 $0xDDC0;
	v13 =	vld.idx.msk [tilespmem:v6+s6+$0x0], $0xffff;
	v6 =	vsub.f32 $1.000000000e+00, v2;
	v3 =	vmul.f32 $1.442695020e+00, v3;
	(erf) = vpow2.f32 v12  }
0x180: {  	v5 =	vsub.f32 $1.000000000e+00, v5;
	v11 =	vmul.f32 v19, v1;
	(erf) = vpow2.f32 v18;
	v18 =	vld [tilespmem:s23+$0x30]  }
0x181: {  	v23 =	vld [tilespmem:s23+$0xFFFFFFD0];
	v2 =	vsub.f32 $1.000000000e+00, v7;
	v12 =	vmul.f32 $5.000000000e+00, v6;
	v22 =	vmul.f32 $1.442695020e+00, v22;
	v28 =	vpop (erf)  }
0x182: {  	v24 =	vld [tilespmem:s23+$0xFFFFFFE0];
	v1 =	vsub.f32 $1.000000000e+00, v14;
	v15 =	vmul.f32 v28, v15;
	(erf) = vpow2.f32 v3  }
0x183: {  	v27 =	vld [tilespmem:s23+$0xFFFFFFF0];
	v14 =	vmul.f32 $1.442695020e+00, v12;
	v12 =	vmul.f32 $5.000000000e+00, v2;
	v7 =	vsub.f32 $1.000000000e+00, v9  }
0x184: {  	v29 =	vld [tilespmem:s23+$0x0];
	v25 =	vmul.f32 $5.000000000e+00, v1;
	v3 =	vsub.f32 $1.000000000e+00, v13;
	v13 =	vmul.f32 $5.000000000e+00, v5  }
0x185: {  	v31 =	vld [tilespmem:s23+$0x10];
	v30 =	vmul.f32 $1.442695020e+00, v12;
	v9 =	vpop (erf);
	v33 =	vmul.f32 $5.000000000e+00, v7  }
0x186: {  	v35 =	vld [tilespmem:s23+$0x20];
	v32 =	vmul.f32 $5.000000000e+00, v3;
	v25 =	vmul.f32 $1.442695020e+00, v25;
	v34 =	vpop (erf)  }
0x187: {  	s8 =	simm.s32 $0xEBC0;
	v37 =	vld [tilespmem:s23+$0xFFFFFFC0];
	(erf) = vpow2.f32 v14;
	v12 =	vpop (erf);
	v33 =	vmul.f32 $1.442695020e+00, v33  }
0x188: {  	s9 =	simm.s32 $0xFAC0;
	[tilespmem:s8+$0x30] =	vst v11;
	v36 =	vmul.f32 $1.442695020e+00, v13;
	v13 =	vpop (erf);
	(erf) = vpow2.f32 v22;
	v38 =	vld.idx.msk [tilespmem:v18+s6+$0x0], $0xffff  }
0x189: {  	v39 =	vld.idx.msk [tilespmem:v23+s6+$0x0], $0xffff;
	[tilespmem:s9+$0x30] =	vst v19;
	v32 =	vmul.f32 $1.442695020e+00, v32;
	v14 =	vpop (erf);
	(erf) = vpow2.f32 v33  }
0x18a: {  	v63 =	vld.idx.msk [tilespmem:v24+s6+$0x0], $0xffff;
	[tilespmem:s8+$0xFFFFFFD0] =	vst v15;
	v8 =	vmul.f32 v34, v8;
	v11 =	vpop (erf);
	(erf) = vpow2.f32 v30  }
0x18b: {  	v19 =	vld.idx.msk [tilespmem:v27+s6+$0x0], $0xffff;
	[tilespmem:s9+$0xFFFFFFD0] =	vst v28;
	v24 =	vmul.f32 v9, v16;
	v27 =	vpop (erf);
	(erf) = vpow2.f32 v25  }
0x18c: {  	[tilespmem:s8+$0xFFFFFFC0] =	vst v8;
	v18 =	vld.idx.msk [tilespmem:v29+s6+$0x0], $0xffff;
	v10 =	vmul.f32 v27, v10;
	(erf) = vpow2.f32 v36  }
0x18d: {  	s7 =	simm.s32 $0xEC40;
	v22 =	vmul.f32 v12, v17;
	v17 =	vld.idx.msk [tilespmem:v31+s6+$0x0], $0xffff;
	[tilespmem:s9+$0xFFFFFFC0] =	vst v34;
	v15 =	vsub.f32 $1.000000000e+00, v38;
	(erf) = vpow2.f32 v32  }
0x18e: {  	s18 =	simm.s32 $0xFB40;
	v16 =	vld.idx.msk [tilespmem:v35+s6+$0x0], $0xffff;
	v23 =	vmul.f32 v13, v20;
	v8 =	vsub.f32 $1.000000000e+00, v39;
	v21 =	vmul.f32 v14, v21;
	[tilespmem:s7+$0x30] =	vst v10  }
0x18f: {  	s19 =	simm.s32 $0x100;
	s20 =	simm.s32 $0xDE40;
	v20 =	vmul.f32 v11, v26;
	v25 =	vld.idx.msk [tilespmem:v37+s6+$0x0], $0xffff;
	v10 =	vsub.f32 $1.000000000e+00, v63;
	[tilespmem:s18+$0x30] =	vst v27;
	v26 =	vmul.f32 $5.000000000e+00, v15  }
.LBB2_29:
0x190: {  	v27 =	vld [tilespmem:s20+$0x30];
	v28 =	vmul.f32 $5.000000000e+00, v8;
	v29 =	vsub.f32 $1.000000000e+00, v19;
	v30 =	vpop (erf);
	[tilespmem:s8+$0xFFFFFFE0] =	vst v24  }
0x191: {  	s19 =	sadd.s32 $0x80, s19;
	v31 =	vsub.f32 $1.000000000e+00, v18;
	v19 =	vld [tilespmem:s20+$0xFFFFFFD0];
	v24 =	vmul.f32 $5.000000000e+00, v10;
	v18 =	vmul.f32 $1.442695020e+00, v26;
	[tilespmem:s9+$0xFFFFFFE0] =	vst v9;
	v9 =	vpop (erf)  }
0x192: {  	p1 =	slt.u32 s19, $0x480;
	v33 =	vsub.f32 $1.000000000e+00, v17;
	v26 =	vld [tilespmem:s20+$0xFFFFFFE0];
	v28 =	vmul.f32 $1.442695020e+00, v28;
	v32 =	vmul.f32 $5.000000000e+00, v29;
	v17 =	vpop (erf);
	[tilespmem:s8+$0xFFFFFFF0] =	vst v22  }
0x193: {  	v34 =	vmul.f32 $5.000000000e+00, v31;
	v35 =	vsub.f32 $1.000000000e+00, v16;
	v22 =	vld [tilespmem:s20+$0xFFFFFFF0];
	(erf) = vpow2.f32 v18;
	[tilespmem:s9+$0xFFFFFFF0] =	vst v12;
	v12 =	vpop (erf)  }
0x194: {  	v18 =	vsub.f32 $1.000000000e+00, v25;
	v24 =	vmul.f32 $1.442695020e+00, v24;
	v25 =	vmul.f32 $5.000000000e+00, v33;
	v16 =	vld [tilespmem:s20+$0x0];
	v36 =	vpop (erf);
	[tilespmem:s8+$0x0] =	vst v23  }
0x195: {  	v32 =	vmul.f32 $1.442695020e+00, v32;
	v37 =	vmul.f32 $5.000000000e+00, v35;
	v23 =	vld [tilespmem:s20+$0x10];
	v38 =	vpop (erf);
	[tilespmem:s9+$0x0] =	vst v13;
	v13 =	vmov v36  }
0x196: {  	v34 =	vmul.f32 $1.442695020e+00, v34;
	v39 =	vmul.f32 $5.000000000e+00, v18;
	v36 =	vld [tilespmem:s20+$0x20];
	v40 =	vpop (erf);
	[tilespmem:s8+$0x10] =	vst v21  }
0x197: {  	v25 =	vmul.f32 $1.442695020e+00, v25;
	v37 =	vmul.f32 $1.442695020e+00, v37;
	v21 =	vld [tilespmem:s20+$0xFFFFFFC0];
	[tilespmem:s9+$0x10] =	vst v14;
	v14 =	vmov v38  }
0x198: {  	v38 =	vmul.f32 $1.442695020e+00, v39;
	v27 =	vld.idx.msk [tilespmem:v27+s6+$0x0], $0xffff;
	(erf) = vpow2.f32 v28;
	[tilespmem:s8+$0x20] =	vst v20;
	s8 =	smov.u32 s7  }
0x199: {  	v20 =	vld.idx.msk [tilespmem:v19+s6+$0x0], $0xffff;
	(erf) = vpow2.f32 v24;
	v24 =	vmul.f32 v17, v7;
	[tilespmem:s9+$0x20] =	vst v11;
	v7 =	vmovc v18;
	v11 =	vmov v40;
	s9 =	smov.u32 s18  }
0x19a: {  	v28 =	vmul.f32 v30, v6;
	v6 =	vmov v8;
	v26 =	vld.idx.msk [tilespmem:v26+s6+$0x0], $0xffff;
	(erf) = vpow2.f32 v38  }
0x19b: {  	v19 =	vld.idx.msk [tilespmem:v22+s6+$0x0], $0xffff;
	(erf) = vpow2.f32 v32;
	[tilespmem:s7+$0xFFFFFFC0] =	vst v24;
	v24 =	vmul.f32 v9, v4;
	v4 =	vmov v10  }
.Ltmp11:
0x19c: {  	v22 =	vmul.f32 v12, v2;
	v2 =	vmov v29;
	v18 =	vld.idx.msk [tilespmem:v16+s6+$0x0], $0xffff;
	(erf) = vpow2.f32 v34;
	v32 =	vpop (erf);
	[tilespmem:s18+$0xFFFFFFC0] =	vst v17;
	(pc) =	sbr.rel @p1 .LBB2_29-.Ltmp11, $4  }
0x19d: {  	v17 =	vld.idx.msk [tilespmem:v23+s6+$0x0], $0xffff;
	v10 =	vmul.f32 v32, v15;
	(erf) = vpow2.f32 v25;
	[tilespmem:s7+$0xFFFFFFD0] =	vst v28  }
0x19e: {  	v15 =	vsub.f32 $1.000000000e+00, v27;
	v23 =	vmul.f32 v13, v1;
	s7 =	sadd.s32 $0x80, s7;
	v1 =	vmovc v31;
	v16 =	vld.idx.msk [tilespmem:v36+s6+$0x0], $0xffff;
	(erf) = vpow2.f32 v37;
	[tilespmem:s18+$0xFFFFFFD0] =	vst v30  }
0x19f: {  	v8 =	vsub.f32 $1.000000000e+00, v20;
	v20 =	vmul.f32 v11, v3;
	s18 =	sadd.s32 $0x80, s18;
	v25 =	vld.idx.msk [tilespmem:v21+s6+$0x0], $0xffff;
	[tilespmem:s7+$0x30] =	vst v10;
	v21 =	vmul.f32 v14, v5  }
0x1a0: {  	s20 =	sadd.s32 $0x80, s20;
	v3 =	vmovc v35;
	v10 =	vsub.f32 $1.000000000e+00, v26;
	v26 =	vmul.f32 $5.000000000e+00, v15;
	v5 =	vmov v33;
	[tilespmem:s18+$0x30] =	vst v32  }
0x1a1: {  	[tilespmem:s8+$0xFFFFFFE0] =	vst v24  }
0x1a2: {  	[tilespmem:s8+$0xFFFFFFF0] =	vst v22  }
0x1a3: {  	[tilespmem:s8+$0x0] =	vst v23  }
0x1a4: {  	[tilespmem:s8+$0x10] =	vst v21  }
0x1a5: {  	[tilespmem:s8+$0x20] =	vst v20  }
0x1a6: {  	[tilespmem:s9+$0xFFFFFFE0] =	vst v9  }
0x1a7: {  	[tilespmem:s9+$0xFFFFFFF0] =	vst v12  }
0x1a8: {  	v35 =	vpop (erf);
	[tilespmem:s9+$0x0] =	vst v13  }
0x1a9: {  	v40 =	vmul.f32 $5.000000000e+00, v8;
	[tilespmem:s9+$0x10] =	vst v14;
	v6 =	vmul.f32 v35, v6  }
0x1aa: {  	v34 =	vmul.f32 $1.442695020e+00, v26;
	v36 =	vpop (erf);
	v42 =	vmul.f32 $5.000000000e+00, v10;
	[tilespmem:s9+$0x20] =	vst v11;
	v39 =	vsub.f32 $1.000000000e+00, v25  }
0x1ab: {  	v37 =	vpop (erf);
	v44 =	vmul.f32 $1.442695020e+00, v40;
	v4 =	vmul.f32 v36, v4;
	[tilespmem:s7+$0xFFFFFFD0] =	vst v6  }
0x1ac: {  	v7 =	vmul.f32 v37, v7;
	[tilespmem:s18+$0xFFFFFFD0] =	vst v35;
	v25 =	vmul.f32 $5.000000000e+00, v39  }
0x1ad: {  	(erf) = vpow2.f32 v34;
	v46 =	vmul.f32 $1.442695020e+00, v42;
	[tilespmem:s7+$0xFFFFFFE0] =	vst v4  }
0x1ae: {  	v38 =	vpop (erf);
	(erf) = vpow2.f32 v44;
	[tilespmem:s7+$0xFFFFFFC0] =	vst v7;
	v47 =	vmul.f32 $1.442695020e+00, v25  }
0x1af: {  	v50 =	vsub.f32 $1.000000000e+00, v19;
	v2 =	vmul.f32 v38, v2;
	(erf) = vpow2.f32 v46;
	[tilespmem:s18+$0xFFFFFFE0] =	vst v36  }
0x1b0: {  	v51 =	vsub.f32 $1.000000000e+00, v18;
	v53 =	vsub.f32 $1.000000000e+00, v17;
	v41 =	vpop (erf);
	[tilespmem:s18+$0xFFFFFFC0] =	vst v37;
	(erf) = vpow2.f32 v47  }
0x1b1: {  	v52 =	vmul.f32 $5.000000000e+00, v50;
	v1 =	vmul.f32 v41, v1;
	[tilespmem:s7+$0xFFFFFFF0] =	vst v2  }
0x1b2: {  	v54 =	vmul.f32 $5.000000000e+00, v51;
	v55 =	vmul.f32 $5.000000000e+00, v53;
	v43 =	vpop (erf);
	v2 =	vsub.f32 $1.000000000e+00, v16;
	[tilespmem:s18+$0xFFFFFFF0] =	vst v38  }
0x1b3: {  	v9 =	vmul.f32 $1.442695020e+00, v52;
	v5 =	vmul.f32 v43, v5;
	[tilespmem:s7+$0x0] =	vst v1  }
0x1b4: {  	v11 =	vmul.f32 $1.442695020e+00, v54;
	v45 =	vpop (erf);
	v1 =	vmul.f32 $5.000000000e+00, v2;
	[tilespmem:s18+$0x0] =	vst v41  }
0x1b5: {  	v3 =	vmul.f32 v45, v3;
	[tilespmem:s7+$0x10] =	vst v5;
	(erf) = vpow2.f32 v9  }
0x1b6: {  	v56 =	vmul.f32 $1.442695020e+00, v55;
	[tilespmem:s18+$0x10] =	vst v43;
	v1 =	vmul.f32 $1.442695020e+00, v1;
	v48 =	vpop (erf)  }
0x1b7: {  	[tilespmem:s7+$0x20] =	vst v3;
	v49 =	vmul.f32 v48, v15;
	v57 =	vpop (erf);
	(erf) = vpow2.f32 v11  }
0x1b8: {  	s21 =	sadd.s32 $0x80, s7;
	[tilespmem:s18+$0x20] =	vst v45;
	v58 =	vpop (erf);
	(erf) = vpow2.f32 v56  }
0x1b9: {  	s23 =	sadd.s32 $0x80, s18;
	[tilespmem:s21+$0x30] =	vst v49;
	v59 =	vpop (erf);
	(erf) = vpow2.f32 v1;
	v1 =	vmul.f32 v57, v8  }
0x1ba: {  	[tilespmem:s23+$0x30] =	vst v48;
	v3 =	vmul.f32 v59, v39  }
0x1bb: {  	[tilespmem:s21+$0xFFFFFFD0] =	vst v1  }
0x1bc: {  	[tilespmem:s21+$0xFFFFFFC0] =	vst v3;
	v3 =	vmul.f32 v58, v10  }
0x1bd: {  	[tilespmem:s23+$0xFFFFFFD0] =	vst v57  }
0x1be: {  	[tilespmem:s23+$0xFFFFFFC0] =	vst v59;
	v1 =	vpop (erf)  }
0x1bf: {  	v60 =	vmul.f32 v1, v50;
	[tilespmem:s21+$0xFFFFFFE0] =	vst v3  }
0x1c0: {  	[tilespmem:s23+$0xFFFFFFE0] =	vst v58;
	v3 =	vpop (erf)  }
0x1c1: {  	[tilespmem:s21+$0xFFFFFFF0] =	vst v60;
	v61 =	vmul.f32 v3, v51  }
0x1c2: {  	v62 =	vpop (erf);
	[tilespmem:s23+$0xFFFFFFF0] =	vst v1  }
0x1c3: {  	v1 =	vmul.f32 v62, v53;
	[tilespmem:s21+$0x0] =	vst v61  }
0x1c4: {  	v63 =	vpop (erf);
	[tilespmem:s23+$0x0] =	vst v3  }
0x1c5: {  	v2 =	vmul.f32 v63, v2;
	[tilespmem:s21+$0x10] =	vst v1  }
0x1c6: {  	[tilespmem:s23+$0x10] =	vst v62  }
.Ltmp12:
0x1c7: {  	[tilespmem:s21+$0x20] =	vst v2;
	(pc) =	sbr.rel .LBB2_31-.Ltmp12, $4  }
0x1c8: {  	[tilespmem:s23+$0x20] =	vst v63  }
0x1c9: {  	[spmem:s4] =	stream.indirect.scatter.add.f32 [tilespmem:s12], [sflag:$0x1], $0x1, s26, s29, $0xb8;
	[tilespmem:$0x12480] =	vst v63  }
0x1ca: {  	_ = 	snop  }
0x1cb: {  	[spmem:s5] =	stream.indirect.scatter.add.f32 [tilespmem:s13], [sflag:$0x1], $0x1, s26, s29, $0xb8;
	[tilespmem:$0x12480] =	vst v63  }
.LBB2_4:
0x1cc: {  	s7 =	rddreg [dreg:$0x9]  }
.Ltmp13:
0x1cd: {  	s8 =	simm.s32 $0x80;
	s9 =	simm.s32 $0x100;
	(pc) =	sbr.rel .LBB2_5-.Ltmp13, $4  }
0x1ce: {  	[tilespmem:s25], [sflag:$0x2] =	stream.strided.gather [hbm4b:s7+s8], $0x500, s9, s8, $0x38;
	[tilespmem:$0x12480] =	vst v63  }
0x1cf: {  	s24 =	rddreg [dreg:$0xa];
	s18 =	simm.s32 $0xD280  }
0x1d0: {  	[tilespmem:s18], [sflag:$0x2] =	stream.strided.gather [hbm4b:s24+s8], $0x500, s9, s8, $0x38;
	[tilespmem:$0x12480] =	vst v63  }
0x1d1: {  	s24 =	simm.s32 $0x0  }
.LBB2_16:
0x1d2: {  	[tilespmem:s8+$0xFFFFFFE0] =	vst v25  }
0x1d3: {  	[tilespmem:s8+$0xFFFFFFF0] =	vst v23  }
0x1d4: {  	[tilespmem:s8+$0x0] =	vst v24  }
0x1d5: {  	[tilespmem:s8+$0x10] =	vst v21  }
0x1d6: {  	[tilespmem:s8+$0x20] =	vst v22  }
0x1d7: {  	[tilespmem:s9+$0xFFFFFFE0] =	vst v11  }
0x1d8: {  	[tilespmem:s9+$0xFFFFFFF0] =	vst v14  }
0x1d9: {  	v43 =	vpop (erf);
	[tilespmem:s9+$0x0] =	vst v15  }
0x1da: {  	[tilespmem:s9+$0x10] =	vst v16;
	v6 =	vmul.f32 v43, v6  }
0x1db: {  	v27 =	vmul.f32 $1.442695020e+00, v27;
	v44 =	vpop (erf);
	[tilespmem:s9+$0x20] =	vst v13  }
0x1dc: {  	v48 =	vmul.f32 $5.000000000e+00, v8;
	v45 =	vpop (erf);
	v5 =	vmul.f32 v44, v5;
	[tilespmem:s7+$0xFFFFFFD0] =	vst v6  }
0x1dd: {  	v51 =	vmul.f32 $1.442695020e+00, v26;
	v10 =	vmul.f32 v45, v10;
	[tilespmem:s18+$0xFFFFFFD0] =	vst v43  }
0x1de: {  	v49 =	vmul.f32 $5.000000000e+00, v20;
	(erf) = vpow2.f32 v27;
	[tilespmem:s7+$0xFFFFFFE0] =	vst v5  }
0x1df: {  	v53 =	vmul.f32 $1.442695020e+00, v48;
	v46 =	vpop (erf);
	(erf) = vpow2.f32 v51;
	[tilespmem:s7+$0xFFFFFFC0] =	vst v10  }
0x1e0: {  	v56 =	vmul.f32 $5.000000000e+00, v9;
	v3 =	vmul.f32 v46, v3;
	[tilespmem:s18+$0xFFFFFFE0] =	vst v44  }
0x1e1: {  	v54 =	vmul.f32 $1.442695020e+00, v49;
	v47 =	vpop (erf);
	(erf) = vpow2.f32 v53;
	[tilespmem:s18+$0xFFFFFFC0] =	vst v45  }
0x1e2: {  	v4 =	vmul.f32 v47, v4;
	[tilespmem:s7+$0xFFFFFFF0] =	vst v3  }
0x1e3: {  	v6 =	vmul.f32 $1.442695020e+00, v56;
	v50 =	vpop (erf);
	(erf) = vpow2.f32 v54;
	[tilespmem:s18+$0xFFFFFFF0] =	vst v46  }
0x1e4: {  	v57 =	vmul.f32 $5.000000000e+00, v19;
	v2 =	vmul.f32 v50, v2;
	[tilespmem:s7+$0x0] =	vst v4  }
0x1e5: {  	v52 =	vpop (erf);
	v3 =	vmul.f32 $5.000000000e+00, v17;
	(erf) = vpow2.f32 v6;
	[tilespmem:s18+$0x0] =	vst v47  }
0x1e6: {  	v5 =	vmul.f32 $1.442695020e+00, v57;
	v1 =	vmul.f32 v52, v1;
	[tilespmem:s7+$0x10] =	vst v2  }
0x1e7: {  	v58 =	vmul.f32 $5.000000000e+00, v18;
	v3 =	vmul.f32 $1.442695020e+00, v3;
	[tilespmem:s18+$0x10] =	vst v50;
	v55 =	vpop (erf)  }
0x1e8: {  	[tilespmem:s7+$0x20] =	vst v1;
	v12 =	vmul.f32 v55, v12;
	v59 =	vpop (erf);
	(erf) = vpow2.f32 v5  }
0x1e9: {  	s21 =	sadd.s32 $0x80, s7;
	v2 =	vmul.f32 $1.442695020e+00, v58;
	[tilespmem:s18+$0x20] =	vst v52  }
0x1ea: {  	s23 =	sadd.s32 $0x80, s18;
	v60 =	vpop (erf);
	(erf) = vpow2.f32 v3;
	v1 =	vmul.f32 v59, v7;
	[tilespmem:s21+$0x30] =	vst v12  }
0x1eb: {  	[tilespmem:s23+$0x30] =	vst v55  }
0x1ec: {  	v61 =	vpop (erf);
	(erf) = vpow2.f32 v2;
	v2 =	vmul.f32 v60, v8;
	[tilespmem:s21+$0xFFFFFFD0] =	vst v1  }
0x1ed: {  	v3 =	vmul.f32 v61, v20;
	[tilespmem:s23+$0xFFFFFFD0] =	vst v59  }
0x1ee: {  	[tilespmem:s21+$0xFFFFFFE0] =	vst v2;
	v1 =	vpop (erf)  }
0x1ef: {  	[tilespmem:s21+$0xFFFFFFC0] =	vst v3;
	v3 =	vmul.f32 v1, v9  }
0x1f0: {  	[tilespmem:s23+$0xFFFFFFE0] =	vst v60  }
0x1f1: {  	[tilespmem:s23+$0xFFFFFFC0] =	vst v61;
	v2 =	vpop (erf)  }
0x1f2: {  	[tilespmem:s21+$0xFFFFFFF0] =	vst v3;
	v62 =	vmul.f32 v2, v19  }
0x1f3: {  	[tilespmem:s23+$0xFFFFFFF0] =	vst v1;
	v3 =	vpop (erf)  }
0x1f4: {  	v1 =	vmul.f32 v3, v17;
	[tilespmem:s21+$0x0] =	vst v62  }
0x1f5: {  	v63 =	vpop (erf);
	[tilespmem:s23+$0x0] =	vst v2  }
0x1f6: {  	v2 =	vmul.f32 v63, v18;
	[tilespmem:s21+$0x10] =	vst v1  }
0x1f7: {  	[tilespmem:s23+$0x10] =	vst v3  }
0x1f8: {  	[tilespmem:s21+$0x20] =	vst v2  }
0x1f9: {  	[tilespmem:s23+$0x20] =	vst v63  }
0x1fa: {  	[spmem:s4] =	stream.indirect.scatter.add.f32 [tilespmem:s12], [sflag:$0x1], $0x1, s26, s29, $0xb8;
	[tilespmem:$0x12480] =	vst v63  }
0x1fb: {  	_ = 	snop  }
0x1fc: {  	[spmem:s5] =	stream.indirect.scatter.add.f32 [tilespmem:s13], [sflag:$0x1], $0x1, s26, s29, $0xb8;
	[tilespmem:$0x12480] =	vst v63  }
.LBB2_17:
0x1fd: {  	s24 =	sadd.s32 $0x1, s24  }
0x1fe: {  	p1 =	seq.s32 s24, $0xE  }
.Ltmp14:
0x1ff: {  	_ = 	snop;
	(pc) =	sbr.rel @p1 .LBB2_32-.Ltmp14, $1  }
0x200: {  	_ =	sdelay $0x3  }
.LBB2_5:
0x201: {  	s7 =	smul.u32 $0x3, s24  }
0x202: {  	p4 =	seq.s32 s24, $0x0  }
0x203: {  	s18 =	simm.s32 @!p4 $0x1;
	p2 =	sge.u32 s7, s10  }
0x204: {  	_ =	swait.ge @!p4 [sflag:s18], $0x500;
	s8 =	smul.u32 @!p2 $0x30, s24  }
0x205: {  	[sflag:s18] =	ssyncset.done @!p4 $0x0  }
0x206: {  	p1 =	sgt.u32 s7, s10;
	[sflag:s18] =	ssyncadd.s32 @!p4 $0xFFFFFB00;
	s8 =	sadd.s32 @!p2 s14, s8  }
0x207: {  	s19 =	simm.s32 @!p2 $0x80;
	_ =	swait.ge @!p4 [sflag:s18], $0x500;
	s8 =	smul.u32 @!p2 $0x140, s8  }
.Ltmp15:
0x208: {  	s20 =	simm.s32 @!p2 $0x100;
	[sflag:s18] =	ssyncset.done @!p4 $0x0;
	(pc) =	sbr.rel @p1 .LBB2_9-.Ltmp15, $4  }
0x209: {  	s21 =	simm.s32 @!p2 $0xC880;
	[sflag:s18] =	ssyncadd.s32 @!p4 $0xFFFFFB00;
	s9 =	sadd.s32 @!p2 s1, s8  }
0x20a: {  	[tilespmem:s21], [sflag:$0x2] =	stream.strided.gather @!p2 [hbm4b:s9+s19], $0x500, s20, s19, $0x38;
	[tilespmem:$0x12480] =	vst v63  }
0x20b: {  	s8 =	sadd.s32 @!p2 s8, s11;
	s9 =	simm.s32 @!p2 $0xD780  }
0x20c: {  	[tilespmem:s9], [sflag:$0x2] =	stream.strided.gather @!p2 [hbm4b:s8+s19], $0x500, s20, s19, $0x38;
	[tilespmem:$0x12480] =	vst v63  }
0x20d: {  	_ =	swait.ge [sflag:s28], $0x500  }
0x20e: {  	[sflag:s28] =	ssyncset.done $0x0  }
0x20f: {  	[sflag:s28] =	ssyncadd.s32 $0xFFFFFB00  }
0x210: {  	_ =	swait.ge [sflag:s28], $0x500  }
0x211: {  	[sflag:s28] =	ssyncset.done $0x0  }
0x212: {  	s8 =	simm.s32 $0xD2C0;
	[sflag:s28] =	ssyncadd.s32 $0xFFFFFB00  }
0x213: {  	v1 =	vld [tilespmem:s8+$0x30]  }
0x214: {  	v2 =	vld [tilespmem:s8+$0xFFFFFFD0]  }
0x215: {  	v3 =	vld [tilespmem:s8+$0xFFFFFFE0]  }
0x216: {  	v4 =	vld [tilespmem:s8+$0xFFFFFFF0]  }
0x217: {  	v5 =	vld [tilespmem:s8+$0x0]  }
0x218: {  	v6 =	vld [tilespmem:s8+$0x10]  }
0x219: {  	v7 =	vld [tilespmem:s8+$0x20]  }
0x21a: {  	v8 =	vld [tilespmem:s8+$0xFFFFFFC0]  }
0x21b: {  	v1 =	vld.idx.msk [tilespmem:v1+s6+$0x0], $0xffff  }
0x21c: {  	v9 =	vld.idx.msk [tilespmem:v2+s6+$0x0], $0xffff  }
0x21d: {  	v17 =	vld.idx.msk [tilespmem:v3+s6+$0x0], $0xffff  }
0x21e: {  	v18 =	vld.idx.msk [tilespmem:v4+s6+$0x0], $0xffff  }
0x21f: {  	v20 =	vld.idx.msk [tilespmem:v5+s6+$0x0], $0xffff  }
0x220: {  	v21 =	vld.idx.msk [tilespmem:v6+s6+$0x0], $0xffff  }
0x221: {  	v22 =	vld.idx.msk [tilespmem:v7+s6+$0x0], $0xffff  }
0x222: {  	s23 =	simm.s32 $0xD340;
	v7 =	vld.idx.msk [tilespmem:v8+s6+$0x0], $0xffff  }
0x223: {  	v3 =	vld [tilespmem:s23+$0x30];
	v2 =	vmul.f32 $5.000000000e+00, v1  }
0x224: {  	v4 =	vld [tilespmem:s23+$0xFFFFFFD0]  }
0x225: {  	v10 =	vld [tilespmem:s23+$0x0];
	v2 =	vmul.f32 $1.442695020e+00, v2  }
0x226: {  	v5 =	vld [tilespmem:s23+$0xFFFFFFE0];
	v6 =	vmul.f32 $5.000000000e+00, v9;
	v8 =	vmul.f32 $5.000000000e+00, v17  }
0x227: {  	v11 =	vmul.f32 $5.000000000e+00, v18;
	(erf) = vpow2.f32 v2;
	v2 =	vld [tilespmem:s23+$0xFFFFFFF0]  }
0x228: {  	v12 =	vld [tilespmem:s23+$0x10];
	v13 =	vmul.f32 $5.000000000e+00, v20;
	v15 =	vmul.f32 $5.000000000e+00, v21  }
0x229: {  	v14 =	vld [tilespmem:s23+$0x20];
	v16 =	vmul.f32 $5.000000000e+00, v7;
	v6 =	vmul.f32 $1.442695020e+00, v6  }
0x22a: {  	v19 =	vld [tilespmem:s23+$0xFFFFFFC0];
	v23 =	vmul.f32 $5.000000000e+00, v22;
	v8 =	vmul.f32 $1.442695020e+00, v8  }
0x22b: {  	v24 =	vld.idx.msk [tilespmem:v3+s6+$0x0], $0xffff;
	v3 =	vmul.f32 $1.442695020e+00, v16;
	(erf) = vpow2.f32 v6  }
0x22c: {  	s9 =	simm.s32 $0xD3C0;
	v11 =	vmul.f32 $1.442695020e+00, v11;
	v6 =	vld.idx.msk [tilespmem:v4+s6+$0x0], $0xffff;
	(erf) = vpow2.f32 v8  }
0x22d: {  	v26 =	vld [tilespmem:s9+$0xFFFFFFF0];
	v13 =	vmul.f32 $1.442695020e+00, v13;
	(erf) = vpow2.f32 v3  }
0x22e: {  	v5 =	vld.idx.msk [tilespmem:v5+s6+$0x0], $0xffff;
	v8 =	vmul.f32 $1.442695020e+00, v15;
	(erf) = vpow2.f32 v11  }
0x22f: {  	v15 =	vmul.f32 $1.442695020e+00, v23;
	(erf) = vpow2.f32 v13;
	v3 =	vld.idx.msk [tilespmem:v2+s6+$0x0], $0xffff  }
0x230: {  	v4 =	vld.idx.msk [tilespmem:v10+s6+$0x0], $0xffff;
	(erf) = vpow2.f32 v8;
	v8 =	vmul.f32 $5.000000000e+00, v24  }
0x231: {  	v11 =	vmul.f32 $5.000000000e+00, v6;
	v2 =	vld.idx.msk [tilespmem:v12+s6+$0x0], $0xffff  }
0x232: {  	v10 =	vld.idx.msk [tilespmem:v19+s6+$0x0], $0xffff;
	(erf) = vpow2.f32 v15;
	v8 =	vmul.f32 $1.442695020e+00, v8;
	v16 =	vpop (erf)  }
0x233: {  	v12 =	vld [tilespmem:s9+$0x30];
	v15 =	vmul.f32 $1.442695020e+00, v11;
	v13 =	vmul.f32 v16, v1  }
0x234: {  	v1 =	vld.idx.msk [tilespmem:v14+s6+$0x0], $0xffff;
	v14 =	vmul.f32 $5.000000000e+00, v5;
	v11 =	vmul.f32 $5.000000000e+00, v3  }
0x235: {  	v19 =	vld [tilespmem:s9+$0xFFFFFFD0];
	v25 =	vmul.f32 $5.000000000e+00, v4;
	(erf) = vpow2.f32 v8  }
0x236: {  	v23 =	vld [tilespmem:s9+$0xFFFFFFE0];
	v8 =	vmul.f32 $1.442695020e+00, v14;
	v14 =	vmul.f32 $5.000000000e+00, v2  }
0x237: {  	v31 =	vld [tilespmem:s9+$0x10];
	v32 =	vmul.f32 $5.000000000e+00, v10;
	v33 =	vmul.f32 $1.442695020e+00, v25;
	v27 =	vpop (erf)  }
0x238: {  	v28 =	vld [tilespmem:s9+$0x0];
	(erf) = vpow2.f32 v15;
	v29 =	vmul.f32 $1.442695020e+00, v11;
	v11 =	vpop (erf)  }
0x239: {  	v35 =	vld [tilespmem:s9+$0x20];
	v25 =	vmul.f32 $1.442695020e+00, v32;
	(erf) = vpow2.f32 v8;
	v34 =	vpop (erf)  }
0x23a: {  	s8 =	simm.s32 $0xE1C0;
	v37 =	vld [tilespmem:s9+$0xFFFFFFC0];
	v30 =	vmul.f32 $5.000000000e+00, v1;
	v36 =	vmul.f32 $1.442695020e+00, v14;
	v14 =	vpop (erf)  }
0x23b: {  	s9 =	simm.s32 $0xF0C0;
	v38 =	vmul.f32 v27, v9;
	[tilespmem:s8+$0x30] =	vst v13;
	v12 =	vld.idx.msk [tilespmem:v12+s6+$0x0], $0xffff;
	(erf) = vpow2.f32 v25;
	v15 =	vpop (erf)  }
0x23c: {  	v9 =	vld.idx.msk [tilespmem:v26+s6+$0x0], $0xffff;
	[tilespmem:s9+$0x30] =	vst v16;
	v30 =	vmul.f32 $1.442695020e+00, v30;
	(erf) = vpow2.f32 v29;
	v16 =	vpop (erf)  }
0x23d: {  	[tilespmem:s8+$0xFFFFFFD0] =	vst v38;
	v25 =	vmul.f32 v11, v17;
	v63 =	vmul.f32 v34, v7;
	v7 =	vld.idx.msk [tilespmem:v19+s6+$0x0], $0xffff;
	v13 =	vpop (erf)  }
0x23e: {  	v8 =	vld.idx.msk [tilespmem:v23+s6+$0x0], $0xffff;
	[tilespmem:s9+$0xFFFFFFD0] =	vst v27;
	(erf) = vpow2.f32 v33;
	v23 =	vmul.f32 v14, v18;
	v29 =	vpop (erf)  }
0x23f: {  	v17 =	vld.idx.msk [tilespmem:v31+s6+$0x0], $0xffff;
	[tilespmem:s8+$0xFFFFFFC0] =	vst v63;
	(erf) = vpow2.f32 v36;
	v26 =	vmul.f32 v29, v24  }
0x240: {  	s19 =	simm.s32 $0xE240;
	v19 =	vld.idx.msk [tilespmem:v28+s6+$0x0], $0xffff;
	v27 =	vmul.f32 $5.000000000e+00, v12;
	[tilespmem:s9+$0xFFFFFFC0] =	vst v34;
	(erf) = vpow2.f32 v30  }
0x241: {  	s20 =	simm.s32 $0xF140;
	v18 =	vld.idx.msk [tilespmem:v35+s6+$0x0], $0xffff;
	v21 =	vmul.f32 v16, v21;
	v22 =	vmul.f32 v13, v22;
	[tilespmem:s19+$0x30] =	vst v26  }
0x242: {  	s21 =	simm.s32 $0x100;
	s23 =	simm.s32 $0xD440;
	v24 =	vmul.f32 v15, v20;
	v20 =	vld.idx.msk [tilespmem:v37+s6+$0x0], $0xffff;
	v26 =	vmul.f32 $5.000000000e+00, v7;
	[tilespmem:s20+$0x30] =	vst v29  }
.LBB2_7:
0x243: {  	v28 =	vld [tilespmem:s23+$0x30];
	v29 =	vmul.f32 $5.000000000e+00, v8;
	v36 =	vmul.f32 $1.442695020e+00, v27;
	v30 =	vpop (erf);
	[tilespmem:s8+$0xFFFFFFE0] =	vst v25  }
0x244: {  	s21 =	sadd.s32 $0x80, s21;
	v31 =	vmul.f32 $5.000000000e+00, v9;
	v25 =	vld [tilespmem:s23+$0xFFFFFFD0];
	v26 =	vmul.f32 $1.442695020e+00, v26;
	[tilespmem:s9+$0xFFFFFFE0] =	vst v11;
	v11 =	vpop (erf)  }
0x245: {  	p3 =	slt.u32 s21, $0x480;
	v33 =	vmul.f32 $5.000000000e+00, v19;
	v34 =	vmov v19;
	v32 =	vld [tilespmem:s23+$0xFFFFFFE0];
	(erf) = vpow2.f32 v36;
	v27 =	vpop (erf);
	[tilespmem:s8+$0xFFFFFFF0] =	vst v23  }
0x246: {  	v23 =	vmul.f32 $1.442695020e+00, v29;
	v29 =	vmul.f32 $5.000000000e+00, v17;
	v35 =	vmov v17;
	v19 =	vld [tilespmem:s23+$0xFFFFFFF0];
	[tilespmem:s9+$0xFFFFFFF0] =	vst v14;
	v14 =	vpop (erf)  }
0x247: {  	v31 =	vmul.f32 $1.442695020e+00, v31;
	v36 =	vmul.f32 $5.000000000e+00, v18;
	v38 =	vmov v18;
	v17 =	vld [tilespmem:s23+$0x0];
	v37 =	vpop (erf);
	[tilespmem:s8+$0x0] =	vst v24  }
0x248: {  	v33 =	vmul.f32 $1.442695020e+00, v33;
	v24 =	vmul.f32 $5.000000000e+00, v20;
	v18 =	vld [tilespmem:s23+$0x10];
	v39 =	vpop (erf);
	[tilespmem:s9+$0x0] =	vst v15;
	v15 =	vmov v37  }
0x249: {  	v29 =	vmul.f32 $1.442695020e+00, v29;
	v36 =	vmul.f32 $1.442695020e+00, v36;
	v37 =	vld [tilespmem:s23+$0x20];
	v40 =	vpop (erf);
	[tilespmem:s8+$0x10] =	vst v21  }
0x24a: {  	v21 =	vmul.f32 $1.442695020e+00, v24;
	v41 =	vld [tilespmem:s23+$0xFFFFFFC0];
	(erf) = vpow2.f32 v26;
	[tilespmem:s9+$0x10] =	vst v16;
	v16 =	vmov v39  }
0x24b: {  	v26 =	vld.idx.msk [tilespmem:v28+s6+$0x0], $0xffff;
	(erf) = vpow2.f32 v23;
	v23 =	vmul.f32 v27, v10;
	[tilespmem:s8+$0x20] =	vst v22;
	v10 =	vmov v20;
	s8 =	smov.u32 s19  }
0x24c: {  	v20 =	vmul.f32 v30, v6;
	v6 =	vmovc v7;
	(erf) = vpow2.f32 v21;
	[tilespmem:s9+$0x20] =	vst v13;
	v13 =	vmov v40;
	v7 =	vld.idx.msk [tilespmem:v25+s6+$0x0], $0xffff;
	s9 =	smov.u32 s20  }
0x24d: {  	v25 =	vmul.f32 v11, v5;
	v5 =	vmov v8;
	(erf) = vpow2.f32 v31;
	[tilespmem:s19+$0xFFFFFFC0] =	vst v23;
	v8 =	vld.idx.msk [tilespmem:v32+s6+$0x0], $0xffff  }
.Ltmp16:
0x24e: {  	v23 =	vmul.f32 v14, v3;
	v3 =	vmov v9;
	(erf) = vpow2.f32 v33;
	v22 =	vpop (erf);
	[tilespmem:s20+$0xFFFFFFC0] =	vst v27;
	v9 =	vld.idx.msk [tilespmem:v19+s6+$0x0], $0xffff;
	(pc) =	sbr.rel @p3 .LBB2_7-.Ltmp16, $4  }
0x24f: {  	v19 =	vld.idx.msk [tilespmem:v17+s6+$0x0], $0xffff;
	v28 =	vmul.f32 v22, v12;
	(erf) = vpow2.f32 v29;
	[tilespmem:s19+$0xFFFFFFD0] =	vst v20  }
0x250: {  	v24 =	vmul.f32 v15, v4;
	v4 =	vmov v34;
	s19 =	sadd.s32 $0x80, s19;
	v17 =	vld.idx.msk [tilespmem:v18+s6+$0x0], $0xffff;
	(erf) = vpow2.f32 v36;
	[tilespmem:s20+$0xFFFFFFD0] =	vst v30  }
0x251: {  	v21 =	vmul.f32 v16, v2;
	v2 =	vmovc v35;
	v27 =	vmul.f32 $5.000000000e+00, v26;
	s20 =	sadd.s32 $0x80, s20;
	v12 =	vmov v26;
	v18 =	vld.idx.msk [tilespmem:v37+s6+$0x0], $0xffff;
	[tilespmem:s19+$0x30] =	vst v28  }
0x252: {  	s23 =	sadd.s32 $0x80, s23;
	v26 =	vmul.f32 $5.000000000e+00, v7;
	v20 =	vld.idx.msk [tilespmem:v41+s6+$0x0], $0xffff;
	[tilespmem:s20+$0x30] =	vst v22;
	v22 =	vmul.f32 v13, v1;
	v1 =	vmov v38  }
0x253: {  	[tilespmem:s8+$0xFFFFFFE0] =	vst v25  }
0x254: {  	[tilespmem:s8+$0xFFFFFFF0] =	vst v23  }
0x255: {  	[tilespmem:s8+$0x0] =	vst v24  }
0x256: {  	[tilespmem:s8+$0x10] =	vst v21  }
0x257: {  	[tilespmem:s9+$0xFFFFFFE0] =	vst v11  }
0x258: {  	[tilespmem:s9+$0xFFFFFFF0] =	vst v14  }
0x259: {  	[tilespmem:s9+$0x0] =	vst v15  }
0x25a: {  	v43 =	vpop (erf);
	[tilespmem:s9+$0x10] =	vst v16  }
0x25b: {  	[tilespmem:s8+$0x20] =	vst v22;
	v6 =	vmul.f32 v43, v6  }
0x25c: {  	v27 =	vmul.f32 $1.442695020e+00, v27;
	v44 =	vpop (erf);
	[tilespmem:s9+$0x20] =	vst v13  }
0x25d: {  	v48 =	vmul.f32 $5.000000000e+00, v8;
	v45 =	vpop (erf);
	v5 =	vmul.f32 v44, v5;
	[tilespmem:s19+$0xFFFFFFD0] =	vst v6  }
0x25e: {  	v51 =	vmul.f32 $1.442695020e+00, v26;
	v10 =	vmul.f32 v45, v10;
	[tilespmem:s20+$0xFFFFFFD0] =	vst v43  }
0x25f: {  	(erf) = vpow2.f32 v27;
	v53 =	vmul.f32 $1.442695020e+00, v48;
	[tilespmem:s19+$0xFFFFFFE0] =	vst v5  }
0x260: {  	v46 =	vpop (erf);
	(erf) = vpow2.f32 v51;
	v49 =	vmul.f32 $5.000000000e+00, v20;
	[tilespmem:s19+$0xFFFFFFC0] =	vst v10  }
0x261: {  	v56 =	vmul.f32 $5.000000000e+00, v9;
	v3 =	vmul.f32 v46, v3;
	[tilespmem:s20+$0xFFFFFFE0] =	vst v44  }
0x262: {  	v47 =	vpop (erf);
	(erf) = vpow2.f32 v53;
	v54 =	vmul.f32 $1.442695020e+00, v49;
	[tilespmem:s20+$0xFFFFFFC0] =	vst v45  }
0x263: {  	v4 =	vmul.f32 v47, v4;
	[tilespmem:s19+$0xFFFFFFF0] =	vst v3  }
0x264: {  	v6 =	vmul.f32 $1.442695020e+00, v56;
	v50 =	vpop (erf);
	[tilespmem:s20+$0xFFFFFFF0] =	vst v46;
	(erf) = vpow2.f32 v54  }
0x265: {  	v57 =	vmul.f32 $5.000000000e+00, v19;
	v2 =	vmul.f32 v50, v2;
	[tilespmem:s19+$0x0] =	vst v4  }
0x266: {  	v52 =	vpop (erf);
	v3 =	vmul.f32 $5.000000000e+00, v17;
	[tilespmem:s20+$0x0] =	vst v47;
	(erf) = vpow2.f32 v6  }
0x267: {  	v5 =	vmul.f32 $1.442695020e+00, v57;
	v1 =	vmul.f32 v52, v1;
	[tilespmem:s19+$0x10] =	vst v2  }
0x268: {  	v58 =	vmul.f32 $5.000000000e+00, v18;
	v3 =	vmul.f32 $1.442695020e+00, v3;
	[tilespmem:s20+$0x10] =	vst v50;
	v55 =	vpop (erf)  }
0x269: {  	[tilespmem:s19+$0x20] =	vst v1;
	v12 =	vmul.f32 v55, v12;
	v59 =	vpop (erf);
	(erf) = vpow2.f32 v5  }
0x26a: {  	s21 =	sadd.s32 $0x80, s19;
	v2 =	vmul.f32 $1.442695020e+00, v58;
	[tilespmem:s20+$0x20] =	vst v52  }
0x26b: {  	s23 =	sadd.s32 $0x80, s20;
	v60 =	vpop (erf);
	(erf) = vpow2.f32 v3;
	v1 =	vmul.f32 v59, v7;
	[tilespmem:s21+$0x30] =	vst v12  }
0x26c: {  	[tilespmem:s23+$0x30] =	vst v55  }
0x26d: {  	[tilespmem:s21+$0xFFFFFFD0] =	vst v1;
	v61 =	vpop (erf);
	(erf) = vpow2.f32 v2;
	v2 =	vmul.f32 v60, v8  }
0x26e: {  	[tilespmem:s23+$0xFFFFFFD0] =	vst v59;
	v3 =	vmul.f32 v61, v20  }
0x26f: {  	v1 =	vpop (erf);
	[tilespmem:s21+$0xFFFFFFE0] =	vst v2  }
0x270: {  	[tilespmem:s21+$0xFFFFFFC0] =	vst v3;
	v3 =	vmul.f32 v1, v9  }
0x271: {  	[tilespmem:s23+$0xFFFFFFE0] =	vst v60  }
0x272: {  	[tilespmem:s23+$0xFFFFFFC0] =	vst v61;
	v2 =	vpop (erf)  }
0x273: {  	v62 =	vmul.f32 v2, v19;
	[tilespmem:s21+$0xFFFFFFF0] =	vst v3  }
0x274: {  	[tilespmem:s23+$0xFFFFFFF0] =	vst v1;
	v3 =	vpop (erf)  }
0x275: {  	[tilespmem:s21+$0x0] =	vst v62;
	v1 =	vmul.f32 v3, v17  }
0x276: {  	[tilespmem:s23+$0x0] =	vst v2;
	v63 =	vpop (erf)  }
0x277: {  	v2 =	vmul.f32 v63, v18;
	[tilespmem:s21+$0x10] =	vst v1  }
0x278: {  	[tilespmem:s23+$0x10] =	vst v3  }
0x279: {  	[tilespmem:s21+$0x20] =	vst v2  }
0x27a: {  	[tilespmem:s23+$0x20] =	vst v63  }
0x27b: {  	[spmem:s4] =	stream.indirect.scatter.add.f32 [tilespmem:s15], [sflag:$0x1], $0x1, s25, s29, $0xb8;
	[tilespmem:$0x12480] =	vst v63  }
0x27c: {  	_ = 	snop  }
0x27d: {  	[spmem:s5] =	stream.indirect.scatter.add.f32 [tilespmem:s17], [sflag:$0x1], $0x1, s25, s29, $0xb8;
	[tilespmem:$0x12480] =	vst v63  }
.LBB2_9:
0x27e: {  	s8 =	sadd.s32 $0x2, s7  }
0x27f: {  	_ =	swait.ge @!p4 [sflag:s18], $0x500;
	p3 =	sgt.u32 s8, s10  }
0x280: {  	[sflag:s18] =	ssyncset.done @!p4 $0x0;
	s8 =	sshll.u32 @!p3 s8, $0x4  }
0x281: {  	[sflag:s18] =	ssyncadd.s32 @!p4 $0xFFFFFB00;
	s8 =	sor.u32 @!p3 s0, s8  }
0x282: {  	s19 =	simm.s32 @!p3 $0x100;
	_ =	swait.ge @!p4 [sflag:s18], $0x500;
	s8 =	smul.u32 @!p3 $0x140, s8  }
.Ltmp17:
0x283: {  	s20 =	simm.s32 @!p3 $0xCD80;
	[sflag:s18] =	ssyncset.done @!p4 $0x0;
	(pc) =	sbr.rel @p2 .LBB2_13-.Ltmp17, $4  }
0x284: {  	[sflag:s18] =	ssyncadd.s32 @!p4 $0xFFFFFB00;
	s18 =	simm.s32 @!p3 $0x80;
	s9 =	sadd.s32 @!p3 s1, s8  }
0x285: {  	[tilespmem:s20], [sflag:$0x2] =	stream.strided.gather @!p3 [hbm4b:s9+s18], $0x500, s19, s18, $0x38;
	[tilespmem:$0x12480] =	vst v63  }
0x286: {  	s8 =	sadd.s32 @!p3 s8, s11;
	s9 =	simm.s32 @!p3 $0xDC80  }
0x287: {  	[tilespmem:s9], [sflag:$0x2] =	stream.strided.gather @!p3 [hbm4b:s8+s18], $0x500, s19, s18, $0x38;
	[tilespmem:$0x12480] =	vst v63  }
0x288: {  	_ =	swait.ge [sflag:s28], $0x500  }
0x289: {  	[sflag:s28] =	ssyncset.done $0x0  }
0x28a: {  	[sflag:s28] =	ssyncadd.s32 $0xFFFFFB00  }
0x28b: {  	_ =	swait.ge [sflag:s28], $0x500  }
0x28c: {  	[sflag:s28] =	ssyncset.done $0x0  }
0x28d: {  	s8 =	simm.s32 $0xD7C0;
	[sflag:s28] =	ssyncadd.s32 $0xFFFFFB00  }
0x28e: {  	v1 =	vld [tilespmem:s8+$0x30]  }
0x28f: {  	v2 =	vld [tilespmem:s8+$0xFFFFFFD0]  }
0x290: {  	v3 =	vld [tilespmem:s8+$0xFFFFFFE0]  }
0x291: {  	v4 =	vld [tilespmem:s8+$0xFFFFFFF0]  }
0x292: {  	v5 =	vld [tilespmem:s8+$0x0]  }
0x293: {  	v6 =	vld [tilespmem:s8+$0x10]  }
0x294: {  	v7 =	vld [tilespmem:s8+$0x20]  }
0x295: {  	v8 =	vld [tilespmem:s8+$0xFFFFFFC0]  }
0x296: {  	v1 =	vld.idx.msk [tilespmem:v1+s6+$0x0], $0xffff  }
0x297: {  	v9 =	vld.idx.msk [tilespmem:v2+s6+$0x0], $0xffff  }
0x298: {  	v17 =	vld.idx.msk [tilespmem:v3+s6+$0x0], $0xffff  }
0x299: {  	v18 =	vld.idx.msk [tilespmem:v4+s6+$0x0], $0xffff  }
0x29a: {  	v20 =	vld.idx.msk [tilespmem:v5+s6+$0x0], $0xffff  }
0x29b: {  	v21 =	vld.idx.msk [tilespmem:v6+s6+$0x0], $0xffff  }
0x29c: {  	v22 =	vld.idx.msk [tilespmem:v7+s6+$0x0], $0xffff  }
0x29d: {  	s23 =	simm.s32 $0xD840;
	v7 =	vld.idx.msk [tilespmem:v8+s6+$0x0], $0xffff  }
0x29e: {  	v3 =	vld [tilespmem:s23+$0x30];
	v2 =	vmul.f32 $5.000000000e+00, v1  }
0x29f: {  	v4 =	vld [tilespmem:s23+$0xFFFFFFD0]  }
0x2a0: {  	v10 =	vld [tilespmem:s23+$0x0];
	v2 =	vmul.f32 $1.442695020e+00, v2  }
0x2a1: {  	v5 =	vld [tilespmem:s23+$0xFFFFFFE0];
	v6 =	vmul.f32 $5.000000000e+00, v9;
	v8 =	vmul.f32 $5.000000000e+00, v17  }
0x2a2: {  	v11 =	vmul.f32 $5.000000000e+00, v18;
	(erf) = vpow2.f32 v2;
	v2 =	vld [tilespmem:s23+$0xFFFFFFF0]  }
0x2a3: {  	v12 =	vld [tilespmem:s23+$0x10];
	v13 =	vmul.f32 $5.000000000e+00, v20;
	v15 =	vmul.f32 $5.000000000e+00, v21  }
0x2a4: {  	v14 =	vld [tilespmem:s23+$0x20];
	v16 =	vmul.f32 $5.000000000e+00, v7;
	v6 =	vmul.f32 $1.442695020e+00, v6  }
0x2a5: {  	v19 =	vld [tilespmem:s23+$0xFFFFFFC0];
	v23 =	vmul.f32 $5.000000000e+00, v22;
	v8 =	vmul.f32 $1.442695020e+00, v8  }
0x2a6: {  	v24 =	vld.idx.msk [tilespmem:v3+s6+$0x0], $0xffff;
	v3 =	vmul.f32 $1.442695020e+00, v16;
	(erf) = vpow2.f32 v6  }
0x2a7: {  	s9 =	simm.s32 $0xD8C0;
	v11 =	vmul.f32 $1.442695020e+00, v11;
	v6 =	vld.idx.msk [tilespmem:v4+s6+$0x0], $0xffff;
	(erf) = vpow2.f32 v8  }
0x2a8: {  	v26 =	vld [tilespmem:s9+$0xFFFFFFF0];
	v13 =	vmul.f32 $1.442695020e+00, v13;
	(erf) = vpow2.f32 v3  }
0x2a9: {  	v5 =	vld.idx.msk [tilespmem:v5+s6+$0x0], $0xffff;
	v8 =	vmul.f32 $1.442695020e+00, v15;
	(erf) = vpow2.f32 v11  }
0x2aa: {  	v15 =	vmul.f32 $1.442695020e+00, v23;
	(erf) = vpow2.f32 v13;
	v3 =	vld.idx.msk [tilespmem:v2+s6+$0x0], $0xffff  }
0x2ab: {  	v4 =	vld.idx.msk [tilespmem:v10+s6+$0x0], $0xffff;
	(erf) = vpow2.f32 v8;
	v8 =	vmul.f32 $5.000000000e+00, v24  }
0x2ac: {  	v11 =	vmul.f32 $5.000000000e+00, v6;
	v2 =	vld.idx.msk [tilespmem:v12+s6+$0x0], $0xffff  }
0x2ad: {  	v10 =	vld.idx.msk [tilespmem:v19+s6+$0x0], $0xffff;
	(erf) = vpow2.f32 v15;
	v8 =	vmul.f32 $1.442695020e+00, v8;
	v16 =	vpop (erf)  }
0x2ae: {  	v12 =	vld [tilespmem:s9+$0x30];
	v15 =	vmul.f32 $1.442695020e+00, v11;
	v13 =	vmul.f32 v16, v1  }
0x2af: {  	v1 =	vld.idx.msk [tilespmem:v14+s6+$0x0], $0xffff;
	v14 =	vmul.f32 $5.000000000e+00, v5;
	v11 =	vmul.f32 $5.000000000e+00, v3  }
0x2b0: {  	v19 =	vld [tilespmem:s9+$0xFFFFFFD0];
	v25 =	vmul.f32 $5.000000000e+00, v4;
	(erf) = vpow2.f32 v8  }
0x2b1: {  	v23 =	vld [tilespmem:s9+$0xFFFFFFE0];
	v8 =	vmul.f32 $1.442695020e+00, v14;
	v14 =	vmul.f32 $5.000000000e+00, v2  }
0x2b2: {  	v31 =	vld [tilespmem:s9+$0x10];
	v32 =	vmul.f32 $5.000000000e+00, v10;
	v33 =	vmul.f32 $1.442695020e+00, v25;
	v27 =	vpop (erf)  }
0x2b3: {  	v28 =	vld [tilespmem:s9+$0x0];
	(erf) = vpow2.f32 v15;
	v29 =	vmul.f32 $1.442695020e+00, v11;
	v11 =	vpop (erf)  }
0x2b4: {  	v35 =	vld [tilespmem:s9+$0x20];
	v25 =	vmul.f32 $1.442695020e+00, v32;
	(erf) = vpow2.f32 v8;
	v34 =	vpop (erf)  }
0x2b5: {  	s8 =	simm.s32 $0xE6C0;
	v37 =	vld [tilespmem:s9+$0xFFFFFFC0];
	v30 =	vmul.f32 $5.000000000e+00, v1;
	v36 =	vmul.f32 $1.442695020e+00, v14;
	v14 =	vpop (erf)  }
0x2b6: {  	s9 =	simm.s32 $0xF5C0;
	v38 =	vmul.f32 v27, v9;
	[tilespmem:s8+$0x30] =	vst v13;
	v12 =	vld.idx.msk [tilespmem:v12+s6+$0x0], $0xffff;
	(erf) = vpow2.f32 v25;
	v15 =	vpop (erf)  }
0x2b7: {  	v9 =	vld.idx.msk [tilespmem:v26+s6+$0x0], $0xffff;
	[tilespmem:s9+$0x30] =	vst v16;
	v30 =	vmul.f32 $1.442695020e+00, v30;
	(erf) = vpow2.f32 v29;
	v16 =	vpop (erf)  }
0x2b8: {  	[tilespmem:s8+$0xFFFFFFD0] =	vst v38;
	v25 =	vmul.f32 v11, v17;
	v63 =	vmul.f32 v34, v7;
	v7 =	vld.idx.msk [tilespmem:v19+s6+$0x0], $0xffff;
	v13 =	vpop (erf)  }
0x2b9: {  	v8 =	vld.idx.msk [tilespmem:v23+s6+$0x0], $0xffff;
	[tilespmem:s9+$0xFFFFFFD0] =	vst v27;
	(erf) = vpow2.f32 v33;
	v23 =	vmul.f32 v14, v18;
	v29 =	vpop (erf)  }
0x2ba: {  	v17 =	vld.idx.msk [tilespmem:v31+s6+$0x0], $0xffff;
	[tilespmem:s8+$0xFFFFFFC0] =	vst v63;
	(erf) = vpow2.f32 v36;
	v26 =	vmul.f32 v29, v24  }
0x2bb: {  	s18 =	simm.s32 $0xE740;
	v19 =	vld.idx.msk [tilespmem:v28+s6+$0x0], $0xffff;
	v27 =	vmul.f32 $5.000000000e+00, v12;
	[tilespmem:s9+$0xFFFFFFC0] =	vst v34;
	(erf) = vpow2.f32 v30  }
0x2bc: {  	s19 =	simm.s32 $0xF640;
	v18 =	vld.idx.msk [tilespmem:v35+s6+$0x0], $0xffff;
	v21 =	vmul.f32 v16, v21;
	v22 =	vmul.f32 v13, v22;
	[tilespmem:s18+$0x30] =	vst v26  }
0x2bd: {  	s20 =	simm.s32 $0x100;
	s21 =	simm.s32 $0xD940;
	v24 =	vmul.f32 v15, v20;
	v20 =	vld.idx.msk [tilespmem:v37+s6+$0x0], $0xffff;
	v26 =	vmul.f32 $5.000000000e+00, v7;
	[tilespmem:s19+$0x30] =	vst v29  }
.LBB2_11:
0x2be: {  	v28 =	vld [tilespmem:s21+$0x30];
	v29 =	vmul.f32 $5.000000000e+00, v8;
	v36 =	vmul.f32 $1.442695020e+00, v27;
	v30 =	vpop (erf);
	[tilespmem:s8+$0xFFFFFFE0] =	vst v25  }
0x2bf: {  	s20 =	sadd.s32 $0x80, s20;
	v31 =	vmul.f32 $5.000000000e+00, v9;
	v25 =	vld [tilespmem:s21+$0xFFFFFFD0];
	v26 =	vmul.f32 $1.442695020e+00, v26;
	[tilespmem:s9+$0xFFFFFFE0] =	vst v11;
	v11 =	vpop (erf)  }
0x2c0: {  	p2 =	slt.u32 s20, $0x480;
	v33 =	vmul.f32 $5.000000000e+00, v19;
	v34 =	vmov v19;
	v32 =	vld [tilespmem:s21+$0xFFFFFFE0];
	(erf) = vpow2.f32 v36;
	v27 =	vpop (erf);
	[tilespmem:s8+$0xFFFFFFF0] =	vst v23  }
0x2c1: {  	v23 =	vmul.f32 $1.442695020e+00, v29;
	v29 =	vmul.f32 $5.000000000e+00, v17;
	v35 =	vmov v17;
	v19 =	vld [tilespmem:s21+$0xFFFFFFF0];
	[tilespmem:s9+$0xFFFFFFF0] =	vst v14;
	v14 =	vpop (erf)  }
0x2c2: {  	v31 =	vmul.f32 $1.442695020e+00, v31;
	v36 =	vmul.f32 $5.000000000e+00, v18;
	v38 =	vmov v18;
	v17 =	vld [tilespmem:s21+$0x0];
	v37 =	vpop (erf);
	[tilespmem:s8+$0x0] =	vst v24  }
0x2c3: {  	v33 =	vmul.f32 $1.442695020e+00, v33;
	v24 =	vmul.f32 $5.000000000e+00, v20;
	v18 =	vld [tilespmem:s21+$0x10];
	v39 =	vpop (erf);
	[tilespmem:s9+$0x0] =	vst v15;
	v15 =	vmov v37  }
0x2c4: {  	v29 =	vmul.f32 $1.442695020e+00, v29;
	v36 =	vmul.f32 $1.442695020e+00, v36;
	v37 =	vld [tilespmem:s21+$0x20];
	v40 =	vpop (erf);
	[tilespmem:s8+$0x10] =	vst v21  }
0x2c5: {  	v21 =	vmul.f32 $1.442695020e+00, v24;
	v41 =	vld [tilespmem:s21+$0xFFFFFFC0];
	(erf) = vpow2.f32 v26;
	[tilespmem:s9+$0x10] =	vst v16;
	v16 =	vmov v39  }
0x2c6: {  	v26 =	vld.idx.msk [tilespmem:v28+s6+$0x0], $0xffff;
	(erf) = vpow2.f32 v23;
	v23 =	vmul.f32 v27, v10;
	[tilespmem:s8+$0x20] =	vst v22;
	v10 =	vmov v20;
	s8 =	smov.u32 s18  }
0x2c7: {  	v20 =	vmul.f32 v30, v6;
	v6 =	vmovc v7;
	(erf) = vpow2.f32 v21;
	[tilespmem:s9+$0x20] =	vst v13;
	v13 =	vmov v40;
	v7 =	vld.idx.msk [tilespmem:v25+s6+$0x0], $0xffff;
	s9 =	smov.u32 s19  }
0x2c8: {  	v25 =	vmul.f32 v11, v5;
	v5 =	vmov v8;
	(erf) = vpow2.f32 v31;
	[tilespmem:s18+$0xFFFFFFC0] =	vst v23;
	v8 =	vld.idx.msk [tilespmem:v32+s6+$0x0], $0xffff  }
.Ltmp18:
0x2c9: {  	v23 =	vmul.f32 v14, v3;
	v3 =	vmov v9;
	(erf) = vpow2.f32 v33;
	v22 =	vpop (erf);
	[tilespmem:s19+$0xFFFFFFC0] =	vst v27;
	v9 =	vld.idx.msk [tilespmem:v19+s6+$0x0], $0xffff;
	(pc) =	sbr.rel @p2 .LBB2_11-.Ltmp18, $4  }
0x2ca: {  	v19 =	vld.idx.msk [tilespmem:v17+s6+$0x0], $0xffff;
	v28 =	vmul.f32 v22, v12;
	(erf) = vpow2.f32 v29;
	[tilespmem:s18+$0xFFFFFFD0] =	vst v20  }
0x2cb: {  	v24 =	vmul.f32 v15, v4;
	v4 =	vmov v34;
	s18 =	sadd.s32 $0x80, s18;
	v17 =	vld.idx.msk [tilespmem:v18+s6+$0x0], $0xffff;
	(erf) = vpow2.f32 v36;
	[tilespmem:s19+$0xFFFFFFD0] =	vst v30  }
0x2cc: {  	v21 =	vmul.f32 v16, v2;
	v2 =	vmovc v35;
	v27 =	vmul.f32 $5.000000000e+00, v26;
	s19 =	sadd.s32 $0x80, s19;
	v12 =	vmov v26;
	v18 =	vld.idx.msk [tilespmem:v37+s6+$0x0], $0xffff;
	[tilespmem:s18+$0x30] =	vst v28  }
0x2cd: {  	s21 =	sadd.s32 $0x80, s21;
	v26 =	vmul.f32 $5.000000000e+00, v7;
	v20 =	vld.idx.msk [tilespmem:v41+s6+$0x0], $0xffff;
	[tilespmem:s19+$0x30] =	vst v22;
	v22 =	vmul.f32 v13, v1;
	v1 =	vmov v38  }
0x2ce: {  	[tilespmem:s8+$0xFFFFFFE0] =	vst v25  }
0x2cf: {  	[tilespmem:s8+$0xFFFFFFF0] =	vst v23  }
0x2d0: {  	[tilespmem:s8+$0x0] =	vst v24  }
0x2d1: {  	[tilespmem:s8+$0x10] =	vst v21  }
0x2d2: {  	[tilespmem:s9+$0xFFFFFFE0] =	vst v11  }
0x2d3: {  	[tilespmem:s9+$0xFFFFFFF0] =	vst v14  }
0x2d4: {  	[tilespmem:s9+$0x0] =	vst v15  }
0x2d5: {  	v43 =	vpop (erf);
	[tilespmem:s9+$0x10] =	vst v16  }
0x2d6: {  	[tilespmem:s8+$0x20] =	vst v22;
	v6 =	vmul.f32 v43, v6  }
0x2d7: {  	v27 =	vmul.f32 $1.442695020e+00, v27;
	v44 =	vpop (erf);
	[tilespmem:s9+$0x20] =	vst v13  }
0x2d8: {  	v48 =	vmul.f32 $5.000000000e+00, v8;
	v45 =	vpop (erf);
	v5 =	vmul.f32 v44, v5;
	[tilespmem:s18+$0xFFFFFFD0] =	vst v6  }
0x2d9: {  	v51 =	vmul.f32 $1.442695020e+00, v26;
	v10 =	vmul.f32 v45, v10;
	[tilespmem:s19+$0xFFFFFFD0] =	vst v43  }
0x2da: {  	(erf) = vpow2.f32 v27;
	v53 =	vmul.f32 $1.442695020e+00, v48;
	[tilespmem:s18+$0xFFFFFFE0] =	vst v5  }
0x2db: {  	v46 =	vpop (erf);
	(erf) = vpow2.f32 v51;
	v49 =	vmul.f32 $5.000000000e+00, v20;
	[tilespmem:s18+$0xFFFFFFC0] =	vst v10  }
0x2dc: {  	v56 =	vmul.f32 $5.000000000e+00, v9;
	v3 =	vmul.f32 v46, v3;
	[tilespmem:s19+$0xFFFFFFE0] =	vst v44  }
0x2dd: {  	v47 =	vpop (erf);
	(erf) = vpow2.f32 v53;
	v54 =	vmul.f32 $1.442695020e+00, v49;
	[tilespmem:s19+$0xFFFFFFC0] =	vst v45  }
0x2de: {  	v4 =	vmul.f32 v47, v4;
	[tilespmem:s18+$0xFFFFFFF0] =	vst v3  }
0x2df: {  	v6 =	vmul.f32 $1.442695020e+00, v56;
	v50 =	vpop (erf);
	[tilespmem:s19+$0xFFFFFFF0] =	vst v46;
	(erf) = vpow2.f32 v54  }
0x2e0: {  	v57 =	vmul.f32 $5.000000000e+00, v19;
	v2 =	vmul.f32 v50, v2;
	[tilespmem:s18+$0x0] =	vst v4  }
0x2e1: {  	v52 =	vpop (erf);
	v3 =	vmul.f32 $5.000000000e+00, v17;
	[tilespmem:s19+$0x0] =	vst v47;
	(erf) = vpow2.f32 v6  }
0x2e2: {  	v5 =	vmul.f32 $1.442695020e+00, v57;
	v1 =	vmul.f32 v52, v1;
	[tilespmem:s18+$0x10] =	vst v2  }
0x2e3: {  	v58 =	vmul.f32 $5.000000000e+00, v18;
	v3 =	vmul.f32 $1.442695020e+00, v3;
	[tilespmem:s19+$0x10] =	vst v50;
	v55 =	vpop (erf)  }
0x2e4: {  	[tilespmem:s18+$0x20] =	vst v1;
	v12 =	vmul.f32 v55, v12;
	v59 =	vpop (erf);
	(erf) = vpow2.f32 v5  }
0x2e5: {  	s21 =	sadd.s32 $0x80, s18;
	v2 =	vmul.f32 $1.442695020e+00, v58;
	[tilespmem:s19+$0x20] =	vst v52  }
0x2e6: {  	s23 =	sadd.s32 $0x80, s19;
	v60 =	vpop (erf);
	(erf) = vpow2.f32 v3;
	v1 =	vmul.f32 v59, v7;
	[tilespmem:s21+$0x30] =	vst v12  }
0x2e7: {  	[tilespmem:s23+$0x30] =	vst v55  }
0x2e8: {  	[tilespmem:s21+$0xFFFFFFD0] =	vst v1;
	v61 =	vpop (erf);
	(erf) = vpow2.f32 v2;
	v2 =	vmul.f32 v60, v8  }
0x2e9: {  	[tilespmem:s23+$0xFFFFFFD0] =	vst v59;
	v3 =	vmul.f32 v61, v20  }
0x2ea: {  	v1 =	vpop (erf);
	[tilespmem:s21+$0xFFFFFFE0] =	vst v2  }
0x2eb: {  	[tilespmem:s21+$0xFFFFFFC0] =	vst v3;
	v3 =	vmul.f32 v1, v9  }
0x2ec: {  	[tilespmem:s23+$0xFFFFFFE0] =	vst v60  }
0x2ed: {  	[tilespmem:s23+$0xFFFFFFC0] =	vst v61;
	v2 =	vpop (erf)  }
0x2ee: {  	v62 =	vmul.f32 v2, v19;
	[tilespmem:s21+$0xFFFFFFF0] =	vst v3  }
0x2ef: {  	[tilespmem:s23+$0xFFFFFFF0] =	vst v1;
	v3 =	vpop (erf)  }
0x2f0: {  	[tilespmem:s21+$0x0] =	vst v62;
	v1 =	vmul.f32 v3, v17  }
0x2f1: {  	[tilespmem:s23+$0x0] =	vst v2;
	v63 =	vpop (erf)  }
0x2f2: {  	v2 =	vmul.f32 v63, v18;
	[tilespmem:s21+$0x10] =	vst v1  }
0x2f3: {  	[tilespmem:s23+$0x10] =	vst v3  }
0x2f4: {  	[tilespmem:s21+$0x20] =	vst v2  }
0x2f5: {  	[tilespmem:s23+$0x20] =	vst v63  }
0x2f6: {  	[spmem:s4] =	stream.indirect.scatter.add.f32 [tilespmem:s31], [sflag:$0x1], $0x1, s30, s29, $0xb8;
	[tilespmem:$0x12480] =	vst v63  }
0x2f7: {  	_ = 	snop  }
0x2f8: {  	[spmem:s5] =	stream.indirect.scatter.add.f32 [tilespmem:s3], [sflag:$0x1], $0x1, s30, s29, $0xb8;
	[tilespmem:$0x12480] =	vst v63  }
.LBB2_13:
0x2f9: {  	s8 =	simm.s32 @!p1 $0x1;
	s7 =	sadd.s32 $0x3, s7  }
0x2fa: {  	_ =	swait.ge @!p1 [sflag:s8], $0x500;
	p2 =	sgt.u32 s7, s10  }
0x2fb: {  	[sflag:s8] =	ssyncset.done @!p1 $0x0;
	s7 =	sshll.u32 @!p2 s7, $0x4  }
0x2fc: {  	[sflag:s8] =	ssyncadd.s32 @!p1 $0xFFFFFB00;
	s7 =	sor.u32 @!p2 s0, s7  }
0x2fd: {  	s9 =	simm.s32 @!p2 $0x80;
	_ =	swait.ge @!p1 [sflag:s8], $0x500;
	s7 =	smul.u32 @!p2 $0x140, s7  }
.Ltmp19:
0x2fe: {  	s18 =	simm.s32 @!p2 $0x100;
	[sflag:s8] =	ssyncset.done @!p1 $0x0;
	(pc) =	sbr.rel @p3 .LBB2_17-.Ltmp19, $4  }
0x2ff: {  	s19 =	simm.s32 @!p2 $0xC380;
	[sflag:s8] =	ssyncadd.s32 @!p1 $0xFFFFFB00;
	s8 =	sadd.s32 @!p2 s1, s7  }
0x300: {  	[tilespmem:s19], [sflag:$0x2] =	stream.strided.gather @!p2 [hbm4b:s8+s9], $0x500, s18, s9, $0x38;
	[tilespmem:$0x12480] =	vst v63  }
0x301: {  	s7 =	sadd.s32 @!p2 s7, s11;
	s8 =	simm.s32 @!p2 $0xD280  }
0x302: {  	[tilespmem:s8], [sflag:$0x2] =	stream.strided.gather @!p2 [hbm4b:s7+s9], $0x500, s18, s9, $0x38;
	[tilespmem:$0x12480] =	vst v63  }
0x303: {  	_ =	swait.ge [sflag:s28], $0x500  }
0x304: {  	[sflag:s28] =	ssyncset.done $0x0  }
0x305: {  	[sflag:s28] =	ssyncadd.s32 $0xFFFFFB00  }
0x306: {  	_ =	swait.ge [sflag:s28], $0x500  }
0x307: {  	[sflag:s28] =	ssyncset.done $0x0  }
0x308: {  	s7 =	simm.s32 $0xDCC0;
	[sflag:s28] =	ssyncadd.s32 $0xFFFFFB00  }
0x309: {  	v1 =	vld [tilespmem:s7+$0x30]  }
0x30a: {  	v2 =	vld [tilespmem:s7+$0xFFFFFFD0]  }
0x30b: {  	v3 =	vld [tilespmem:s7+$0xFFFFFFE0]  }
0x30c: {  	v4 =	vld [tilespmem:s7+$0xFFFFFFF0]  }
0x30d: {  	v5 =	vld [tilespmem:s7+$0x0]  }
0x30e: {  	v6 =	vld [tilespmem:s7+$0x10]  }
0x30f: {  	v7 =	vld [tilespmem:s7+$0x20]  }
0x310: {  	v8 =	vld [tilespmem:s7+$0xFFFFFFC0]  }
0x311: {  	v1 =	vld.idx.msk [tilespmem:v1+s6+$0x0], $0xffff  }
0x312: {  	v9 =	vld.idx.msk [tilespmem:v2+s6+$0x0], $0xffff  }
0x313: {  	v17 =	vld.idx.msk [tilespmem:v3+s6+$0x0], $0xffff  }
0x314: {  	v18 =	vld.idx.msk [tilespmem:v4+s6+$0x0], $0xffff  }
0x315: {  	v20 =	vld.idx.msk [tilespmem:v5+s6+$0x0], $0xffff  }
0x316: {  	v21 =	vld.idx.msk [tilespmem:v6+s6+$0x0], $0xffff  }
0x317: {  	v22 =	vld.idx.msk [tilespmem:v7+s6+$0x0], $0xffff  }
0x318: {  	s21 =	simm.s32 $0xDD40;
	v7 =	vld.idx.msk [tilespmem:v8+s6+$0x0], $0xffff  }
0x319: {  	v3 =	vld [tilespmem:s21+$0x30];
	v2 =	vmul.f32 $5.000000000e+00, v1  }
0x31a: {  	v4 =	vld [tilespmem:s21+$0xFFFFFFD0]  }
0x31b: {  	v10 =	vld [tilespmem:s21+$0x0];
	v2 =	vmul.f32 $1.442695020e+00, v2  }
0x31c: {  	v5 =	vld [tilespmem:s21+$0xFFFFFFE0];
	v6 =	vmul.f32 $5.000000000e+00, v9;
	v8 =	vmul.f32 $5.000000000e+00, v17  }
0x31d: {  	v11 =	vmul.f32 $5.000000000e+00, v18;
	(erf) = vpow2.f32 v2;
	v2 =	vld [tilespmem:s21+$0xFFFFFFF0]  }
0x31e: {  	v12 =	vld [tilespmem:s21+$0x10];
	v13 =	vmul.f32 $5.000000000e+00, v20;
	v15 =	vmul.f32 $5.000000000e+00, v21  }
0x31f: {  	v14 =	vld [tilespmem:s21+$0x20];
	v16 =	vmul.f32 $5.000000000e+00, v7;
	v6 =	vmul.f32 $1.442695020e+00, v6  }
0x320: {  	v19 =	vld [tilespmem:s21+$0xFFFFFFC0];
	v23 =	vmul.f32 $5.000000000e+00, v22;
	v8 =	vmul.f32 $1.442695020e+00, v8  }
0x321: {  	v24 =	vld.idx.msk [tilespmem:v3+s6+$0x0], $0xffff;
	v3 =	vmul.f32 $1.442695020e+00, v16;
	(erf) = vpow2.f32 v6  }
0x322: {  	s23 =	simm.s32 $0xDDC0;
	v11 =	vmul.f32 $1.442695020e+00, v11;
	v6 =	vld.idx.msk [tilespmem:v4+s6+$0x0], $0xffff;
	(erf) = vpow2.f32 v8  }
0x323: {  	v26 =	vld [tilespmem:s23+$0xFFFFFFF0];
	v13 =	vmul.f32 $1.442695020e+00, v13;
	(erf) = vpow2.f32 v3  }
0x324: {  	v5 =	vld.idx.msk [tilespmem:v5+s6+$0x0], $0xffff;
	v8 =	vmul.f32 $1.442695020e+00, v15;
	(erf) = vpow2.f32 v11  }
0x325: {  	v15 =	vmul.f32 $1.442695020e+00, v23;
	(erf) = vpow2.f32 v13;
	v3 =	vld.idx.msk [tilespmem:v2+s6+$0x0], $0xffff  }
0x326: {  	v4 =	vld.idx.msk [tilespmem:v10+s6+$0x0], $0xffff;
	(erf) = vpow2.f32 v8;
	v8 =	vmul.f32 $5.000000000e+00, v24  }
0x327: {  	v11 =	vmul.f32 $5.000000000e+00, v6;
	v2 =	vld.idx.msk [tilespmem:v12+s6+$0x0], $0xffff  }
0x328: {  	v10 =	vld.idx.msk [tilespmem:v19+s6+$0x0], $0xffff;
	(erf) = vpow2.f32 v15;
	v8 =	vmul.f32 $1.442695020e+00, v8;
	v16 =	vpop (erf)  }
0x329: {  	v12 =	vld [tilespmem:s23+$0x30];
	v15 =	vmul.f32 $1.442695020e+00, v11;
	v13 =	vmul.f32 v16, v1  }
0x32a: {  	v1 =	vld.idx.msk [tilespmem:v14+s6+$0x0], $0xffff;
	v14 =	vmul.f32 $5.000000000e+00, v5;
	v11 =	vmul.f32 $5.000000000e+00, v3  }
0x32b: {  	v19 =	vld [tilespmem:s23+$0xFFFFFFD0];
	v25 =	vmul.f32 $5.000000000e+00, v4;
	(erf) = vpow2.f32 v8  }
0x32c: {  	v23 =	vld [tilespmem:s23+$0xFFFFFFE0];
	v8 =	vmul.f32 $1.442695020e+00, v14;
	v14 =	vmul.f32 $5.000000000e+00, v2  }
0x32d: {  	v31 =	vld [tilespmem:s23+$0x10];
	v32 =	vmul.f32 $5.000000000e+00, v10;
	v33 =	vmul.f32 $1.442695020e+00, v25;
	v27 =	vpop (erf)  }
0x32e: {  	v28 =	vld [tilespmem:s23+$0x0];
	(erf) = vpow2.f32 v15;
	v29 =	vmul.f32 $1.442695020e+00, v11;
	v11 =	vpop (erf)  }
0x32f: {  	v35 =	vld [tilespmem:s23+$0x20];
	v25 =	vmul.f32 $1.442695020e+00, v32;
	(erf) = vpow2.f32 v8;
	v34 =	vpop (erf)  }
0x330: {  	s8 =	simm.s32 $0xEBC0;
	v37 =	vld [tilespmem:s23+$0xFFFFFFC0];
	v30 =	vmul.f32 $5.000000000e+00, v1;
	v36 =	vmul.f32 $1.442695020e+00, v14;
	v14 =	vpop (erf)  }
0x331: {  	s9 =	simm.s32 $0xFAC0;
	v38 =	vmul.f32 v27, v9;
	[tilespmem:s8+$0x30] =	vst v13;
	v12 =	vld.idx.msk [tilespmem:v12+s6+$0x0], $0xffff;
	(erf) = vpow2.f32 v25;
	v15 =	vpop (erf)  }
0x332: {  	v9 =	vld.idx.msk [tilespmem:v26+s6+$0x0], $0xffff;
	[tilespmem:s9+$0x30] =	vst v16;
	v30 =	vmul.f32 $1.442695020e+00, v30;
	(erf) = vpow2.f32 v29;
	v16 =	vpop (erf)  }
0x333: {  	[tilespmem:s8+$0xFFFFFFD0] =	vst v38;
	v25 =	vmul.f32 v11, v17;
	v63 =	vmul.f32 v34, v7;
	v7 =	vld.idx.msk [tilespmem:v19+s6+$0x0], $0xffff;
	v13 =	vpop (erf)  }
0x334: {  	v8 =	vld.idx.msk [tilespmem:v23+s6+$0x0], $0xffff;
	[tilespmem:s9+$0xFFFFFFD0] =	vst v27;
	(erf) = vpow2.f32 v33;
	v23 =	vmul.f32 v14, v18;
	v29 =	vpop (erf)  }
0x335: {  	v17 =	vld.idx.msk [tilespmem:v31+s6+$0x0], $0xffff;
	[tilespmem:s8+$0xFFFFFFC0] =	vst v63;
	(erf) = vpow2.f32 v36;
	v26 =	vmul.f32 v29, v24  }
0x336: {  	s7 =	simm.s32 $0xEC40;
	v19 =	vld.idx.msk [tilespmem:v28+s6+$0x0], $0xffff;
	v27 =	vmul.f32 $5.000000000e+00, v12;
	[tilespmem:s9+$0xFFFFFFC0] =	vst v34;
	(erf) = vpow2.f32 v30  }
0x337: {  	s18 =	simm.s32 $0xFB40;
	v18 =	vld.idx.msk [tilespmem:v35+s6+$0x0], $0xffff;
	v21 =	vmul.f32 v16, v21;
	v22 =	vmul.f32 v13, v22;
	[tilespmem:s7+$0x30] =	vst v26  }
0x338: {  	s19 =	simm.s32 $0x100;
	s20 =	simm.s32 $0xDE40;
	v24 =	vmul.f32 v15, v20;
	v20 =	vld.idx.msk [tilespmem:v37+s6+$0x0], $0xffff;
	v26 =	vmul.f32 $5.000000000e+00, v7;
	[tilespmem:s18+$0x30] =	vst v29  }
.LBB2_15:
0x339: {  	v28 =	vld [tilespmem:s20+$0x30];
	v29 =	vmul.f32 $5.000000000e+00, v8;
	v36 =	vmul.f32 $1.442695020e+00, v27;
	v30 =	vpop (erf);
	[tilespmem:s8+$0xFFFFFFE0] =	vst v25  }
0x33a: {  	s19 =	sadd.s32 $0x80, s19;
	v26 =	vmul.f32 $1.442695020e+00, v26;
	v31 =	vmul.f32 $5.000000000e+00, v9;
	v25 =	vld [tilespmem:s20+$0xFFFFFFD0];
	[tilespmem:s9+$0xFFFFFFE0] =	vst v11;
	v11 =	vpop (erf)  }
0x33b: {  	v33 =	vmul.f32 $5.000000000e+00, v19;
	v34 =	vmov v19;
	p1 =	slt.u32 s19, $0x480;
	v32 =	vld [tilespmem:s20+$0xFFFFFFE0];
	(erf) = vpow2.f32 v36;
	v27 =	vpop (erf);
	[tilespmem:s8+$0xFFFFFFF0] =	vst v23  }
0x33c: {  	v35 =	vmov v17;
	v23 =	vmul.f32 $1.442695020e+00, v29;
	v29 =	vmul.f32 $5.000000000e+00, v17;
	v19 =	vld [tilespmem:s20+$0xFFFFFFF0];
	[tilespmem:s9+$0xFFFFFFF0] =	vst v14;
	v14 =	vpop (erf)  }
0x33d: {  	v38 =	vmov v18;
	v31 =	vmul.f32 $1.442695020e+00, v31;
	v36 =	vmul.f32 $5.000000000e+00, v18;
	v17 =	vld [tilespmem:s20+$0x0];
	v37 =	vpop (erf);
	[tilespmem:s8+$0x0] =	vst v24  }
0x33e: {  	v33 =	vmul.f32 $1.442695020e+00, v33;
	v24 =	vmul.f32 $5.000000000e+00, v20;
	v18 =	vld [tilespmem:s20+$0x10];
	v39 =	vpop (erf);
	[tilespmem:s9+$0x0] =	vst v15;
	v15 =	vmov v37  }
0x33f: {  	v29 =	vmul.f32 $1.442695020e+00, v29;
	v36 =	vmul.f32 $1.442695020e+00, v36;
	v37 =	vld [tilespmem:s20+$0x20];
	v40 =	vpop (erf);
	[tilespmem:s8+$0x10] =	vst v21  }
0x340: {  	v21 =	vmul.f32 $1.442695020e+00, v24;
	v41 =	vld [tilespmem:s20+$0xFFFFFFC0];
	(erf) = vpow2.f32 v26;
	[tilespmem:s9+$0x10] =	vst v16;
	v16 =	vmov v39  }
0x341: {  	v26 =	vld.idx.msk [tilespmem:v28+s6+$0x0], $0xffff;
	(erf) = vpow2.f32 v23;
	v23 =	vmul.f32 v27, v10;
	[tilespmem:s8+$0x20] =	vst v22;
	v10 =	vmov v20;
	s8 =	smov.u32 s7  }
0x342: {  	v20 =	vmul.f32 v30, v6;
	v6 =	vmovc v7;
	(erf) = vpow2.f32 v21;
	[tilespmem:s9+$0x20] =	vst v13;
	v13 =	vmov v40;
	v7 =	vld.idx.msk [tilespmem:v25+s6+$0x0], $0xffff;
	s9 =	smov.u32 s18  }
0x343: {  	v25 =	vmul.f32 v11, v5;
	v5 =	vmov v8;
	(erf) = vpow2.f32 v31;
	[tilespmem:s7+$0xFFFFFFC0] =	vst v23;
	v8 =	vld.idx.msk [tilespmem:v32+s6+$0x0], $0xffff  }
.Ltmp20:
0x344: {  	v23 =	vmul.f32 v14, v3;
	v3 =	vmov v9;
	(erf) = vpow2.f32 v33;
	v22 =	vpop (erf);
	[tilespmem:s18+$0xFFFFFFC0] =	vst v27;
	v9 =	vld.idx.msk [tilespmem:v19+s6+$0x0], $0xffff;
	(pc) =	sbr.rel @p1 .LBB2_15-.Ltmp20, $4  }
0x345: {  	v19 =	vld.idx.msk [tilespmem:v17+s6+$0x0], $0xffff;
	v28 =	vmul.f32 v22, v12;
	(erf) = vpow2.f32 v29;
	[tilespmem:s7+$0xFFFFFFD0] =	vst v20  }
0x346: {  	v24 =	vmul.f32 v15, v4;
	v4 =	vmov v34;
	s7 =	sadd.s32 $0x80, s7;
	v17 =	vld.idx.msk [tilespmem:v18+s6+$0x0], $0xffff;
	(erf) = vpow2.f32 v36;
	[tilespmem:s18+$0xFFFFFFD0] =	vst v30  }
0x347: {  	v21 =	vmul.f32 v16, v2;
	v2 =	vmovc v35;
	v27 =	vmul.f32 $5.000000000e+00, v26;
	s18 =	sadd.s32 $0x80, s18;
	v12 =	vmov v26;
	v18 =	vld.idx.msk [tilespmem:v37+s6+$0x0], $0xffff;
	[tilespmem:s7+$0x30] =	vst v28  }
0x348: {  	s20 =	sadd.s32 $0x80, s20;
	v26 =	vmul.f32 $5.000000000e+00, v7;
	v20 =	vld.idx.msk [tilespmem:v41+s6+$0x0], $0xffff;
	[tilespmem:s18+$0x30] =	vst v22;
	v22 =	vmul.f32 v13, v1;
	v1 =	vmov v38  }
.Ltmp21:
0x349: {  	_ = 	snop;
	(pc) =	sbr.rel .LBB2_16-.Ltmp21, $1  }
0x34a: {  	_ =	sdelay $0x3  }
.LBB2_33:
0x34b: {  	_ =	sfence.sel $0x180000  }
0x34c: {  	[bflag:$0x0] =	sbarrier.arrive $0xFFFF  }
0x34d: {  	_ =	strace $0x90000047  }
0x34e: {  	[bflag:$0x2] =	sbarrier.arrive $0xFFFF  }
0x34f: {  	p0 =	sne.s32 s0, $0x0;
	s0 =	rddreg [dreg:$0x5]  }
0x350: {  	s0 =	sadd.s32 @!p0 $0x100000, s0  }
0x351: {  	[sflag:s0] =	ssyncadd.tile.s32 @!p0 $0x1;
	_ =	shalt  }
.Lfunc_end2:
_tile_overlayer_lowered:
.L_overlay_start_2:
0x352: {  	(tag) =	ssettag $0x2  }
0x353: {  	s0 =	rddreg [dreg:$0x0];
	s2 =	stileid.u32  }
0x354: {  	s1 =	rddreg [dreg:$0x1];
	p0 =	sne.s32 s2, $0x0  }
0x355: {  	s3 =	rddreg [dreg:$0x2];
	[bflag:$0x3] =	sbarrier.arrive $0xFFFF;
	s2 =	simm.s32 @!p0 $0x1C03  }
0x356: {  	[timem:s3], [sflag:s2] =	dma.local @!p0 [hbm:s0], s1  }
0x357: {  	s0 =	simm.s32 @!p0 $0x3  }
0x358: {  	_ =	swait.ge @!p0 [sflag:s0], s1  }
0x359: {  	s1 =	ssub.s32 @!p0 $0x0, s1;
	[sflag:s0] =	ssyncset.done @!p0 $0x0  }
0x35a: {  	[sflag:s0] =	ssyncadd.s32 @!p0 s1  }
0x35b: {  	[bflag:$0x3] =	sbarrier.arrive $0xFFFF  }
0x35c: {  	_ =	shalt  }

</sc_bundles>
